<compile_context>
chip_gen: v7x
topology: tpu7x:2x2x1
jax: 0.10.2.dev20260603
libtpu: 0.0.44.dev20260713+nightly
codegen_flags: <defaults>
</compile_context>

<pallas_src>
import functools

import numpy as np
import jax
import jax.numpy as jnp
from jax import lax
from jax.experimental import pallas as pl
from jax.experimental.pallas import tpu as pltpu
from jax.experimental.pallas import tpu_sc as plsc

_D = 256
_NH = 8
_NL = 4
_NP = 4
_HD = _D // _NH
_NPTS = _NL * _NP
_NK = _NPTS * 4
_SPATIAL = [(64, 64), (32, 32), (16, 16), (8, 8)]
_STARTS = [0, 4096, 5120, 5376]
_LEN = 5440
_B = 2
_LQ = 5440

_RB = 544
_NRB = _LQ // _RB

_CHQ = 160
_FL = 4
_QHALF = _LQ // 2
_NCH = _QHALF // _CHQ



def _t1_body(x_ref, w_ref, b_ref, out_ref):
    v = jnp.dot(x_ref[0].astype(jnp.bfloat16), w_ref[...].astype(jnp.bfloat16),
                preferred_element_type=jnp.float32)
    v = v + b_ref[...]
    lo = v[:, :128]
    hi = v[:, 128:]
    bl = lax.bitcast_convert_type(lo, jnp.int32)
    bh = lax.bitcast_convert_type(hi, jnp.int32)
    mask = jnp.int32(-65536)
    sh16 = jnp.full(bl.shape, 16, jnp.int32)
    rl = (bl + 32768) & mask
    rh = (bh + 32768) & mask
    word = rh | lax.shift_right_logical(rl, sh16)
    for h in range(_NH):
        out_ref[0, h, :, :] = word[:, h * 16:(h + 1) * 16]


def _t1(input_flatten, w_perm_t, b_perm):
    return pl.pallas_call(
        _t1_body,
        grid=(_B, _LEN // _RB),
        in_specs=[
            pl.BlockSpec((1, _RB, _D), lambda b, r: (b, r, 0)),
            pl.BlockSpec((_D, _D), lambda b, r: (0, 0)),
            pl.BlockSpec((1, _D), lambda b, r: (0, 0)),
        ],
        out_specs=pl.BlockSpec((1, _NH, _RB, 16), lambda b, r: (b, 0, r, 0)),
        out_shape=jax.ShapeDtypeStruct((_B, _NH, _LEN, 16), jnp.int32),
    )(input_flatten, w_perm_t, b_perm)



def _t2_body(q_ref, rp_ref, wc_ref, bc_ref, sc_ref, g_ref,
             scale_ref, maxc_ref, sl_ref, wl_ref, idx_ref, wt_ref):
    m = jnp.dot(q_ref[0].astype(jnp.bfloat16), wc_ref[...].astype(jnp.bfloat16),
                preferred_element_type=jnp.float32)
    m = m + bc_ref[...]
    rpb = jax.lax.dot_general(rp_ref[0], sc_ref[...],
                              (((1,), (0,)), ((), ())),
                              precision=jax.lax.Precision.HIGHEST,
                              preferred_element_type=jnp.float32)
    xy = m[:, :256] + rpb
    logits = m[:, 256:]

    loc = jnp.clip(xy, 0.0, 1.0) * scale_ref[...] - 0.5
    t0 = jnp.floor(loc)
    c0 = jnp.clip(t0, 0.0, maxc_ref[...])
    c1 = jnp.clip(t0 + 1.0, 0.0, maxc_ref[...])
    wa = c1 - loc
    wb = loc - c0

    x0 = c0[:, :128]
    y0 = c0[:, 128:]
    x1 = c1[:, :128]
    y1 = c1[:, 128:]
    ax = wa[:, :128]
    ay = wa[:, 128:]
    bx = wb[:, :128]
    by = wb[:, 128:]

    mx = jnp.max(logits, axis=-1, keepdims=True)
    e = jnp.exp(logits - mx)
    gs = jnp.dot(e, g_ref[...], preferred_element_type=jnp.float32)
    aw = e / gs

    sl = sl_ref[...]
    wl = wl_ref[...]
    ra = (sl + y0 * wl + x0) * 16.0
    rb = (sl + y1 * wl + x0) * 16.0
    rc = (sl + y0 * wl + x1) * 16.0
    rd = (sl + y1 * wl + x1) * 16.0
    pa = ax * ay * aw
    pb = ax * by * aw
    pc = bx * ay * aw
    pd = bx * by * aw

    corners = [(ra, pa), (rb, pb), (rc, pc), (rd, pd)]
    for h in range(_NH):
        s = slice(h * 16, (h + 1) * 16)
        for ci, (r, p) in enumerate(corners):
            idx_ref[0, h, :, ci * 16:(ci + 1) * 16] = r[:, s].astype(jnp.int32)
            wt_ref[0, h, :, ci * 16:(ci + 1) * 16] = p[:, s]


def _t2(query, rp_flat, wc, bc, sc, g, scale, maxc, sl, wl):
    return pl.pallas_call(
        _t2_body,
        grid=(_B, _NRB),
        in_specs=[
            pl.BlockSpec((1, _RB, _D), lambda b, r: (b, r, 0)),
            pl.BlockSpec((1, _RB, 8), lambda b, r: (b, r, 0)),
            pl.BlockSpec((_D, 384), lambda b, r: (0, 0)),
            pl.BlockSpec((1, 384), lambda b, r: (0, 0)),
            pl.BlockSpec((8, 256), lambda b, r: (0, 0)),
            pl.BlockSpec((128, 128), lambda b, r: (0, 0)),
            pl.BlockSpec((1, 256), lambda b, r: (0, 0)),
            pl.BlockSpec((1, 256), lambda b, r: (0, 0)),
            pl.BlockSpec((1, 128), lambda b, r: (0, 0)),
            pl.BlockSpec((1, 128), lambda b, r: (0, 0)),
        ],
        out_specs=[
            pl.BlockSpec((1, _NH, _RB, _NK), lambda b, r: (b, 0, r, 0)),
            pl.BlockSpec((1, _NH, _RB, _NK), lambda b, r: (b, 0, r, 0)),
        ],
        out_shape=[
            jax.ShapeDtypeStruct((_B, _NH, _LQ, _NK), jnp.int32),
            jax.ShapeDtypeStruct((_B, _NH, _LQ, _NK), jnp.float32),
        ],
    )(query, rp_flat, wc, bc, sc, g, scale, maxc, sl, wl)



def _sc_body(tbl, idx, wt, out, tblv, idxv, wtv, outv):
    c = lax.axis_index("core")
    s = lax.axis_index("sub")
    b = c
    h = s // 2
    half = s % 2

    pltpu.sync_copy(tbl.at[b, h], tblv)

    iota16 = lax.iota(jnp.int32, 16)
    sh16 = jnp.full((16,), 16, jnp.int32)
    mask_hi = jnp.full((16,), -65536, jnp.int32)
    half_ulp = jnp.full((16,), 32768, jnp.int32)
    zf32 = jnp.zeros((16,), jnp.float32)
    zi32 = jnp.zeros((16,), jnp.int32)
    rots = [(iota16 + j) & 15 for j in range(16)]

    rots8 = [(iota16 + j) & 7 for j in range(8)]

    def chunk_body(ch, carry):
        qs = half * _QHALF + ch * _CHQ
        pltpu.sync_copy(idx.at[b, h, pl.ds(qs * _NK, _CHQ * _NK)], idxv)
        pltpu.sync_copy(wt.at[b, h, pl.ds(qs * _NK, _CHQ * _NK)], wtv)

        def qb_body(qb, carry2):
            qv = iota16 + qb * 16
            qv64 = qv * _NK
            for d in range(_HD):
                plsc.store_scatter(outv, [qv, zi32 + d], zf32)

            def kg_body(kg, carry3):
                kbase = kg * 8
                addrs = [qv64 + (rots8[j] + kbase) for j in range(8)]
                idxrs = [plsc.load_gather(idxv, [a]) for a in addrs]
                wtrs = [plsc.load_gather(wtv, [a]) for a in addrs]
                wtbs = []
                for w in wtrs:
                    wbits = plsc.bitcast(w, jnp.int32)
                    r = (wbits + half_ulp) & mask_hi
                    word = r | lax.shift_right_logical(r, sh16)
                    wtbs.append(plsc.bitcast(word, jnp.bfloat16))
                for grp in range(2):
                    acc = [None] * 16
                    for jj in range(_FL):
                        j = grp * _FL + jj
                        wvs = [plsc.load_gather(tblv, [idxrs[j] + rots[s]])
                               for s in range(16)]
                        for s in range(16):
                            t = wtbs[j] * plsc.bitcast(wvs[s], jnp.bfloat16)
                            acc[s] = t if jj == 0 else acc[s] + t
                    for s in range(16):
                        u = plsc.bitcast(acc[s], jnp.int32)
                        fhi = plsc.bitcast(u & mask_hi, jnp.float32)
                        flo = plsc.bitcast(lax.shift_left(u, sh16),
                                           jnp.float32)
                        col = rots[s] + rots[s]
                        plsc.addupdate_scatter(outv, [qv, col], flo)
                        plsc.addupdate_scatter(outv, [qv, col + 1], fhi)
                return carry3

            lax.fori_loop(0, _NK // 8, kg_body, 0)
            return carry2

        lax.fori_loop(0, _CHQ // 16, qb_body, 0)
        pltpu.sync_copy(outv, out.at[b, h, pl.ds(qs, _CHQ)])
        return carry

    lax.fori_loop(0, _NCH, chunk_body, 0)


@functools.cache
def _sc_sample():
    return pl.kernel(
        _sc_body,
        out_type=jax.ShapeDtypeStruct((_B, _NH, _LQ, 33), jnp.float32),
        mesh=plsc.VectorSubcoreMesh(core_axis_name="core",
                                    subcore_axis_name="sub",
                                    num_cores=2, num_subcores=16),
        compiler_params=pltpu.CompilerParams(needs_layout_passes=False),
        scratch_types=[
            pltpu.VMEM((_LEN * 16,), jnp.int32),
            pltpu.VMEM((_CHQ * _NK,), jnp.int32),
            pltpu.VMEM((_CHQ * _NK,), jnp.float32),
            pltpu.VMEM((_CHQ, 33), jnp.float32),
        ],
    )



def _t3_body(s_ref, w_ref, b_ref, out_ref):
    h = pl.program_id(2)
    acc = jnp.dot(s_ref[0, 0, :, :_HD].astype(jnp.bfloat16),
                  w_ref[...].astype(jnp.bfloat16),
                  preferred_element_type=jnp.float32)

    @pl.when(h == 0)
    def _():
        out_ref[0] = acc + b_ref[...]

    @pl.when(h != 0)
    def _():
        out_ref[0] = out_ref[0] + acc


def _t3(sampled, wo_t, b_o):
    return pl.pallas_call(
        _t3_body,
        grid=(_B, _NRB, _NH),
        in_specs=[
            pl.BlockSpec((1, 1, _RB, 33), lambda b, r, h: (b, h, r, 0)),
            pl.BlockSpec((_HD, _D), lambda b, r, h: (h, 0)),
            pl.BlockSpec((1, _D), lambda b, r, h: (0, 0)),
        ],
        out_specs=pl.BlockSpec((1, _RB, _D), lambda b, r, h: (b, r, 0)),
        out_shape=jax.ShapeDtypeStruct((_B, _LQ, _D), jnp.float32),
    )(sampled, wo_t, b_o.reshape(1, _D))



def _consts():
    perm = np.empty((256,), np.int64)
    for half in range(2):
        for h in range(_NH):
            for dp in range(16):
                perm[half * 128 + h * 16 + dp] = h * 32 + 2 * dp + half

    lanes = np.arange(128)
    lvl = (lanes % 16) // 4
    w_l = np.array([_SPATIAL[l][1] for l in lvl], np.float32)
    h_l = np.array([_SPATIAL[l][0] for l in lvl], np.float32)
    s_l = np.array([_STARTS[l] for l in lvl], np.float32)

    scale = np.concatenate([w_l, h_l]).reshape(1, 256)
    maxc = np.concatenate([w_l - 1, h_l - 1]).reshape(1, 256)
    sl = s_l.reshape(1, 128)
    wl = w_l.reshape(1, 128)

    scm = np.zeros((8, 256), np.float32)
    for lane in range(128):
        l = int(lvl[lane])
        scm[2 * l, lane] = 1.0
        scm[2 * l + 1, 128 + lane] = 1.0

    g = (np.arange(128)[:, None] // 16 == np.arange(128)[None, :] // 16)
    g = g.astype(np.float32)
    return perm, scale, maxc, sl, wl, scm, g


_PERM, _SCALE, _MAXC, _SL, _WL, _SCM, _G = _consts()


def kernel(query, reference_points, input_flatten, input_spatial_shapes,
           input_level_start_index, W_so, b_so, W_aw, b_aw, W_v, b_v,
           W_o, b_o):
    w_perm_t = W_v[_PERM, :].T
    b_perm = b_v[_PERM].reshape(1, _D)
    wc = jnp.concatenate([W_so[0::2], W_so[1::2], W_aw], axis=0).T
    bc = jnp.concatenate([b_so[0::2], b_so[1::2], b_aw]).reshape(1, 384)
    wo_t = W_o.T
    rp_flat = reference_points.reshape(_B, _LQ, _NL * 2)

    tblp = _t1(input_flatten, w_perm_t, b_perm)
    idx_a, wt_a = _t2(query, rp_flat, wc, bc, jnp.asarray(_SCM),
                      jnp.asarray(_G), jnp.asarray(_SCALE),
                      jnp.asarray(_MAXC), jnp.asarray(_SL), jnp.asarray(_WL))
    sampled = _sc_sample()(tblp.reshape(_B, _NH, _LEN * 16),
                           idx_a.reshape(_B, _NH, _LQ * _NK),
                           wt_a.reshape(_B, _NH, _LQ * _NK))
    return _t3(sampled, wo_t, b_o)

# --- scband reference (transcript-rebuilt; emitter-appended) ---
"""Pipeline reference for scband-msdeform-attn-9371618640483 (READ-ONLY COPY).

The authoritative reference and input builder live on the scoring server;
editing this copy changes nothing except your own understanding.
"""

import jax, jax.numpy as jnp
import numpy as np

D = 256; NH = 8; NL = 4; NP = 4; HD = D // NH
SPATIAL = [(64, 64), (32, 32), (16, 16), (8, 8)]
STARTS = [0, 4096, 5120, 5376]
LEN_IN = 5440
B = 2; LQ = 5440

def _grid_bias():
    thetas = np.arange(NH, dtype=np.float64) * (2.0 * np.pi / NH)
    grid = np.stack([np.cos(thetas), np.sin(thetas)], -1)
    grid = grid / np.abs(grid).max(-1, keepdims=True)
    grid = np.tile(grid.reshape(NH, 1, 1, 2), (1, NL, NP, 1))
    for i in range(NP):
        grid[:, :, i, :] *= (i + 1)
    return jnp.asarray(grid.reshape(-1), jnp.float32)

def setup_inputs(seed: int = 0):
    key = jax.random.key(seed)
    ks = jax.random.split(key, 8)
    inp = {}
    inp['query'] = jax.random.normal(ks[0], (B, LQ, D), jnp.float32)
    inp['reference_points'] = jax.random.uniform(ks[1], (B, LQ, NL, 2), dtype=jnp.float32)
    inp['input_flatten'] = jax.random.normal(ks[2], (B, LEN_IN, D), jnp.float32)
    inp['input_spatial_shapes'] = jnp.asarray(np.array(SPATIAL, dtype=np.int32))
    inp['input_level_start_index'] = jnp.asarray(np.array(STARTS, dtype=np.int32))
    inp['W_so'] = jax.random.normal(ks[3], (NH * NL * NP * 2, D), jnp.float32) * 0.01
    inp['b_so'] = _grid_bias()
    inp['W_aw'] = jax.random.normal(ks[4], (NH * NL * NP, D), jnp.float32) * 0.01
    inp['b_aw'] = jnp.zeros((NH * NL * NP,), jnp.float32)
    inp['W_v'] = jax.random.normal(ks[5], (D, D), jnp.float32) * (1.0 / np.sqrt(D))
    inp['b_v'] = jnp.zeros((D,), jnp.float32)
    inp['W_o'] = jax.random.normal(ks[6], (D, D), jnp.float32) * (1.0 / np.sqrt(D))
    inp['b_o'] = jnp.zeros((D,), jnp.float32)
    return inp

def _forward(query, reference_points, input_flatten, spatial_np, starts_np, W_so, b_so, W_aw, b_aw, W_v, b_v, W_o, b_o):
    N, Lq, _ = query.shape
    _, Len_in, _ = input_flatten.shape
    value = (input_flatten @ W_v.T + b_v).reshape(N, Len_in, NH, HD)
    so = (query @ W_so.T + b_so).reshape(N, Lq, NH, NL, NP, 2)
    aw = (query @ W_aw.T + b_aw).reshape(N, Lq, NH, NL * NP)
    aw = jax.nn.softmax(aw, axis=-1)
    loc = reference_points[:, :, None, :, None, :] + so
    loc = jnp.clip(loc.reshape(N, Lq, NH, NL * NP, 2), 0.0, 1.0)
    outs = []
    for level in range(NL):
        h_static, w_static = SPATIAL[level]
        h = spatial_np[level, 0]; w = spatial_np[level, 1]
        s = starts_np[level]
        lv = jax.lax.dynamic_slice_in_dim(value, s, h_static * w_static, axis=1).reshape(N, h_static * w_static, NH, HD)
        vt = jnp.transpose(lv, (0, 2, 1, 3))
        wh = jnp.stack([w, h]).astype(jnp.float32)
        ll = loc[:, :, :, level * NP:(level + 1) * NP, :] * wh - 0.5
        x = ll[..., 0]; y = ll[..., 1]
        x0 = jnp.clip(jnp.floor(x).astype(jnp.int32), 0, w - 1)
        x1 = jnp.clip(jnp.floor(x).astype(jnp.int32) + 1, 0, w - 1)
        y0 = jnp.clip(jnp.floor(y).astype(jnp.int32), 0, h - 1)
        y1 = jnp.clip(jnp.floor(y).astype(jnp.int32) + 1, 0, h - 1)
        x0f = x0.astype(jnp.float32); x1f = x1.astype(jnp.float32)
        y0f = y0.astype(jnp.float32); y1f = y1.astype(jnp.float32)
        wa = ((x1f - x) * (y1f - y))[..., None]
        wb = ((x1f - x) * (y - y0f))[..., None]
        wc = ((x - x0f) * (y1f - y))[..., None]
        wd = ((x - x0f) * (y - y0f))[..., None]
        def gather(yi, xi):
            idx = yi * w + xi
            idx = jnp.transpose(idx, (0, 2, 1, 3)).reshape(N, NH, Lq * NP)
            g = jnp.take_along_axis(vt, idx[..., None], axis=2)
            return jnp.transpose(g.reshape(N, NH, Lq, NP, HD), (0, 2, 1, 3, 4))
        va = gather(y0, x0); vb = gather(y1, x0); vc = gather(y0, x1); vd = gather(y1, x1)
        outs.append(wa * va + wb * vb + wc * vc + wd * vd)
    sampled = jnp.concatenate(outs, axis=3)
    out = jnp.sum(aw[..., None] * sampled, axis=3).reshape(N, Lq, D)
    return out @ W_o.T + b_o

def reference(query, reference_points, input_flatten, input_spatial_shapes, input_level_start_index, W_so, b_so, W_aw, b_aw, W_v, b_v, W_o, b_o):
    return _forward(query, reference_points, input_flatten, input_spatial_shapes, input_level_start_index, W_so, b_so, W_aw, b_aw, W_v, b_v, W_o, b_o)

if __name__ == "__main__":
    import jax
    _d = setup_inputs()
    print(jax.jit(kernel)(*tuple(_d.values())))

</pallas_src>

<mosaic_0001>
#map = affine_map<(d0, d1) -> (0, 0, 0)>
#map1 = affine_map<(d0, d1) -> (0, 0, 0, 0)>
module attributes {stable_mosaic.version = 14 : i64} {
  func.func @_sc_body(%arg0: i32, %arg1: i32, %arg2: memref<2x8x87040xi32, #tpu.memory_space<hbm>>, %arg3: memref<2x8x348160xi32, #tpu.memory_space<hbm>>, %arg4: memref<2x8x348160xf32, #tpu.memory_space<hbm>>, %arg5: memref<2x8x5440x33xf32, #tpu.memory_space<hbm>>, %arg6: memref<87040xi32, #tpu.memory_space<vmem>>, %arg7: memref<10240xi32, #tpu.memory_space<vmem>>, %arg8: memref<10240xf32, #tpu.memory_space<vmem>>, %arg9: memref<160x33xf32, #tpu.memory_space<vmem>>) attributes {dimension_semantics = [#tpu.dimension_semantics<core_parallel>, #tpu.dimension_semantics<subcore_parallel>], iteration_bounds = array<i64: 2, 16>, scalar_prefetch = 0 : i64, scratch_operands = 4 : i64, tpu.core_type = #tpu.core_type<sc_vector_subcore>, window_params = [{transform_indices = #map}, {transform_indices = #map}, {transform_indices = #map}, {transform_indices = #map1}]} {
    %jit3A = arith.constant 2 : i32
    %div3A = arith.divsi %arg1, %jit3A : i32
    %sign3A = arith.constant 0 : i32
    %sign3A_0 = arith.cmpi sgt, %arg1, %sign3A : i32
    %sign3A_1 = arith.extui %sign3A_0 : i1 to i32
    %sign3A_2 = arith.constant 0 : i32
    %sign3A_3 = arith.cmpi slt, %arg1, %sign3A_2 : i32
    %sign3A_4 = arith.extui %sign3A_3 : i1 to i32
    %sign3A_5 = arith.subi %sign3A_1, %sign3A_4 : i32
    %sign3A_6 = arith.constant 0 : i32
    %sign3A_7 = arith.cmpi sgt, %jit3A, %sign3A_6 : i32
    %sign3A_8 = arith.extui %sign3A_7 : i1 to i32
    %sign3A_9 = arith.constant 0 : i32
    %sign3A_10 = arith.cmpi slt, %jit3A, %sign3A_9 : i32
    %sign3A_11 = arith.extui %sign3A_10 : i1 to i32
    %sign3A_12 = arith.subi %sign3A_8, %sign3A_11 : i32
    %ne3A = arith.cmpi ne, %sign3A_5, %sign3A_12 : i32
    %rem3A = arith.remsi %arg1, %jit3A : i32
    %ne3A_13 = arith.constant 0 : i32
    %ne3A_14 = arith.cmpi ne, %rem3A, %ne3A_13 : i32
    %and3A = arith.andi %ne3A, %ne3A_14 : i1
    %sub3A = arith.constant 1 : i32
    %sub3A_15 = arith.subi %div3A, %sub3A : i32
    %select_n3A = arith.select %and3A, %sub3A_15, %div3A : i32
    %jit3A_16 = arith.constant 2 : i32
    %eq3A = arith.constant 0 : i32
    %eq3A_17 = arith.cmpi eq, %jit3A_16, %eq3A : i32
    %jit3A_18 = arith.constant 1 : i32
    %select_n3A_19 = arith.select %eq3A_17, %jit3A_18, %jit3A_16 : i32
    %rem3A_20 = arith.remsi %arg1, %select_n3A_19 : i32
    %ne3A_21 = arith.constant 0 : i32
    %ne3A_22 = arith.cmpi ne, %rem3A_20, %ne3A_21 : i32
    %lt3A = arith.constant 0 : i32
    %lt3A_23 = arith.cmpi slt, %rem3A_20, %lt3A : i32
    %lt3A_24 = arith.constant 0 : i32
    %lt3A_25 = arith.cmpi slt, %select_n3A_19, %lt3A_24 : i32
    %ne3A_26 = arith.xori %lt3A_23, %lt3A_25 : i1
    %and3A_27 = arith.andi %ne3A_26, %ne3A_22 : i1
    %add3A = arith.addi %rem3A_20, %select_n3A_19 : i32
    %select_n3A_28 = arith.select %and3A_27, %add3A, %rem3A_20 : i32
    "tpu.region"() ({
      %run_scoped3A = tpu.sem_alloc : memref<!tpu.dma_semaphore, #tpu.memory_space<semaphore_mem>>
      %dma_start3A = arith.constant 0 : i32
      %dma_start3A_187 = tpu.memref_slice %arg2[%arg0, %select_n3A, %dma_start3A] : memref<2x8x87040xi32, #tpu.memory_space<hbm>> -> memref<1x1x87040xi32, #tpu.memory_space<hbm>>
      %dma_start3A_188 = tpu.memref_squeeze %dma_start3A_187 : memref<1x1x87040xi32, #tpu.memory_space<hbm>> -> memref<87040xi32, #tpu.memory_space<hbm>>
      %dma_start3A_189 = arith.constant 0 : i32
      %dma_start3A_190 = tpu.memref_slice %arg2[%arg0, %select_n3A, %dma_start3A_189] : memref<2x8x87040xi32, #tpu.memory_space<hbm>> -> memref<1x1x87040xi32, #tpu.memory_space<hbm>>
      %dma_start3A_191 = tpu.memref_squeeze %dma_start3A_190 : memref<1x1x87040xi32, #tpu.memory_space<hbm>> -> memref<87040xi32, #tpu.memory_space<hbm>>
      tpu.enqueue_dma source(%dma_start3A_191 : memref<87040xi32, #tpu.memory_space<hbm>>) target(%arg6 : memref<87040xi32, #tpu.memory_space<vmem>>) target_semaphore(%run_scoped3A : memref<!tpu.dma_semaphore, #tpu.memory_space<semaphore_mem>>)
      %dma_wait3A = arith.constant 0 : i32
      %dma_wait3A_192 = tpu.memref_slice %arg2[%arg0, %select_n3A, %dma_wait3A] : memref<2x8x87040xi32, #tpu.memory_space<hbm>> -> memref<1x1x87040xi32, #tpu.memory_space<hbm>>
      %dma_wait3A_193 = tpu.memref_squeeze %dma_wait3A_192 : memref<1x1x87040xi32, #tpu.memory_space<hbm>> -> memref<87040xi32, #tpu.memory_space<hbm>>
      %dma_wait3A_194 = arith.constant 0 : i32
      %dma_wait3A_195 = tpu.memref_slice %arg2[%arg0, %select_n3A, %dma_wait3A_194] : memref<2x8x87040xi32, #tpu.memory_space<hbm>> -> memref<1x1x87040xi32, #tpu.memory_space<hbm>>
      %dma_wait3A_196 = tpu.memref_squeeze %dma_wait3A_195 : memref<1x1x87040xi32, #tpu.memory_space<hbm>> -> memref<87040xi32, #tpu.memory_space<hbm>>
      tpu.wait_dma2 semaphore(%run_scoped3A : memref<!tpu.dma_semaphore, #tpu.memory_space<semaphore_mem>>) src(%dma_wait3A_196 : memref<87040xi32, #tpu.memory_space<hbm>>) dst(%arg6 : memref<87040xi32, #tpu.memory_space<vmem>>)
      tpu.yield
    }) : () -> ()
    %iota3A = tpu.iota {dimensions = array<i32: 0>} : vector<16xi32>
    %broadcast_in_dim3A = arith.constant 16 : i32
    %broadcast_in_dim3A_29 = vector.broadcast %broadcast_in_dim3A : i32 to vector<16xi32>
    %broadcast_in_dim3A_30 = arith.constant -65536 : i32
    %broadcast_in_dim3A_31 = vector.broadcast %broadcast_in_dim3A_30 : i32 to vector<16xi32>
    %broadcast_in_dim3A_32 = arith.constant 32768 : i32
    %broadcast_in_dim3A_33 = vector.broadcast %broadcast_in_dim3A_32 : i32 to vector<16xi32>
    %broadcast_in_dim3A_34 = arith.constant 0.000000e+00 : f32
    %broadcast_in_dim3A_35 = vector.broadcast %broadcast_in_dim3A_34 : f32 to vector<16xf32>
    %broadcast_in_dim3A_36 = arith.constant 0 : i32
    %broadcast_in_dim3A_37 = vector.broadcast %broadcast_in_dim3A_36 : i32 to vector<16xi32>
    %add3A_38 = arith.constant 0 : i32
    %add3A_39 = vector.broadcast %add3A_38 : i32 to vector<16xi32>
    %add3A_40 = arith.addi %iota3A, %add3A_39 : vector<16xi32>
    %and3A_41 = arith.constant 15 : i32
    %and3A_42 = vector.broadcast %and3A_41 : i32 to vector<16xi32>
    %and3A_43 = arith.andi %add3A_40, %and3A_42 : vector<16xi32>
    %add3A_44 = arith.constant 1 : i32
    %add3A_45 = vector.broadcast %add3A_44 : i32 to vector<16xi32>
    %add3A_46 = arith.addi %iota3A, %add3A_45 : vector<16xi32>
    %and3A_47 = arith.constant 15 : i32
    %and3A_48 = vector.broadcast %and3A_47 : i32 to vector<16xi32>
    %and3A_49 = arith.andi %add3A_46, %and3A_48 : vector<16xi32>
    %add3A_50 = arith.constant 2 : i32
    %add3A_51 = vector.broadcast %add3A_50 : i32 to vector<16xi32>
    %add3A_52 = arith.addi %iota3A, %add3A_51 : vector<16xi32>
    %and3A_53 = arith.constant 15 : i32
    %and3A_54 = vector.broadcast %and3A_53 : i32 to vector<16xi32>
    %and3A_55 = arith.andi %add3A_52, %and3A_54 : vector<16xi32>
    %add3A_56 = arith.constant 3 : i32
    %add3A_57 = vector.broadcast %add3A_56 : i32 to vector<16xi32>
    %add3A_58 = arith.addi %iota3A, %add3A_57 : vector<16xi32>
    %and3A_59 = arith.constant 15 : i32
    %and3A_60 = vector.broadcast %and3A_59 : i32 to vector<16xi32>
    %and3A_61 = arith.andi %add3A_58, %and3A_60 : vector<16xi32>
    %add3A_62 = arith.constant 4 : i32
    %add3A_63 = vector.broadcast %add3A_62 : i32 to vector<16xi32>
    %add3A_64 = arith.addi %iota3A, %add3A_63 : vector<16xi32>
    %and3A_65 = arith.constant 15 : i32
    %and3A_66 = vector.broadcast %and3A_65 : i32 to vector<16xi32>
    %and3A_67 = arith.andi %add3A_64, %and3A_66 : vector<16xi32>
    %add3A_68 = arith.constant 5 : i32
    %add3A_69 = vector.broadcast %add3A_68 : i32 to vector<16xi32>
    %add3A_70 = arith.addi %iota3A, %add3A_69 : vector<16xi32>
    %and3A_71 = arith.constant 15 : i32
    %and3A_72 = vector.broadcast %and3A_71 : i32 to vector<16xi32>
    %and3A_73 = arith.andi %add3A_70, %and3A_72 : vector<16xi32>
    %add3A_74 = arith.constant 6 : i32
    %add3A_75 = vector.broadcast %add3A_74 : i32 to vector<16xi32>
    %add3A_76 = arith.addi %iota3A, %add3A_75 : vector<16xi32>
    %and3A_77 = arith.constant 15 : i32
    %and3A_78 = vector.broadcast %and3A_77 : i32 to vector<16xi32>
    %and3A_79 = arith.andi %add3A_76, %and3A_78 : vector<16xi32>
    %add3A_80 = arith.constant 7 : i32
    %add3A_81 = vector.broadcast %add3A_80 : i32 to vector<16xi32>
    %add3A_82 = arith.addi %iota3A, %add3A_81 : vector<16xi32>
    %and3A_83 = arith.constant 15 : i32
    %and3A_84 = vector.broadcast %and3A_83 : i32 to vector<16xi32>
    %and3A_85 = arith.andi %add3A_82, %and3A_84 : vector<16xi32>
    %add3A_86 = arith.constant 8 : i32
    %add3A_87 = vector.broadcast %add3A_86 : i32 to vector<16xi32>
    %add3A_88 = arith.addi %iota3A, %add3A_87 : vector<16xi32>
    %and3A_89 = arith.constant 15 : i32
    %and3A_90 = vector.broadcast %and3A_89 : i32 to vector<16xi32>
    %and3A_91 = arith.andi %add3A_88, %and3A_90 : vector<16xi32>
    %add3A_92 = arith.constant 9 : i32
    %add3A_93 = vector.broadcast %add3A_92 : i32 to vector<16xi32>
    %add3A_94 = arith.addi %iota3A, %add3A_93 : vector<16xi32>
    %and3A_95 = arith.constant 15 : i32
    %and3A_96 = vector.broadcast %and3A_95 : i32 to vector<16xi32>
    %and3A_97 = arith.andi %add3A_94, %and3A_96 : vector<16xi32>
    %add3A_98 = arith.constant 10 : i32
    %add3A_99 = vector.broadcast %add3A_98 : i32 to vector<16xi32>
    %add3A_100 = arith.addi %iota3A, %add3A_99 : vector<16xi32>
    %and3A_101 = arith.constant 15 : i32
    %and3A_102 = vector.broadcast %and3A_101 : i32 to vector<16xi32>
    %and3A_103 = arith.andi %add3A_100, %and3A_102 : vector<16xi32>
    %add3A_104 = arith.constant 11 : i32
    %add3A_105 = vector.broadcast %add3A_104 : i32 to vector<16xi32>
    %add3A_106 = arith.addi %iota3A, %add3A_105 : vector<16xi32>
    %and3A_107 = arith.constant 15 : i32
    %and3A_108 = vector.broadcast %and3A_107 : i32 to vector<16xi32>
    %and3A_109 = arith.andi %add3A_106, %and3A_108 : vector<16xi32>
    %add3A_110 = arith.constant 12 : i32
    %add3A_111 = vector.broadcast %add3A_110 : i32 to vector<16xi32>
    %add3A_112 = arith.addi %iota3A, %add3A_111 : vector<16xi32>
    %and3A_113 = arith.constant 15 : i32
    %and3A_114 = vector.broadcast %and3A_113 : i32 to vector<16xi32>
    %and3A_115 = arith.andi %add3A_112, %and3A_114 : vector<16xi32>
    %add3A_116 = arith.constant 13 : i32
    %add3A_117 = vector.broadcast %add3A_116 : i32 to vector<16xi32>
    %add3A_118 = arith.addi %iota3A, %add3A_117 : vector<16xi32>
    %and3A_119 = arith.constant 15 : i32
    %and3A_120 = vector.broadcast %and3A_119 : i32 to vector<16xi32>
    %and3A_121 = arith.andi %add3A_118, %and3A_120 : vector<16xi32>
    %add3A_122 = arith.constant 14 : i32
    %add3A_123 = vector.broadcast %add3A_122 : i32 to vector<16xi32>
    %add3A_124 = arith.addi %iota3A, %add3A_123 : vector<16xi32>
    %and3A_125 = arith.constant 15 : i32
    %and3A_126 = vector.broadcast %and3A_125 : i32 to vector<16xi32>
    %and3A_127 = arith.andi %add3A_124, %and3A_126 : vector<16xi32>
    %add3A_128 = arith.constant 15 : i32
    %add3A_129 = vector.broadcast %add3A_128 : i32 to vector<16xi32>
    %add3A_130 = arith.addi %iota3A, %add3A_129 : vector<16xi32>
    %and3A_131 = arith.constant 15 : i32
    %and3A_132 = vector.broadcast %and3A_131 : i32 to vector<16xi32>
    %and3A_133 = arith.andi %add3A_130, %and3A_132 : vector<16xi32>
    %add3A_134 = arith.constant 0 : i32
    %add3A_135 = vector.broadcast %add3A_134 : i32 to vector<16xi32>
    %add3A_136 = arith.addi %iota3A, %add3A_135 : vector<16xi32>
    %and3A_137 = arith.constant 7 : i32
    %and3A_138 = vector.broadcast %and3A_137 : i32 to vector<16xi32>
    %and3A_139 = arith.andi %add3A_136, %and3A_138 : vector<16xi32>
    %add3A_140 = arith.constant 1 : i32
    %add3A_141 = vector.broadcast %add3A_140 : i32 to vector<16xi32>
    %add3A_142 = arith.addi %iota3A, %add3A_141 : vector<16xi32>
    %and3A_143 = arith.constant 7 : i32
    %and3A_144 = vector.broadcast %and3A_143 : i32 to vector<16xi32>
    %and3A_145 = arith.andi %add3A_142, %and3A_144 : vector<16xi32>
    %add3A_146 = arith.constant 2 : i32
    %add3A_147 = vector.broadcast %add3A_146 : i32 to vector<16xi32>
    %add3A_148 = arith.addi %iota3A, %add3A_147 : vector<16xi32>
    %and3A_149 = arith.constant 7 : i32
    %and3A_150 = vector.broadcast %and3A_149 : i32 to vector<16xi32>
    %and3A_151 = arith.andi %add3A_148, %and3A_150 : vector<16xi32>
    %add3A_152 = arith.constant 3 : i32
    %add3A_153 = vector.broadcast %add3A_152 : i32 to vector<16xi32>
    %add3A_154 = arith.addi %iota3A, %add3A_153 : vector<16xi32>
    %and3A_155 = arith.constant 7 : i32
    %and3A_156 = vector.broadcast %and3A_155 : i32 to vector<16xi32>
    %and3A_157 = arith.andi %add3A_154, %and3A_156 : vector<16xi32>
    %add3A_158 = arith.constant 4 : i32
    %add3A_159 = vector.broadcast %add3A_158 : i32 to vector<16xi32>
    %add3A_160 = arith.addi %iota3A, %add3A_159 : vector<16xi32>
    %and3A_161 = arith.constant 7 : i32
    %and3A_162 = vector.broadcast %and3A_161 : i32 to vector<16xi32>
    %and3A_163 = arith.andi %add3A_160, %and3A_162 : vector<16xi32>
    %add3A_164 = arith.constant 5 : i32
    %add3A_165 = vector.broadcast %add3A_164 : i32 to vector<16xi32>
    %add3A_166 = arith.addi %iota3A, %add3A_165 : vector<16xi32>
    %and3A_167 = arith.constant 7 : i32
    %and3A_168 = vector.broadcast %and3A_167 : i32 to vector<16xi32>
    %and3A_169 = arith.andi %add3A_166, %and3A_168 : vector<16xi32>
    %add3A_170 = arith.constant 6 : i32
    %add3A_171 = vector.broadcast %add3A_170 : i32 to vector<16xi32>
    %add3A_172 = arith.addi %iota3A, %add3A_171 : vector<16xi32>
    %and3A_173 = arith.constant 7 : i32
    %and3A_174 = vector.broadcast %and3A_173 : i32 to vector<16xi32>
    %and3A_175 = arith.andi %add3A_172, %and3A_174 : vector<16xi32>
    %add3A_176 = arith.constant 7 : i32
    %add3A_177 = vector.broadcast %add3A_176 : i32 to vector<16xi32>
    %add3A_178 = arith.addi %iota3A, %add3A_177 : vector<16xi32>
    %and3A_179 = arith.constant 7 : i32
    %and3A_180 = vector.broadcast %and3A_179 : i32 to vector<16xi32>
    %and3A_181 = arith.andi %add3A_178, %and3A_180 : vector<16xi32>
    %scan3A = arith.constant 0 : i32
    %scan3A_182 = arith.constant 0 : i32
    %scan3A_183 = arith.constant 17 : i32
    %scan3A_184 = arith.addi %scan3A_182, %scan3A_183 : i32
    %scan3A_185 = arith.constant 1 : i32
    scf.for %scan3A_187 = %scan3A_182 to %scan3A_184 step %scan3A_185  : i32 {
      %mul3A = arith.constant 2720 : i32
      %mul3A_188 = arith.muli %select_n3A_28, %mul3A : i32
      %mul3A_189 = arith.constant 160 : i32
      %mul3A_190 = arith.muli %scan3A_187, %mul3A_189 : i32
      %add3A_191 = arith.addi %mul3A_188, %mul3A_190 : i32
      %mul3A_192 = arith.constant 64 : i32
      %mul3A_193 = arith.muli %add3A_191, %mul3A_192 : i32
      "tpu.region"() ({
        %run_scoped3A = tpu.sem_alloc : memref<!tpu.dma_semaphore, #tpu.memory_space<semaphore_mem>>
        %dma_start3A = tpu.memref_slice %arg3[%arg0, %select_n3A, %mul3A_193] : memref<2x8x348160xi32, #tpu.memory_space<hbm>> -> memref<1x1x10240xi32, #tpu.memory_space<hbm>>
        %dma_start3A_202 = tpu.memref_squeeze %dma_start3A : memref<1x1x10240xi32, #tpu.memory_space<hbm>> -> memref<10240xi32, #tpu.memory_space<hbm>>
        %dma_start3A_203 = tpu.memref_slice %arg3[%arg0, %select_n3A, %mul3A_193] : memref<2x8x348160xi32, #tpu.memory_space<hbm>> -> memref<1x1x10240xi32, #tpu.memory_space<hbm>>
        %dma_start3A_204 = tpu.memref_squeeze %dma_start3A_203 : memref<1x1x10240xi32, #tpu.memory_space<hbm>> -> memref<10240xi32, #tpu.memory_space<hbm>>
        tpu.enqueue_dma source(%dma_start3A_204 : memref<10240xi32, #tpu.memory_space<hbm>>) target(%arg7 : memref<10240xi32, #tpu.memory_space<vmem>>) target_semaphore(%run_scoped3A : memref<!tpu.dma_semaphore, #tpu.memory_space<semaphore_mem>>)
        %dma_wait3A = tpu.memref_slice %arg3[%arg0, %select_n3A, %mul3A_193] : memref<2x8x348160xi32, #tpu.memory_space<hbm>> -> memref<1x1x10240xi32, #tpu.memory_space<hbm>>
        %dma_wait3A_205 = tpu.memref_squeeze %dma_wait3A : memref<1x1x10240xi32, #tpu.memory_space<hbm>> -> memref<10240xi32, #tpu.memory_space<hbm>>
        %dma_wait3A_206 = tpu.memref_slice %arg3[%arg0, %select_n3A, %mul3A_193] : memref<2x8x348160xi32, #tpu.memory_space<hbm>> -> memref<1x1x10240xi32, #tpu.memory_space<hbm>>
        %dma_wait3A_207 = tpu.memref_squeeze %dma_wait3A_206 : memref<1x1x10240xi32, #tpu.memory_space<hbm>> -> memref<10240xi32, #tpu.memory_space<hbm>>
        tpu.wait_dma2 semaphore(%run_scoped3A : memref<!tpu.dma_semaphore, #tpu.memory_space<semaphore_mem>>) src(%dma_wait3A_207 : memref<10240xi32, #tpu.memory_space<hbm>>) dst(%arg7 : memref<10240xi32, #tpu.memory_space<vmem>>)
        tpu.yield
      }) : () -> ()
      %mul3A_194 = arith.constant 64 : i32
      %mul3A_195 = arith.muli %add3A_191, %mul3A_194 : i32
      "tpu.region"() ({
        %run_scoped3A = tpu.sem_alloc : memref<!tpu.dma_semaphore, #tpu.memory_space<semaphore_mem>>
        %dma_start3A = tpu.memref_slice %arg4[%arg0, %select_n3A, %mul3A_195] : memref<2x8x348160xf32, #tpu.memory_space<hbm>> -> memref<1x1x10240xf32, #tpu.memory_space<hbm>>
        %dma_start3A_202 = tpu.memref_squeeze %dma_start3A : memref<1x1x10240xf32, #tpu.memory_space<hbm>> -> memref<10240xf32, #tpu.memory_space<hbm>>
        %dma_start3A_203 = tpu.memref_slice %arg4[%arg0, %select_n3A, %mul3A_195] : memref<2x8x348160xf32, #tpu.memory_space<hbm>> -> memref<1x1x10240xf32, #tpu.memory_space<hbm>>
        %dma_start3A_204 = tpu.memref_squeeze %dma_start3A_203 : memref<1x1x10240xf32, #tpu.memory_space<hbm>> -> memref<10240xf32, #tpu.memory_space<hbm>>
        tpu.enqueue_dma source(%dma_start3A_204 : memref<10240xf32, #tpu.memory_space<hbm>>) target(%arg8 : memref<10240xf32, #tpu.memory_space<vmem>>) target_semaphore(%run_scoped3A : memref<!tpu.dma_semaphore, #tpu.memory_space<semaphore_mem>>)
        %dma_wait3A = tpu.memref_slice %arg4[%arg0, %select_n3A, %mul3A_195] : memref<2x8x348160xf32, #tpu.memory_space<hbm>> -> memref<1x1x10240xf32, #tpu.memory_space<hbm>>
        %dma_wait3A_205 = tpu.memref_squeeze %dma_wait3A : memref<1x1x10240xf32, #tpu.memory_space<hbm>> -> memref<10240xf32, #tpu.memory_space<hbm>>
        %dma_wait3A_206 = tpu.memref_slice %arg4[%arg0, %select_n3A, %mul3A_195] : memref<2x8x348160xf32, #tpu.memory_space<hbm>> -> memref<1x1x10240xf32, #tpu.memory_space<hbm>>
        %dma_wait3A_207 = tpu.memref_squeeze %dma_wait3A_206 : memref<1x1x10240xf32, #tpu.memory_space<hbm>> -> memref<10240xf32, #tpu.memory_space<hbm>>
        tpu.wait_dma2 semaphore(%run_scoped3A : memref<!tpu.dma_semaphore, #tpu.memory_space<semaphore_mem>>) src(%dma_wait3A_207 : memref<10240xf32, #tpu.memory_space<hbm>>) dst(%arg8 : memref<10240xf32, #tpu.memory_space<vmem>>)
        tpu.yield
      }) : () -> ()
      %scan3A_196 = arith.constant 0 : i32
      %scan3A_197 = arith.constant 0 : i32
      %scan3A_198 = arith.constant 10 : i32
      %scan3A_199 = arith.addi %scan3A_197, %scan3A_198 : i32
      %scan3A_200 = arith.constant 1 : i32
      scf.for %scan3A_202 = %scan3A_197 to %scan3A_199 step %scan3A_200  : i32 {
        %mul3A_203 = arith.constant 16 : i32
        %mul3A_204 = arith.muli %scan3A_202, %mul3A_203 : i32
        %add3A_205 = vector.broadcast %mul3A_204 : i32 to vector<16xi32>
        %add3A_206 = arith.addi %iota3A, %add3A_205 : vector<16xi32>
        %mul3A_207 = arith.constant 64 : i32
        %mul3A_208 = vector.broadcast %mul3A_207 : i32 to vector<16xi32>
        %mul3A_209 = arith.muli %add3A_206, %mul3A_208 : vector<16xi32>
        %add3A_210 = arith.constant 0 : i32
        %add3A_211 = vector.broadcast %add3A_210 : i32 to vector<16xi32>
        %add3A_212 = arith.addi %broadcast_in_dim3A_37, %add3A_211 : vector<16xi32>
        tpu.vector_store_idx %arg9[%add3A_206, %add3A_212], %broadcast_in_dim3A_35 : memref<160x33xf32, #tpu.memory_space<vmem>>[vector<16xi32>, vector<16xi32>], vector<16xf32>,
        %add3A_213 = arith.constant 1 : i32
        %add3A_214 = vector.broadcast %add3A_213 : i32 to vector<16xi32>
        %add3A_215 = arith.addi %broadcast_in_dim3A_37, %add3A_214 : vector<16xi32>
        tpu.vector_store_idx %arg9[%add3A_206, %add3A_215], %broadcast_in_dim3A_35 : memref<160x33xf32, #tpu.memory_space<vmem>>[vector<16xi32>, vector<16xi32>], vector<16xf32>,
        %add3A_216 = arith.constant 2 : i32
        %add3A_217 = vector.broadcast %add3A_216 : i32 to vector<16xi32>
        %add3A_218 = arith.addi %broadcast_in_dim3A_37, %add3A_217 : vector<16xi32>
        tpu.vector_store_idx %arg9[%add3A_206, %add3A_218], %broadcast_in_dim3A_35 : memref<160x33xf32, #tpu.memory_space<vmem>>[vector<16xi32>, vector<16xi32>], vector<16xf32>,
        %add3A_219 = arith.constant 3 : i32
        %add3A_220 = vector.broadcast %add3A_219 : i32 to vector<16xi32>
        %add3A_221 = arith.addi %broadcast_in_dim3A_37, %add3A_220 : vector<16xi32>
        tpu.vector_store_idx %arg9[%add3A_206, %add3A_221], %broadcast_in_dim3A_35 : memref<160x33xf32, #tpu.memory_space<vmem>>[vector<16xi32>, vector<16xi32>], vector<16xf32>,
        %add3A_222 = arith.constant 4 : i32
        %add3A_223 = vector.broadcast %add3A_222 : i32 to vector<16xi32>
        %add3A_224 = arith.addi %broadcast_in_dim3A_37, %add3A_223 : vector<16xi32>
        tpu.vector_store_idx %arg9[%add3A_206, %add3A_224], %broadcast_in_dim3A_35 : memref<160x33xf32, #tpu.memory_space<vmem>>[vector<16xi32>, vector<16xi32>], vector<16xf32>,
        %add3A_225 = arith.constant 5 : i32
        %add3A_226 = vector.broadcast %add3A_225 : i32 to vector<16xi32>
        %add3A_227 = arith.addi %broadcast_in_dim3A_37, %add3A_226 : vector<16xi32>
        tpu.vector_store_idx %arg9[%add3A_206, %add3A_227], %broadcast_in_dim3A_35 : memref<160x33xf32, #tpu.memory_space<vmem>>[vector<16xi32>, vector<16xi32>], vector<16xf32>,
        %add3A_228 = arith.constant 6 : i32
        %add3A_229 = vector.broadcast %add3A_228 : i32 to vector<16xi32>
        %add3A_230 = arith.addi %broadcast_in_dim3A_37, %add3A_229 : vector<16xi32>
        tpu.vector_store_idx %arg9[%add3A_206, %add3A_230], %broadcast_in_dim3A_35 : memref<160x33xf32, #tpu.memory_space<vmem>>[vector<16xi32>, vector<16xi32>], vector<16xf32>,
        %add3A_231 = arith.constant 7 : i32
        %add3A_232 = vector.broadcast %add3A_231 : i32 to vector<16xi32>
        %add3A_233 = arith.addi %broadcast_in_dim3A_37, %add3A_232 : vector<16xi32>
        tpu.vector_store_idx %arg9[%add3A_206, %add3A_233], %broadcast_in_dim3A_35 : memref<160x33xf32, #tpu.memory_space<vmem>>[vector<16xi32>, vector<16xi32>], vector<16xf32>,
        %add3A_234 = arith.constant 8 : i32
        %add3A_235 = vector.broadcast %add3A_234 : i32 to vector<16xi32>
        %add3A_236 = arith.addi %broadcast_in_dim3A_37, %add3A_235 : vector<16xi32>
        tpu.vector_store_idx %arg9[%add3A_206, %add3A_236], %broadcast_in_dim3A_35 : memref<160x33xf32, #tpu.memory_space<vmem>>[vector<16xi32>, vector<16xi32>], vector<16xf32>,
        %add3A_237 = arith.constant 9 : i32
        %add3A_238 = vector.broadcast %add3A_237 : i32 to vector<16xi32>
        %add3A_239 = arith.addi %broadcast_in_dim3A_37, %add3A_238 : vector<16xi32>
        tpu.vector_store_idx %arg9[%add3A_206, %add3A_239], %broadcast_in_dim3A_35 : memref<160x33xf32, #tpu.memory_space<vmem>>[vector<16xi32>, vector<16xi32>], vector<16xf32>,
        %add3A_240 = arith.constant 10 : i32
        %add3A_241 = vector.broadcast %add3A_240 : i32 to vector<16xi32>
        %add3A_242 = arith.addi %broadcast_in_dim3A_37, %add3A_241 : vector<16xi32>
        tpu.vector_store_idx %arg9[%add3A_206, %add3A_242], %broadcast_in_dim3A_35 : memref<160x33xf32, #tpu.memory_space<vmem>>[vector<16xi32>, vector<16xi32>], vector<16xf32>,
        %add3A_243 = arith.constant 11 : i32
        %add3A_244 = vector.broadcast %add3A_243 : i32 to vector<16xi32>
        %add3A_245 = arith.addi %broadcast_in_dim3A_37, %add3A_244 : vector<16xi32>
        tpu.vector_store_idx %arg9[%add3A_206, %add3A_245], %broadcast_in_dim3A_35 : memref<160x33xf32, #tpu.memory_space<vmem>>[vector<16xi32>, vector<16xi32>], vector<16xf32>,
        %add3A_246 = arith.constant 12 : i32
        %add3A_247 = vector.broadcast %add3A_246 : i32 to vector<16xi32>
        %add3A_248 = arith.addi %broadcast_in_dim3A_37, %add3A_247 : vector<16xi32>
        tpu.vector_store_idx %arg9[%add3A_206, %add3A_248], %broadcast_in_dim3A_35 : memref<160x33xf32, #tpu.memory_space<vmem>>[vector<16xi32>, vector<16xi32>], vector<16xf32>,
        %add3A_249 = arith.constant 13 : i32
        %add3A_250 = vector.broadcast %add3A_249 : i32 to vector<16xi32>
        %add3A_251 = arith.addi %broadcast_in_dim3A_37, %add3A_250 : vector<16xi32>
        tpu.vector_store_idx %arg9[%add3A_206, %add3A_251], %broadcast_in_dim3A_35 : memref<160x33xf32, #tpu.memory_space<vmem>>[vector<16xi32>, vector<16xi32>], vector<16xf32>,
        %add3A_252 = arith.constant 14 : i32
        %add3A_253 = vector.broadcast %add3A_252 : i32 to vector<16xi32>
        %add3A_254 = arith.addi %broadcast_in_dim3A_37, %add3A_253 : vector<16xi32>
        tpu.vector_store_idx %arg9[%add3A_206, %add3A_254], %broadcast_in_dim3A_35 : memref<160x33xf32, #tpu.memory_space<vmem>>[vector<16xi32>, vector<16xi32>], vector<16xf32>,
        %add3A_255 = arith.constant 15 : i32
        %add3A_256 = vector.broadcast %add3A_255 : i32 to vector<16xi32>
        %add3A_257 = arith.addi %broadcast_in_dim3A_37, %add3A_256 : vector<16xi32>
        tpu.vector_store_idx %arg9[%add3A_206, %add3A_257], %broadcast_in_dim3A_35 : memref<160x33xf32, #tpu.memory_space<vmem>>[vector<16xi32>, vector<16xi32>], vector<16xf32>,
        %add3A_258 = arith.constant 16 : i32
        %add3A_259 = vector.broadcast %add3A_258 : i32 to vector<16xi32>
        %add3A_260 = arith.addi %broadcast_in_dim3A_37, %add3A_259 : vector<16xi32>
        tpu.vector_store_idx %arg9[%add3A_206, %add3A_260], %broadcast_in_dim3A_35 : memref<160x33xf32, #tpu.memory_space<vmem>>[vector<16xi32>, vector<16xi32>], vector<16xf32>,
        %add3A_261 = arith.constant 17 : i32
        %add3A_262 = vector.broadcast %add3A_261 : i32 to vector<16xi32>
        %add3A_263 = arith.addi %broadcast_in_dim3A_37, %add3A_262 : vector<16xi32>
        tpu.vector_store_idx %arg9[%add3A_206, %add3A_263], %broadcast_in_dim3A_35 : memref<160x33xf32, #tpu.memory_space<vmem>>[vector<16xi32>, vector<16xi32>], vector<16xf32>,
        %add3A_264 = arith.constant 18 : i32
        %add3A_265 = vector.broadcast %add3A_264 : i32 to vector<16xi32>
        %add3A_266 = arith.addi %broadcast_in_dim3A_37, %add3A_265 : vector<16xi32>
        tpu.vector_store_idx %arg9[%add3A_206, %add3A_266], %broadcast_in_dim3A_35 : memref<160x33xf32, #tpu.memory_space<vmem>>[vector<16xi32>, vector<16xi32>], vector<16xf32>,
        %add3A_267 = arith.constant 19 : i32
        %add3A_268 = vector.broadcast %add3A_267 : i32 to vector<16xi32>
        %add3A_269 = arith.addi %broadcast_in_dim3A_37, %add3A_268 : vector<16xi32>
        tpu.vector_store_idx %arg9[%add3A_206, %add3A_269], %broadcast_in_dim3A_35 : memref<160x33xf32, #tpu.memory_space<vmem>>[vector<16xi32>, vector<16xi32>], vector<16xf32>,
        %add3A_270 = arith.constant 20 : i32
        %add3A_271 = vector.broadcast %add3A_270 : i32 to vector<16xi32>
        %add3A_272 = arith.addi %broadcast_in_dim3A_37, %add3A_271 : vector<16xi32>
        tpu.vector_store_idx %arg9[%add3A_206, %add3A_272], %broadcast_in_dim3A_35 : memref<160x33xf32, #tpu.memory_space<vmem>>[vector<16xi32>, vector<16xi32>], vector<16xf32>,
        %add3A_273 = arith.constant 21 : i32
        %add3A_274 = vector.broadcast %add3A_273 : i32 to vector<16xi32>
        %add3A_275 = arith.addi %broadcast_in_dim3A_37, %add3A_274 : vector<16xi32>
        tpu.vector_store_idx %arg9[%add3A_206, %add3A_275], %broadcast_in_dim3A_35 : memref<160x33xf32, #tpu.memory_space<vmem>>[vector<16xi32>, vector<16xi32>], vector<16xf32>,
        %add3A_276 = arith.constant 22 : i32
        %add3A_277 = vector.broadcast %add3A_276 : i32 to vector<16xi32>
        %add3A_278 = arith.addi %broadcast_in_dim3A_37, %add3A_277 : vector<16xi32>
        tpu.vector_store_idx %arg9[%add3A_206, %add3A_278], %broadcast_in_dim3A_35 : memref<160x33xf32, #tpu.memory_space<vmem>>[vector<16xi32>, vector<16xi32>], vector<16xf32>,
        %add3A_279 = arith.constant 23 : i32
        %add3A_280 = vector.broadcast %add3A_279 : i32 to vector<16xi32>
        %add3A_281 = arith.addi %broadcast_in_dim3A_37, %add3A_280 : vector<16xi32>
        tpu.vector_store_idx %arg9[%add3A_206, %add3A_281], %broadcast_in_dim3A_35 : memref<160x33xf32, #tpu.memory_space<vmem>>[vector<16xi32>, vector<16xi32>], vector<16xf32>,
        %add3A_282 = arith.constant 24 : i32
        %add3A_283 = vector.broadcast %add3A_282 : i32 to vector<16xi32>
        %add3A_284 = arith.addi %broadcast_in_dim3A_37, %add3A_283 : vector<16xi32>
        tpu.vector_store_idx %arg9[%add3A_206, %add3A_284], %broadcast_in_dim3A_35 : memref<160x33xf32, #tpu.memory_space<vmem>>[vector<16xi32>, vector<16xi32>], vector<16xf32>,
        %add3A_285 = arith.constant 25 : i32
        %add3A_286 = vector.broadcast %add3A_285 : i32 to vector<16xi32>
        %add3A_287 = arith.addi %broadcast_in_dim3A_37, %add3A_286 : vector<16xi32>
        tpu.vector_store_idx %arg9[%add3A_206, %add3A_287], %broadcast_in_dim3A_35 : memref<160x33xf32, #tpu.memory_space<vmem>>[vector<16xi32>, vector<16xi32>], vector<16xf32>,
        %add3A_288 = arith.constant 26 : i32
        %add3A_289 = vector.broadcast %add3A_288 : i32 to vector<16xi32>
        %add3A_290 = arith.addi %broadcast_in_dim3A_37, %add3A_289 : vector<16xi32>
        tpu.vector_store_idx %arg9[%add3A_206, %add3A_290], %broadcast_in_dim3A_35 : memref<160x33xf32, #tpu.memory_space<vmem>>[vector<16xi32>, vector<16xi32>], vector<16xf32>,
        %add3A_291 = arith.constant 27 : i32
        %add3A_292 = vector.broadcast %add3A_291 : i32 to vector<16xi32>
        %add3A_293 = arith.addi %broadcast_in_dim3A_37, %add3A_292 : vector<16xi32>
        tpu.vector_store_idx %arg9[%add3A_206, %add3A_293], %broadcast_in_dim3A_35 : memref<160x33xf32, #tpu.memory_space<vmem>>[vector<16xi32>, vector<16xi32>], vector<16xf32>,
        %add3A_294 = arith.constant 28 : i32
        %add3A_295 = vector.broadcast %add3A_294 : i32 to vector<16xi32>
        %add3A_296 = arith.addi %broadcast_in_dim3A_37, %add3A_295 : vector<16xi32>
        tpu.vector_store_idx %arg9[%add3A_206, %add3A_296], %broadcast_in_dim3A_35 : memref<160x33xf32, #tpu.memory_space<vmem>>[vector<16xi32>, vector<16xi32>], vector<16xf32>,
        %add3A_297 = arith.constant 29 : i32
        %add3A_298 = vector.broadcast %add3A_297 : i32 to vector<16xi32>
        %add3A_299 = arith.addi %broadcast_in_dim3A_37, %add3A_298 : vector<16xi32>
        tpu.vector_store_idx %arg9[%add3A_206, %add3A_299], %broadcast_in_dim3A_35 : memref<160x33xf32, #tpu.memory_space<vmem>>[vector<16xi32>, vector<16xi32>], vector<16xf32>,
        %add3A_300 = arith.constant 30 : i32
        %add3A_301 = vector.broadcast %add3A_300 : i32 to vector<16xi32>
        %add3A_302 = arith.addi %broadcast_in_dim3A_37, %add3A_301 : vector<16xi32>
        tpu.vector_store_idx %arg9[%add3A_206, %add3A_302], %broadcast_in_dim3A_35 : memref<160x33xf32, #tpu.memory_space<vmem>>[vector<16xi32>, vector<16xi32>], vector<16xf32>,
        %add3A_303 = arith.constant 31 : i32
        %add3A_304 = vector.broadcast %add3A_303 : i32 to vector<16xi32>
        %add3A_305 = arith.addi %broadcast_in_dim3A_37, %add3A_304 : vector<16xi32>
        tpu.vector_store_idx %arg9[%add3A_206, %add3A_305], %broadcast_in_dim3A_35 : memref<160x33xf32, #tpu.memory_space<vmem>>[vector<16xi32>, vector<16xi32>], vector<16xf32>,
        %scan3A_306 = arith.constant 0 : i32
        %scan3A_307 = arith.constant 0 : i32
        %scan3A_308 = arith.constant 8 : i32
        %scan3A_309 = arith.addi %scan3A_307, %scan3A_308 : i32
        %scan3A_310 = arith.constant 1 : i32
        scf.for %scan3A_312 = %scan3A_307 to %scan3A_309 step %scan3A_310  : i32 {
          %mul3A_313 = arith.constant 8 : i32
          %mul3A_314 = arith.muli %scan3A_312, %mul3A_313 : i32
          %add3A_315 = vector.broadcast %mul3A_314 : i32 to vector<16xi32>
          %add3A_316 = arith.addi %and3A_139, %add3A_315 : vector<16xi32>
          %add3A_317 = arith.addi %mul3A_209, %add3A_316 : vector<16xi32>
          %add3A_318 = vector.broadcast %mul3A_314 : i32 to vector<16xi32>
          %add3A_319 = arith.addi %and3A_145, %add3A_318 : vector<16xi32>
          %add3A_320 = arith.addi %mul3A_209, %add3A_319 : vector<16xi32>
          %add3A_321 = vector.broadcast %mul3A_314 : i32 to vector<16xi32>
          %add3A_322 = arith.addi %and3A_151, %add3A_321 : vector<16xi32>
          %add3A_323 = arith.addi %mul3A_209, %add3A_322 : vector<16xi32>
          %add3A_324 = vector.broadcast %mul3A_314 : i32 to vector<16xi32>
          %add3A_325 = arith.addi %and3A_157, %add3A_324 : vector<16xi32>
          %add3A_326 = arith.addi %mul3A_209, %add3A_325 : vector<16xi32>
          %add3A_327 = vector.broadcast %mul3A_314 : i32 to vector<16xi32>
          %add3A_328 = arith.addi %and3A_163, %add3A_327 : vector<16xi32>
          %add3A_329 = arith.addi %mul3A_209, %add3A_328 : vector<16xi32>
          %add3A_330 = vector.broadcast %mul3A_314 : i32 to vector<16xi32>
          %add3A_331 = arith.addi %and3A_169, %add3A_330 : vector<16xi32>
          %add3A_332 = arith.addi %mul3A_209, %add3A_331 : vector<16xi32>
          %add3A_333 = vector.broadcast %mul3A_314 : i32 to vector<16xi32>
          %add3A_334 = arith.addi %and3A_175, %add3A_333 : vector<16xi32>
          %add3A_335 = arith.addi %mul3A_209, %add3A_334 : vector<16xi32>
          %add3A_336 = vector.broadcast %mul3A_314 : i32 to vector<16xi32>
          %add3A_337 = arith.addi %and3A_181, %add3A_336 : vector<16xi32>
          %add3A_338 = arith.addi %mul3A_209, %add3A_337 : vector<16xi32>
          %gather3A = tpu.vector_load_idx %arg7[%add3A_317] : memref<10240xi32, #tpu.memory_space<vmem>>[vector<16xi32>], vector<16xi32>,
          %gather3A_339 = tpu.vector_load_idx %arg7[%add3A_320] : memref<10240xi32, #tpu.memory_space<vmem>>[vector<16xi32>], vector<16xi32>,
          %gather3A_340 = tpu.vector_load_idx %arg7[%add3A_323] : memref<10240xi32, #tpu.memory_space<vmem>>[vector<16xi32>], vector<16xi32>,
          %gather3A_341 = tpu.vector_load_idx %arg7[%add3A_326] : memref<10240xi32, #tpu.memory_space<vmem>>[vector<16xi32>], vector<16xi32>,
          %gather3A_342 = tpu.vector_load_idx %arg7[%add3A_329] : memref<10240xi32, #tpu.memory_space<vmem>>[vector<16xi32>], vector<16xi32>,
          %gather3A_343 = tpu.vector_load_idx %arg7[%add3A_332] : memref<10240xi32, #tpu.memory_space<vmem>>[vector<16xi32>], vector<16xi32>,
          %gather3A_344 = tpu.vector_load_idx %arg7[%add3A_335] : memref<10240xi32, #tpu.memory_space<vmem>>[vector<16xi32>], vector<16xi32>,
          %gather3A_345 = tpu.vector_load_idx %arg7[%add3A_338] : memref<10240xi32, #tpu.memory_space<vmem>>[vector<16xi32>], vector<16xi32>,
          %gather3A_346 = tpu.vector_load_idx %arg8[%add3A_317] : memref<10240xf32, #tpu.memory_space<vmem>>[vector<16xi32>], vector<16xf32>,
          %gather3A_347 = tpu.vector_load_idx %arg8[%add3A_320] : memref<10240xf32, #tpu.memory_space<vmem>>[vector<16xi32>], vector<16xf32>,
          %gather3A_348 = tpu.vector_load_idx %arg8[%add3A_323] : memref<10240xf32, #tpu.memory_space<vmem>>[vector<16xi32>], vector<16xf32>,
          %gather3A_349 = tpu.vector_load_idx %arg8[%add3A_326] : memref<10240xf32, #tpu.memory_space<vmem>>[vector<16xi32>], vector<16xf32>,
          %gather3A_350 = tpu.vector_load_idx %arg8[%add3A_329] : memref<10240xf32, #tpu.memory_space<vmem>>[vector<16xi32>], vector<16xf32>,
          %gather3A_351 = tpu.vector_load_idx %arg8[%add3A_332] : memref<10240xf32, #tpu.memory_space<vmem>>[vector<16xi32>], vector<16xf32>,
          %gather3A_352 = tpu.vector_load_idx %arg8[%add3A_335] : memref<10240xf32, #tpu.memory_space<vmem>>[vector<16xi32>], vector<16xf32>,
          %gather3A_353 = tpu.vector_load_idx %arg8[%add3A_338] : memref<10240xf32, #tpu.memory_space<vmem>>[vector<16xi32>], vector<16xf32>,
          %bitcast3A = vector.bitcast %gather3A_346 : vector<16xf32> to vector<16xi32>
          %add3A_354 = arith.addi %bitcast3A, %broadcast_in_dim3A_33 : vector<16xi32>
          %and3A_355 = arith.andi %add3A_354, %broadcast_in_dim3A_31 : vector<16xi32>
          %shift_right_logical3A = arith.shrui %and3A_355, %broadcast_in_dim3A_29 : vector<16xi32>
          %or3A = arith.ori %and3A_355, %shift_right_logical3A : vector<16xi32>
          %bitcast3A_356 = vector.bitcast %or3A : vector<16xi32> to vector<32xbf16>
          %bitcast3A_357 = vector.bitcast %gather3A_347 : vector<16xf32> to vector<16xi32>
          %add3A_358 = arith.addi %bitcast3A_357, %broadcast_in_dim3A_33 : vector<16xi32>
          %and3A_359 = arith.andi %add3A_358, %broadcast_in_dim3A_31 : vector<16xi32>
          %shift_right_logical3A_360 = arith.shrui %and3A_359, %broadcast_in_dim3A_29 : vector<16xi32>
          %or3A_361 = arith.ori %and3A_359, %shift_right_logical3A_360 : vector<16xi32>
          %bitcast3A_362 = vector.bitcast %or3A_361 : vector<16xi32> to vector<32xbf16>
          %bitcast3A_363 = vector.bitcast %gather3A_348 : vector<16xf32> to vector<16xi32>
          %add3A_364 = arith.addi %bitcast3A_363, %broadcast_in_dim3A_33 : vector<16xi32>
          %and3A_365 = arith.andi %add3A_364, %broadcast_in_dim3A_31 : vector<16xi32>
          %shift_right_logical3A_366 = arith.shrui %and3A_365, %broadcast_in_dim3A_29 : vector<16xi32>
          %or3A_367 = arith.ori %and3A_365, %shift_right_logical3A_366 : vector<16xi32>
          %bitcast3A_368 = vector.bitcast %or3A_367 : vector<16xi32> to vector<32xbf16>
          %bitcast3A_369 = vector.bitcast %gather3A_349 : vector<16xf32> to vector<16xi32>
          %add3A_370 = arith.addi %bitcast3A_369, %broadcast_in_dim3A_33 : vector<16xi32>
          %and3A_371 = arith.andi %add3A_370, %broadcast_in_dim3A_31 : vector<16xi32>
          %shift_right_logical3A_372 = arith.shrui %and3A_371, %broadcast_in_dim3A_29 : vector<16xi32>
          %or3A_373 = arith.ori %and3A_371, %shift_right_logical3A_372 : vector<16xi32>
          %bitcast3A_374 = vector.bitcast %or3A_373 : vector<16xi32> to vector<32xbf16>
          %bitcast3A_375 = vector.bitcast %gather3A_350 : vector<16xf32> to vector<16xi32>
          %add3A_376 = arith.addi %bitcast3A_375, %broadcast_in_dim3A_33 : vector<16xi32>
          %and3A_377 = arith.andi %add3A_376, %broadcast_in_dim3A_31 : vector<16xi32>
          %shift_right_logical3A_378 = arith.shrui %and3A_377, %broadcast_in_dim3A_29 : vector<16xi32>
          %or3A_379 = arith.ori %and3A_377, %shift_right_logical3A_378 : vector<16xi32>
          %bitcast3A_380 = vector.bitcast %or3A_379 : vector<16xi32> to vector<32xbf16>
          %bitcast3A_381 = vector.bitcast %gather3A_351 : vector<16xf32> to vector<16xi32>
          %add3A_382 = arith.addi %bitcast3A_381, %broadcast_in_dim3A_33 : vector<16xi32>
          %and3A_383 = arith.andi %add3A_382, %broadcast_in_dim3A_31 : vector<16xi32>
          %shift_right_logical3A_384 = arith.shrui %and3A_383, %broadcast_in_dim3A_29 : vector<16xi32>
          %or3A_385 = arith.ori %and3A_383, %shift_right_logical3A_384 : vector<16xi32>
          %bitcast3A_386 = vector.bitcast %or3A_385 : vector<16xi32> to vector<32xbf16>
          %bitcast3A_387 = vector.bitcast %gather3A_352 : vector<16xf32> to vector<16xi32>
          %add3A_388 = arith.addi %bitcast3A_387, %broadcast_in_dim3A_33 : vector<16xi32>
          %and3A_389 = arith.andi %add3A_388, %broadcast_in_dim3A_31 : vector<16xi32>
          %shift_right_logical3A_390 = arith.shrui %and3A_389, %broadcast_in_dim3A_29 : vector<16xi32>
          %or3A_391 = arith.ori %and3A_389, %shift_right_logical3A_390 : vector<16xi32>
          %bitcast3A_392 = vector.bitcast %or3A_391 : vector<16xi32> to vector<32xbf16>
          %bitcast3A_393 = vector.bitcast %gather3A_353 : vector<16xf32> to vector<16xi32>
          %add3A_394 = arith.addi %bitcast3A_393, %broadcast_in_dim3A_33 : vector<16xi32>
          %and3A_395 = arith.andi %add3A_394, %broadcast_in_dim3A_31 : vector<16xi32>
          %shift_right_logical3A_396 = arith.shrui %and3A_395, %broadcast_in_dim3A_29 : vector<16xi32>
          %or3A_397 = arith.ori %and3A_395, %shift_right_logical3A_396 : vector<16xi32>
          %bitcast3A_398 = vector.bitcast %or3A_397 : vector<16xi32> to vector<32xbf16>
          %add3A_399 = arith.addi %gather3A, %and3A_43 : vector<16xi32>
          %gather3A_400 = tpu.vector_load_idx %arg6[%add3A_399] : memref<87040xi32, #tpu.memory_space<vmem>>[vector<16xi32>], vector<16xi32>,
          %add3A_401 = arith.addi %gather3A, %and3A_49 : vector<16xi32>
          %gather3A_402 = tpu.vector_load_idx %arg6[%add3A_401] : memref<87040xi32, #tpu.memory_space<vmem>>[vector<16xi32>], vector<16xi32>,
          %add3A_403 = arith.addi %gather3A, %and3A_55 : vector<16xi32>
          %gather3A_404 = tpu.vector_load_idx %arg6[%add3A_403] : memref<87040xi32, #tpu.memory_space<vmem>>[vector<16xi32>], vector<16xi32>,
          %add3A_405 = arith.addi %gather3A, %and3A_61 : vector<16xi32>
          %gather3A_406 = tpu.vector_load_idx %arg6[%add3A_405] : memref<87040xi32, #tpu.memory_space<vmem>>[vector<16xi32>], vector<16xi32>,
          %add3A_407 = arith.addi %gather3A, %and3A_67 : vector<16xi32>
          %gather3A_408 = tpu.vector_load_idx %arg6[%add3A_407] : memref<87040xi32, #tpu.memory_space<vmem>>[vector<16xi32>], vector<16xi32>,
          %add3A_409 = arith.addi %gather3A, %and3A_73 : vector<16xi32>
          %gather3A_410 = tpu.vector_load_idx %arg6[%add3A_409] : memref<87040xi32, #tpu.memory_space<vmem>>[vector<16xi32>], vector<16xi32>,
          %add3A_411 = arith.addi %gather3A, %and3A_79 : vector<16xi32>
          %gather3A_412 = tpu.vector_load_idx %arg6[%add3A_411] : memref<87040xi32, #tpu.memory_space<vmem>>[vector<16xi32>], vector<16xi32>,
          %add3A_413 = arith.addi %gather3A, %and3A_85 : vector<16xi32>
          %gather3A_414 = tpu.vector_load_idx %arg6[%add3A_413] : memref<87040xi32, #tpu.memory_space<vmem>>[vector<16xi32>], vector<16xi32>,
          %add3A_415 = arith.addi %gather3A, %and3A_91 : vector<16xi32>
          %gather3A_416 = tpu.vector_load_idx %arg6[%add3A_415] : memref<87040xi32, #tpu.memory_space<vmem>>[vector<16xi32>], vector<16xi32>,
          %add3A_417 = arith.addi %gather3A, %and3A_97 : vector<16xi32>
          %gather3A_418 = tpu.vector_load_idx %arg6[%add3A_417] : memref<87040xi32, #tpu.memory_space<vmem>>[vector<16xi32>], vector<16xi32>,
          %add3A_419 = arith.addi %gather3A, %and3A_103 : vector<16xi32>
          %gather3A_420 = tpu.vector_load_idx %arg6[%add3A_419] : memref<87040xi32, #tpu.memory_space<vmem>>[vector<16xi32>], vector<16xi32>,
          %add3A_421 = arith.addi %gather3A, %and3A_109 : vector<16xi32>
          %gather3A_422 = tpu.vector_load_idx %arg6[%add3A_421] : memref<87040xi32, #tpu.memory_space<vmem>>[vector<16xi32>], vector<16xi32>,
          %add3A_423 = arith.addi %gather3A, %and3A_115 : vector<16xi32>
          %gather3A_424 = tpu.vector_load_idx %arg6[%add3A_423] : memref<87040xi32, #tpu.memory_space<vmem>>[vector<16xi32>], vector<16xi32>,
          %add3A_425 = arith.addi %gather3A, %and3A_121 : vector<16xi32>
          %gather3A_426 = tpu.vector_load_idx %arg6[%add3A_425] : memref<87040xi32, #tpu.memory_space<vmem>>[vector<16xi32>], vector<16xi32>,
          %add3A_427 = arith.addi %gather3A, %and3A_127 : vector<16xi32>
          %gather3A_428 = tpu.vector_load_idx %arg6[%add3A_427] : memref<87040xi32, #tpu.memory_space<vmem>>[vector<16xi32>], vector<16xi32>,
          %add3A_429 = arith.addi %gather3A, %and3A_133 : vector<16xi32>
          %gather3A_430 = tpu.vector_load_idx %arg6[%add3A_429] : memref<87040xi32, #tpu.memory_space<vmem>>[vector<16xi32>], vector<16xi32>,
          %bitcast3A_431 = vector.bitcast %gather3A_400 : vector<16xi32> to vector<32xbf16>
          %mul3A_432 = arith.mulf %bitcast3A_356, %bitcast3A_431 : vector<32xbf16>
          %bitcast3A_433 = vector.bitcast %gather3A_402 : vector<16xi32> to vector<32xbf16>
          %mul3A_434 = arith.mulf %bitcast3A_356, %bitcast3A_433 : vector<32xbf16>
          %bitcast3A_435 = vector.bitcast %gather3A_404 : vector<16xi32> to vector<32xbf16>
          %mul3A_436 = arith.mulf %bitcast3A_356, %bitcast3A_435 : vector<32xbf16>
          %bitcast3A_437 = vector.bitcast %gather3A_406 : vector<16xi32> to vector<32xbf16>
          %mul3A_438 = arith.mulf %bitcast3A_356, %bitcast3A_437 : vector<32xbf16>
          %bitcast3A_439 = vector.bitcast %gather3A_408 : vector<16xi32> to vector<32xbf16>
          %mul3A_440 = arith.mulf %bitcast3A_356, %bitcast3A_439 : vector<32xbf16>
          %bitcast3A_441 = vector.bitcast %gather3A_410 : vector<16xi32> to vector<32xbf16>
          %mul3A_442 = arith.mulf %bitcast3A_356, %bitcast3A_441 : vector<32xbf16>
          %bitcast3A_443 = vector.bitcast %gather3A_412 : vector<16xi32> to vector<32xbf16>
          %mul3A_444 = arith.mulf %bitcast3A_356, %bitcast3A_443 : vector<32xbf16>
          %bitcast3A_445 = vector.bitcast %gather3A_414 : vector<16xi32> to vector<32xbf16>
          %mul3A_446 = arith.mulf %bitcast3A_356, %bitcast3A_445 : vector<32xbf16>
          %bitcast3A_447 = vector.bitcast %gather3A_416 : vector<16xi32> to vector<32xbf16>
          %mul3A_448 = arith.mulf %bitcast3A_356, %bitcast3A_447 : vector<32xbf16>
          %bitcast3A_449 = vector.bitcast %gather3A_418 : vector<16xi32> to vector<32xbf16>
          %mul3A_450 = arith.mulf %bitcast3A_356, %bitcast3A_449 : vector<32xbf16>
          %bitcast3A_451 = vector.bitcast %gather3A_420 : vector<16xi32> to vector<32xbf16>
          %mul3A_452 = arith.mulf %bitcast3A_356, %bitcast3A_451 : vector<32xbf16>
          %bitcast3A_453 = vector.bitcast %gather3A_422 : vector<16xi32> to vector<32xbf16>
          %mul3A_454 = arith.mulf %bitcast3A_356, %bitcast3A_453 : vector<32xbf16>
          %bitcast3A_455 = vector.bitcast %gather3A_424 : vector<16xi32> to vector<32xbf16>
          %mul3A_456 = arith.mulf %bitcast3A_356, %bitcast3A_455 : vector<32xbf16>
          %bitcast3A_457 = vector.bitcast %gather3A_426 : vector<16xi32> to vector<32xbf16>
          %mul3A_458 = arith.mulf %bitcast3A_356, %bitcast3A_457 : vector<32xbf16>
          %bitcast3A_459 = vector.bitcast %gather3A_428 : vector<16xi32> to vector<32xbf16>
          %mul3A_460 = arith.mulf %bitcast3A_356, %bitcast3A_459 : vector<32xbf16>
          %bitcast3A_461 = vector.bitcast %gather3A_430 : vector<16xi32> to vector<32xbf16>
          %mul3A_462 = arith.mulf %bitcast3A_356, %bitcast3A_461 : vector<32xbf16>
          %add3A_463 = arith.addi %gather3A_339, %and3A_43 : vector<16xi32>
          %gather3A_464 = tpu.vector_load_idx %arg6[%add3A_463] : memref<87040xi32, #tpu.memory_space<vmem>>[vector<16xi32>], vector<16xi32>,
          %add3A_465 = arith.addi %gather3A_339, %and3A_49 : vector<16xi32>
          %gather3A_466 = tpu.vector_load_idx %arg6[%add3A_465] : memref<87040xi32, #tpu.memory_space<vmem>>[vector<16xi32>], vector<16xi32>,
          %add3A_467 = arith.addi %gather3A_339, %and3A_55 : vector<16xi32>
          %gather3A_468 = tpu.vector_load_idx %arg6[%add3A_467] : memref<87040xi32, #tpu.memory_space<vmem>>[vector<16xi32>], vector<16xi32>,
          %add3A_469 = arith.addi %gather3A_339, %and3A_61 : vector<16xi32>
          %gather3A_470 = tpu.vector_load_idx %arg6[%add3A_469] : memref<87040xi32, #tpu.memory_space<vmem>>[vector<16xi32>], vector<16xi32>,
          %add3A_471 = arith.addi %gather3A_339, %and3A_67 : vector<16xi32>
          %gather3A_472 = tpu.vector_load_idx %arg6[%add3A_471] : memref<87040xi32, #tpu.memory_space<vmem>>[vector<16xi32>], vector<16xi32>,
          %add3A_473 = arith.addi %gather3A_339, %and3A_73 : vector<16xi32>
          %gather3A_474 = tpu.vector_load_idx %arg6[%add3A_473] : memref<87040xi32, #tpu.memory_space<vmem>>[vector<16xi32>], vector<16xi32>,
          %add3A_475 = arith.addi %gather3A_339, %and3A_79 : vector<16xi32>
          %gather3A_476 = tpu.vector_load_idx %arg6[%add3A_475] : memref<87040xi32, #tpu.memory_space<vmem>>[vector<16xi32>], vector<16xi32>,
          %add3A_477 = arith.addi %gather3A_339, %and3A_85 : vector<16xi32>
          %gather3A_478 = tpu.vector_load_idx %arg6[%add3A_477] : memref<87040xi32, #tpu.memory_space<vmem>>[vector<16xi32>], vector<16xi32>,
          %add3A_479 = arith.addi %gather3A_339, %and3A_91 : vector<16xi32>
          %gather3A_480 = tpu.vector_load_idx %arg6[%add3A_479] : memref<87040xi32, #tpu.memory_space<vmem>>[vector<16xi32>], vector<16xi32>,
          %add3A_481 = arith.addi %gather3A_339, %and3A_97 : vector<16xi32>
          %gather3A_482 = tpu.vector_load_idx %arg6[%add3A_481] : memref<87040xi32, #tpu.memory_space<vmem>>[vector<16xi32>], vector<16xi32>,
          %add3A_483 = arith.addi %gather3A_339, %and3A_103 : vector<16xi32>
          %gather3A_484 = tpu.vector_load_idx %arg6[%add3A_483] : memref<87040xi32, #tpu.memory_space<vmem>>[vector<16xi32>], vector<16xi32>,
          %add3A_485 = arith.addi %gather3A_339, %and3A_109 : vector<16xi32>
          %gather3A_486 = tpu.vector_load_idx %arg6[%add3A_485] : memref<87040xi32, #tpu.memory_space<vmem>>[vector<16xi32>], vector<16xi32>,
          %add3A_487 = arith.addi %gather3A_339, %and3A_115 : vector<16xi32>
          %gather3A_488 = tpu.vector_load_idx %arg6[%add3A_487] : memref<87040xi32, #tpu.memory_space<vmem>>[vector<16xi32>], vector<16xi32>,
          %add3A_489 = arith.addi %gather3A_339, %and3A_121 : vector<16xi32>
          %gather3A_490 = tpu.vector_load_idx %arg6[%add3A_489] : memref<87040xi32, #tpu.memory_space<vmem>>[vector<16xi32>], vector<16xi32>,
          %add3A_491 = arith.addi %gather3A_339, %and3A_127 : vector<16xi32>
          %gather3A_492 = tpu.vector_load_idx %arg6[%add3A_491] : memref<87040xi32, #tpu.memory_space<vmem>>[vector<16xi32>], vector<16xi32>,
          %add3A_493 = arith.addi %gather3A_339, %and3A_133 : vector<16xi32>
          %gather3A_494 = tpu.vector_load_idx %arg6[%add3A_493] : memref<87040xi32, #tpu.memory_space<vmem>>[vector<16xi32>], vector<16xi32>,
          %bitcast3A_495 = vector.bitcast %gather3A_464 : vector<16xi32> to vector<32xbf16>
          %mul3A_496 = arith.mulf %bitcast3A_362, %bitcast3A_495 : vector<32xbf16>
          %add3A_497 = arith.addf %mul3A_432, %mul3A_496 : vector<32xbf16>
          %bitcast3A_498 = vector.bitcast %gather3A_466 : vector<16xi32> to vector<32xbf16>
          %mul3A_499 = arith.mulf %bitcast3A_362, %bitcast3A_498 : vector<32xbf16>
          %add3A_500 = arith.addf %mul3A_434, %mul3A_499 : vector<32xbf16>
          %bitcast3A_501 = vector.bitcast %gather3A_468 : vector<16xi32> to vector<32xbf16>
          %mul3A_502 = arith.mulf %bitcast3A_362, %bitcast3A_501 : vector<32xbf16>
          %add3A_503 = arith.addf %mul3A_436, %mul3A_502 : vector<32xbf16>
          %bitcast3A_504 = vector.bitcast %gather3A_470 : vector<16xi32> to vector<32xbf16>
          %mul3A_505 = arith.mulf %bitcast3A_362, %bitcast3A_504 : vector<32xbf16>
          %add3A_506 = arith.addf %mul3A_438, %mul3A_505 : vector<32xbf16>
          %bitcast3A_507 = vector.bitcast %gather3A_472 : vector<16xi32> to vector<32xbf16>
          %mul3A_508 = arith.mulf %bitcast3A_362, %bitcast3A_507 : vector<32xbf16>
          %add3A_509 = arith.addf %mul3A_440, %mul3A_508 : vector<32xbf16>
          %bitcast3A_510 = vector.bitcast %gather3A_474 : vector<16xi32> to vector<32xbf16>
          %mul3A_511 = arith.mulf %bitcast3A_362, %bitcast3A_510 : vector<32xbf16>
          %add3A_512 = arith.addf %mul3A_442, %mul3A_511 : vector<32xbf16>
          %bitcast3A_513 = vector.bitcast %gather3A_476 : vector<16xi32> to vector<32xbf16>
          %mul3A_514 = arith.mulf %bitcast3A_362, %bitcast3A_513 : vector<32xbf16>
          %add3A_515 = arith.addf %mul3A_444, %mul3A_514 : vector<32xbf16>
          %bitcast3A_516 = vector.bitcast %gather3A_478 : vector<16xi32> to vector<32xbf16>
          %mul3A_517 = arith.mulf %bitcast3A_362, %bitcast3A_516 : vector<32xbf16>
          %add3A_518 = arith.addf %mul3A_446, %mul3A_517 : vector<32xbf16>
          %bitcast3A_519 = vector.bitcast %gather3A_480 : vector<16xi32> to vector<32xbf16>
          %mul3A_520 = arith.mulf %bitcast3A_362, %bitcast3A_519 : vector<32xbf16>
          %add3A_521 = arith.addf %mul3A_448, %mul3A_520 : vector<32xbf16>
          %bitcast3A_522 = vector.bitcast %gather3A_482 : vector<16xi32> to vector<32xbf16>
          %mul3A_523 = arith.mulf %bitcast3A_362, %bitcast3A_522 : vector<32xbf16>
          %add3A_524 = arith.addf %mul3A_450, %mul3A_523 : vector<32xbf16>
          %bitcast3A_525 = vector.bitcast %gather3A_484 : vector<16xi32> to vector<32xbf16>
          %mul3A_526 = arith.mulf %bitcast3A_362, %bitcast3A_525 : vector<32xbf16>
          %add3A_527 = arith.addf %mul3A_452, %mul3A_526 : vector<32xbf16>
          %bitcast3A_528 = vector.bitcast %gather3A_486 : vector<16xi32> to vector<32xbf16>
          %mul3A_529 = arith.mulf %bitcast3A_362, %bitcast3A_528 : vector<32xbf16>
          %add3A_530 = arith.addf %mul3A_454, %mul3A_529 : vector<32xbf16>
          %bitcast3A_531 = vector.bitcast %gather3A_488 : vector<16xi32> to vector<32xbf16>
          %mul3A_532 = arith.mulf %bitcast3A_362, %bitcast3A_531 : vector<32xbf16>
          %add3A_533 = arith.addf %mul3A_456, %mul3A_532 : vector<32xbf16>
          %bitcast3A_534 = vector.bitcast %gather3A_490 : vector<16xi32> to vector<32xbf16>
          %mul3A_535 = arith.mulf %bitcast3A_362, %bitcast3A_534 : vector<32xbf16>
          %add3A_536 = arith.addf %mul3A_458, %mul3A_535 : vector<32xbf16>
          %bitcast3A_537 = vector.bitcast %gather3A_492 : vector<16xi32> to vector<32xbf16>
          %mul3A_538 = arith.mulf %bitcast3A_362, %bitcast3A_537 : vector<32xbf16>
          %add3A_539 = arith.addf %mul3A_460, %mul3A_538 : vector<32xbf16>
          %bitcast3A_540 = vector.bitcast %gather3A_494 : vector<16xi32> to vector<32xbf16>
          %mul3A_541 = arith.mulf %bitcast3A_362, %bitcast3A_540 : vector<32xbf16>
          %add3A_542 = arith.addf %mul3A_462, %mul3A_541 : vector<32xbf16>
          %add3A_543 = arith.addi %gather3A_340, %and3A_43 : vector<16xi32>
          %gather3A_544 = tpu.vector_load_idx %arg6[%add3A_543] : memref<87040xi32, #tpu.memory_space<vmem>>[vector<16xi32>], vector<16xi32>,
          %add3A_545 = arith.addi %gather3A_340, %and3A_49 : vector<16xi32>
          %gather3A_546 = tpu.vector_load_idx %arg6[%add3A_545] : memref<87040xi32, #tpu.memory_space<vmem>>[vector<16xi32>], vector<16xi32>,
          %add3A_547 = arith.addi %gather3A_340, %and3A_55 : vector<16xi32>
          %gather3A_548 = tpu.vector_load_idx %arg6[%add3A_547] : memref<87040xi32, #tpu.memory_space<vmem>>[vector<16xi32>], vector<16xi32>,
          %add3A_549 = arith.addi %gather3A_340, %and3A_61 : vector<16xi32>
          %gather3A_550 = tpu.vector_load_idx %arg6[%add3A_549] : memref<87040xi32, #tpu.memory_space<vmem>>[vector<16xi32>], vector<16xi32>,
          %add3A_551 = arith.addi %gather3A_340, %and3A_67 : vector<16xi32>
          %gather3A_552 = tpu.vector_load_idx %arg6[%add3A_551] : memref<87040xi32, #tpu.memory_space<vmem>>[vector<16xi32>], vector<16xi32>,
          %add3A_553 = arith.addi %gather3A_340, %and3A_73 : vector<16xi32>
          %gather3A_554 = tpu.vector_load_idx %arg6[%add3A_553] : memref<87040xi32, #tpu.memory_space<vmem>>[vector<16xi32>], vector<16xi32>,
          %add3A_555 = arith.addi %gather3A_340, %and3A_79 : vector<16xi32>
          %gather3A_556 = tpu.vector_load_idx %arg6[%add3A_555] : memref<87040xi32, #tpu.memory_space<vmem>>[vector<16xi32>], vector<16xi32>,
          %add3A_557 = arith.addi %gather3A_340, %and3A_85 : vector<16xi32>
          %gather3A_558 = tpu.vector_load_idx %arg6[%add3A_557] : memref<87040xi32, #tpu.memory_space<vmem>>[vector<16xi32>], vector<16xi32>,
          %add3A_559 = arith.addi %gather3A_340, %and3A_91 : vector<16xi32>
          %gather3A_560 = tpu.vector_load_idx %arg6[%add3A_559] : memref<87040xi32, #tpu.memory_space<vmem>>[vector<16xi32>], vector<16xi32>,
          %add3A_561 = arith.addi %gather3A_340, %and3A_97 : vector<16xi32>
          %gather3A_562 = tpu.vector_load_idx %arg6[%add3A_561] : memref<87040xi32, #tpu.memory_space<vmem>>[vector<16xi32>], vector<16xi32>,
          %add3A_563 = arith.addi %gather3A_340, %and3A_103 : vector<16xi32>
          %gather3A_564 = tpu.vector_load_idx %arg6[%add3A_563] : memref<87040xi32, #tpu.memory_space<vmem>>[vector<16xi32>], vector<16xi32>,
          %add3A_565 = arith.addi %gather3A_340, %and3A_109 : vector<16xi32>
          %gather3A_566 = tpu.vector_load_idx %arg6[%add3A_565] : memref<87040xi32, #tpu.memory_space<vmem>>[vector<16xi32>], vector<16xi32>,
          %add3A_567 = arith.addi %gather3A_340, %and3A_115 : vector<16xi32>
          %gather3A_568 = tpu.vector_load_idx %arg6[%add3A_567] : memref<87040xi32, #tpu.memory_space<vmem>>[vector<16xi32>], vector<16xi32>,
          %add3A_569 = arith.addi %gather3A_340, %and3A_121 : vector<16xi32>
          %gather3A_570 = tpu.vector_load_idx %arg6[%add3A_569] : memref<87040xi32, #tpu.memory_space<vmem>>[vector<16xi32>], vector<16xi32>,
          %add3A_571 = arith.addi %gather3A_340, %and3A_127 : vector<16xi32>
          %gather3A_572 = tpu.vector_load_idx %arg6[%add3A_571] : memref<87040xi32, #tpu.memory_space<vmem>>[vector<16xi32>], vector<16xi32>,
          %add3A_573 = arith.addi %gather3A_340, %and3A_133 : vector<16xi32>
          %gather3A_574 = tpu.vector_load_idx %arg6[%add3A_573] : memref<87040xi32, #tpu.memory_space<vmem>>[vector<16xi32>], vector<16xi32>,
          %bitcast3A_575 = vector.bitcast %gather3A_544 : vector<16xi32> to vector<32xbf16>
          %mul3A_576 = arith.mulf %bitcast3A_368, %bitcast3A_575 : vector<32xbf16>
          %add3A_577 = arith.addf %add3A_497, %mul3A_576 : vector<32xbf16>
          %bitcast3A_578 = vector.bitcast %gather3A_546 : vector<16xi32> to vector<32xbf16>
          %mul3A_579 = arith.mulf %bitcast3A_368, %bitcast3A_578 : vector<32xbf16>
          %add3A_580 = arith.addf %add3A_500, %mul3A_579 : vector<32xbf16>
          %bitcast3A_581 = vector.bitcast %gather3A_548 : vector<16xi32> to vector<32xbf16>
          %mul3A_582 = arith.mulf %bitcast3A_368, %bitcast3A_581 : vector<32xbf16>
          %add3A_583 = arith.addf %add3A_503, %mul3A_582 : vector<32xbf16>
          %bitcast3A_584 = vector.bitcast %gather3A_550 : vector<16xi32> to vector<32xbf16>
          %mul3A_585 = arith.mulf %bitcast3A_368, %bitcast3A_584 : vector<32xbf16>
          %add3A_586 = arith.addf %add3A_506, %mul3A_585 : vector<32xbf16>
          %bitcast3A_587 = vector.bitcast %gather3A_552 : vector<16xi32> to vector<32xbf16>
          %mul3A_588 = arith.mulf %bitcast3A_368, %bitcast3A_587 : vector<32xbf16>
          %add3A_589 = arith.addf %add3A_509, %mul3A_588 : vector<32xbf16>
          %bitcast3A_590 = vector.bitcast %gather3A_554 : vector<16xi32> to vector<32xbf16>
          %mul3A_591 = arith.mulf %bitcast3A_368, %bitcast3A_590 : vector<32xbf16>
          %add3A_592 = arith.addf %add3A_512, %mul3A_591 : vector<32xbf16>
          %bitcast3A_593 = vector.bitcast %gather3A_556 : vector<16xi32> to vector<32xbf16>
          %mul3A_594 = arith.mulf %bitcast3A_368, %bitcast3A_593 : vector<32xbf16>
          %add3A_595 = arith.addf %add3A_515, %mul3A_594 : vector<32xbf16>
          %bitcast3A_596 = vector.bitcast %gather3A_558 : vector<16xi32> to vector<32xbf16>
          %mul3A_597 = arith.mulf %bitcast3A_368, %bitcast3A_596 : vector<32xbf16>
          %add3A_598 = arith.addf %add3A_518, %mul3A_597 : vector<32xbf16>
          %bitcast3A_599 = vector.bitcast %gather3A_560 : vector<16xi32> to vector<32xbf16>
          %mul3A_600 = arith.mulf %bitcast3A_368, %bitcast3A_599 : vector<32xbf16>
          %add3A_601 = arith.addf %add3A_521, %mul3A_600 : vector<32xbf16>
          %bitcast3A_602 = vector.bitcast %gather3A_562 : vector<16xi32> to vector<32xbf16>
          %mul3A_603 = arith.mulf %bitcast3A_368, %bitcast3A_602 : vector<32xbf16>
          %add3A_604 = arith.addf %add3A_524, %mul3A_603 : vector<32xbf16>
          %bitcast3A_605 = vector.bitcast %gather3A_564 : vector<16xi32> to vector<32xbf16>
          %mul3A_606 = arith.mulf %bitcast3A_368, %bitcast3A_605 : vector<32xbf16>
          %add3A_607 = arith.addf %add3A_527, %mul3A_606 : vector<32xbf16>
          %bitcast3A_608 = vector.bitcast %gather3A_566 : vector<16xi32> to vector<32xbf16>
          %mul3A_609 = arith.mulf %bitcast3A_368, %bitcast3A_608 : vector<32xbf16>
          %add3A_610 = arith.addf %add3A_530, %mul3A_609 : vector<32xbf16>
          %bitcast3A_611 = vector.bitcast %gather3A_568 : vector<16xi32> to vector<32xbf16>
          %mul3A_612 = arith.mulf %bitcast3A_368, %bitcast3A_611 : vector<32xbf16>
          %add3A_613 = arith.addf %add3A_533, %mul3A_612 : vector<32xbf16>
          %bitcast3A_614 = vector.bitcast %gather3A_570 : vector<16xi32> to vector<32xbf16>
          %mul3A_615 = arith.mulf %bitcast3A_368, %bitcast3A_614 : vector<32xbf16>
          %add3A_616 = arith.addf %add3A_536, %mul3A_615 : vector<32xbf16>
          %bitcast3A_617 = vector.bitcast %gather3A_572 : vector<16xi32> to vector<32xbf16>
          %mul3A_618 = arith.mulf %bitcast3A_368, %bitcast3A_617 : vector<32xbf16>
          %add3A_619 = arith.addf %add3A_539, %mul3A_618 : vector<32xbf16>
          %bitcast3A_620 = vector.bitcast %gather3A_574 : vector<16xi32> to vector<32xbf16>
          %mul3A_621 = arith.mulf %bitcast3A_368, %bitcast3A_620 : vector<32xbf16>
          %add3A_622 = arith.addf %add3A_542, %mul3A_621 : vector<32xbf16>
          %add3A_623 = arith.addi %gather3A_341, %and3A_43 : vector<16xi32>
          %gather3A_624 = tpu.vector_load_idx %arg6[%add3A_623] : memref<87040xi32, #tpu.memory_space<vmem>>[vector<16xi32>], vector<16xi32>,
          %add3A_625 = arith.addi %gather3A_341, %and3A_49 : vector<16xi32>
          %gather3A_626 = tpu.vector_load_idx %arg6[%add3A_625] : memref<87040xi32, #tpu.memory_space<vmem>>[vector<16xi32>], vector<16xi32>,
          %add3A_627 = arith.addi %gather3A_341, %and3A_55 : vector<16xi32>
          %gather3A_628 = tpu.vector_load_idx %arg6[%add3A_627] : memref<87040xi32, #tpu.memory_space<vmem>>[vector<16xi32>], vector<16xi32>,
          %add3A_629 = arith.addi %gather3A_341, %and3A_61 : vector<16xi32>
          %gather3A_630 = tpu.vector_load_idx %arg6[%add3A_629] : memref<87040xi32, #tpu.memory_space<vmem>>[vector<16xi32>], vector<16xi32>,
          %add3A_631 = arith.addi %gather3A_341, %and3A_67 : vector<16xi32>
          %gather3A_632 = tpu.vector_load_idx %arg6[%add3A_631] : memref<87040xi32, #tpu.memory_space<vmem>>[vector<16xi32>], vector<16xi32>,
          %add3A_633 = arith.addi %gather3A_341, %and3A_73 : vector<16xi32>
          %gather3A_634 = tpu.vector_load_idx %arg6[%add3A_633] : memref<87040xi32, #tpu.memory_space<vmem>>[vector<16xi32>], vector<16xi32>,
          %add3A_635 = arith.addi %gather3A_341, %and3A_79 : vector<16xi32>
          %gather3A_636 = tpu.vector_load_idx %arg6[%add3A_635] : memref<87040xi32, #tpu.memory_space<vmem>>[vector<16xi32>], vector<16xi32>,
          %add3A_637 = arith.addi %gather3A_341, %and3A_85 : vector<16xi32>
          %gather3A_638 = tpu.vector_load_idx %arg6[%add3A_637] : memref<87040xi32, #tpu.memory_space<vmem>>[vector<16xi32>], vector<16xi32>,
          %add3A_639 = arith.addi %gather3A_341, %and3A_91 : vector<16xi32>
          %gather3A_640 = tpu.vector_load_idx %arg6[%add3A_639] : memref<87040xi32, #tpu.memory_space<vmem>>[vector<16xi32>], vector<16xi32>,
          %add3A_641 = arith.addi %gather3A_341, %and3A_97 : vector<16xi32>
          %gather3A_642 = tpu.vector_load_idx %arg6[%add3A_641] : memref<87040xi32, #tpu.memory_space<vmem>>[vector<16xi32>], vector<16xi32>,
          %add3A_643 = arith.addi %gather3A_341, %and3A_103 : vector<16xi32>
          %gather3A_644 = tpu.vector_load_idx %arg6[%add3A_643] : memref<87040xi32, #tpu.memory_space<vmem>>[vector<16xi32>], vector<16xi32>,
          %add3A_645 = arith.addi %gather3A_341, %and3A_109 : vector<16xi32>
          %gather3A_646 = tpu.vector_load_idx %arg6[%add3A_645] : memref<87040xi32, #tpu.memory_space<vmem>>[vector<16xi32>], vector<16xi32>,
          %add3A_647 = arith.addi %gather3A_341, %and3A_115 : vector<16xi32>
          %gather3A_648 = tpu.vector_load_idx %arg6[%add3A_647] : memref<87040xi32, #tpu.memory_space<vmem>>[vector<16xi32>], vector<16xi32>,
          %add3A_649 = arith.addi %gather3A_341, %and3A_121 : vector<16xi32>
          %gather3A_650 = tpu.vector_load_idx %arg6[%add3A_649] : memref<87040xi32, #tpu.memory_space<vmem>>[vector<16xi32>], vector<16xi32>,
          %add3A_651 = arith.addi %gather3A_341, %and3A_127 : vector<16xi32>
          %gather3A_652 = tpu.vector_load_idx %arg6[%add3A_651] : memref<87040xi32, #tpu.memory_space<vmem>>[vector<16xi32>], vector<16xi32>,
          %add3A_653 = arith.addi %gather3A_341, %and3A_133 : vector<16xi32>
          %gather3A_654 = tpu.vector_load_idx %arg6[%add3A_653] : memref<87040xi32, #tpu.memory_space<vmem>>[vector<16xi32>], vector<16xi32>,
          %bitcast3A_655 = vector.bitcast %gather3A_624 : vector<16xi32> to vector<32xbf16>
          %mul3A_656 = arith.mulf %bitcast3A_374, %bitcast3A_655 : vector<32xbf16>
          %add3A_657 = arith.addf %add3A_577, %mul3A_656 : vector<32xbf16>
          %bitcast3A_658 = vector.bitcast %gather3A_626 : vector<16xi32> to vector<32xbf16>
          %mul3A_659 = arith.mulf %bitcast3A_374, %bitcast3A_658 : vector<32xbf16>
          %add3A_660 = arith.addf %add3A_580, %mul3A_659 : vector<32xbf16>
          %bitcast3A_661 = vector.bitcast %gather3A_628 : vector<16xi32> to vector<32xbf16>
          %mul3A_662 = arith.mulf %bitcast3A_374, %bitcast3A_661 : vector<32xbf16>
          %add3A_663 = arith.addf %add3A_583, %mul3A_662 : vector<32xbf16>
          %bitcast3A_664 = vector.bitcast %gather3A_630 : vector<16xi32> to vector<32xbf16>
          %mul3A_665 = arith.mulf %bitcast3A_374, %bitcast3A_664 : vector<32xbf16>
          %add3A_666 = arith.addf %add3A_586, %mul3A_665 : vector<32xbf16>
          %bitcast3A_667 = vector.bitcast %gather3A_632 : vector<16xi32> to vector<32xbf16>
          %mul3A_668 = arith.mulf %bitcast3A_374, %bitcast3A_667 : vector<32xbf16>
          %add3A_669 = arith.addf %add3A_589, %mul3A_668 : vector<32xbf16>
          %bitcast3A_670 = vector.bitcast %gather3A_634 : vector<16xi32> to vector<32xbf16>
          %mul3A_671 = arith.mulf %bitcast3A_374, %bitcast3A_670 : vector<32xbf16>
          %add3A_672 = arith.addf %add3A_592, %mul3A_671 : vector<32xbf16>
          %bitcast3A_673 = vector.bitcast %gather3A_636 : vector<16xi32> to vector<32xbf16>
          %mul3A_674 = arith.mulf %bitcast3A_374, %bitcast3A_673 : vector<32xbf16>
          %add3A_675 = arith.addf %add3A_595, %mul3A_674 : vector<32xbf16>
          %bitcast3A_676 = vector.bitcast %gather3A_638 : vector<16xi32> to vector<32xbf16>
          %mul3A_677 = arith.mulf %bitcast3A_374, %bitcast3A_676 : vector<32xbf16>
          %add3A_678 = arith.addf %add3A_598, %mul3A_677 : vector<32xbf16>
          %bitcast3A_679 = vector.bitcast %gather3A_640 : vector<16xi32> to vector<32xbf16>
          %mul3A_680 = arith.mulf %bitcast3A_374, %bitcast3A_679 : vector<32xbf16>
          %add3A_681 = arith.addf %add3A_601, %mul3A_680 : vector<32xbf16>
          %bitcast3A_682 = vector.bitcast %gather3A_642 : vector<16xi32> to vector<32xbf16>
          %mul3A_683 = arith.mulf %bitcast3A_374, %bitcast3A_682 : vector<32xbf16>
          %add3A_684 = arith.addf %add3A_604, %mul3A_683 : vector<32xbf16>
          %bitcast3A_685 = vector.bitcast %gather3A_644 : vector<16xi32> to vector<32xbf16>
          %mul3A_686 = arith.mulf %bitcast3A_374, %bitcast3A_685 : vector<32xbf16>
          %add3A_687 = arith.addf %add3A_607, %mul3A_686 : vector<32xbf16>
          %bitcast3A_688 = vector.bitcast %gather3A_646 : vector<16xi32> to vector<32xbf16>
          %mul3A_689 = arith.mulf %bitcast3A_374, %bitcast3A_688 : vector<32xbf16>
          %add3A_690 = arith.addf %add3A_610, %mul3A_689 : vector<32xbf16>
          %bitcast3A_691 = vector.bitcast %gather3A_648 : vector<16xi32> to vector<32xbf16>
          %mul3A_692 = arith.mulf %bitcast3A_374, %bitcast3A_691 : vector<32xbf16>
          %add3A_693 = arith.addf %add3A_613, %mul3A_692 : vector<32xbf16>
          %bitcast3A_694 = vector.bitcast %gather3A_650 : vector<16xi32> to vector<32xbf16>
          %mul3A_695 = arith.mulf %bitcast3A_374, %bitcast3A_694 : vector<32xbf16>
          %add3A_696 = arith.addf %add3A_616, %mul3A_695 : vector<32xbf16>
          %bitcast3A_697 = vector.bitcast %gather3A_652 : vector<16xi32> to vector<32xbf16>
          %mul3A_698 = arith.mulf %bitcast3A_374, %bitcast3A_697 : vector<32xbf16>
          %add3A_699 = arith.addf %add3A_619, %mul3A_698 : vector<32xbf16>
          %bitcast3A_700 = vector.bitcast %gather3A_654 : vector<16xi32> to vector<32xbf16>
          %mul3A_701 = arith.mulf %bitcast3A_374, %bitcast3A_700 : vector<32xbf16>
          %add3A_702 = arith.addf %add3A_622, %mul3A_701 : vector<32xbf16>
          %bitcast3A_703 = vector.bitcast %add3A_657 : vector<32xbf16> to vector<16xi32>
          %and3A_704 = arith.andi %bitcast3A_703, %broadcast_in_dim3A_31 : vector<16xi32>
          %bitcast3A_705 = vector.bitcast %and3A_704 : vector<16xi32> to vector<16xf32>
          %shift_left3A = arith.shli %bitcast3A_703, %broadcast_in_dim3A_29 : vector<16xi32>
          %bitcast3A_706 = vector.bitcast %shift_left3A : vector<16xi32> to vector<16xf32>
          %add3A_707 = arith.addi %and3A_43, %and3A_43 : vector<16xi32>
          tpu.vector_store_idx %arg9[%add3A_206, %add3A_707], %bitcast3A_706 {add = true} : memref<160x33xf32, #tpu.memory_space<vmem>>[vector<16xi32>, vector<16xi32>], vector<16xf32>,
          %add3A_708 = arith.constant 1 : i32
          %add3A_709 = vector.broadcast %add3A_708 : i32 to vector<16xi32>
          %add3A_710 = arith.addi %add3A_707, %add3A_709 : vector<16xi32>
          tpu.vector_store_idx %arg9[%add3A_206, %add3A_710], %bitcast3A_705 {add = true} : memref<160x33xf32, #tpu.memory_space<vmem>>[vector<16xi32>, vector<16xi32>], vector<16xf32>,
          %bitcast3A_711 = vector.bitcast %add3A_660 : vector<32xbf16> to vector<16xi32>
          %and3A_712 = arith.andi %bitcast3A_711, %broadcast_in_dim3A_31 : vector<16xi32>
          %bitcast3A_713 = vector.bitcast %and3A_712 : vector<16xi32> to vector<16xf32>
          %shift_left3A_714 = arith.shli %bitcast3A_711, %broadcast_in_dim3A_29 : vector<16xi32>
          %bitcast3A_715 = vector.bitcast %shift_left3A_714 : vector<16xi32> to vector<16xf32>
          %add3A_716 = arith.addi %and3A_49, %and3A_49 : vector<16xi32>
          tpu.vector_store_idx %arg9[%add3A_206, %add3A_716], %bitcast3A_715 {add = true} : memref<160x33xf32, #tpu.memory_space<vmem>>[vector<16xi32>, vector<16xi32>], vector<16xf32>,
          %add3A_717 = arith.constant 1 : i32
          %add3A_718 = vector.broadcast %add3A_717 : i32 to vector<16xi32>
          %add3A_719 = arith.addi %add3A_716, %add3A_718 : vector<16xi32>
          tpu.vector_store_idx %arg9[%add3A_206, %add3A_719], %bitcast3A_713 {add = true} : memref<160x33xf32, #tpu.memory_space<vmem>>[vector<16xi32>, vector<16xi32>], vector<16xf32>,
          %bitcast3A_720 = vector.bitcast %add3A_663 : vector<32xbf16> to vector<16xi32>
          %and3A_721 = arith.andi %bitcast3A_720, %broadcast_in_dim3A_31 : vector<16xi32>
          %bitcast3A_722 = vector.bitcast %and3A_721 : vector<16xi32> to vector<16xf32>
          %shift_left3A_723 = arith.shli %bitcast3A_720, %broadcast_in_dim3A_29 : vector<16xi32>
          %bitcast3A_724 = vector.bitcast %shift_left3A_723 : vector<16xi32> to vector<16xf32>
          %add3A_725 = arith.addi %and3A_55, %and3A_55 : vector<16xi32>
          tpu.vector_store_idx %arg9[%add3A_206, %add3A_725], %bitcast3A_724 {add = true} : memref<160x33xf32, #tpu.memory_space<vmem>>[vector<16xi32>, vector<16xi32>], vector<16xf32>,
          %add3A_726 = arith.constant 1 : i32
          %add3A_727 = vector.broadcast %add3A_726 : i32 to vector<16xi32>
          %add3A_728 = arith.addi %add3A_725, %add3A_727 : vector<16xi32>
          tpu.vector_store_idx %arg9[%add3A_206, %add3A_728], %bitcast3A_722 {add = true} : memref<160x33xf32, #tpu.memory_space<vmem>>[vector<16xi32>, vector<16xi32>], vector<16xf32>,
          %bitcast3A_729 = vector.bitcast %add3A_666 : vector<32xbf16> to vector<16xi32>
          %and3A_730 = arith.andi %bitcast3A_729, %broadcast_in_dim3A_31 : vector<16xi32>
          %bitcast3A_731 = vector.bitcast %and3A_730 : vector<16xi32> to vector<16xf32>
          %shift_left3A_732 = arith.shli %bitcast3A_729, %broadcast_in_dim3A_29 : vector<16xi32>
          %bitcast3A_733 = vector.bitcast %shift_left3A_732 : vector<16xi32> to vector<16xf32>
          %add3A_734 = arith.addi %and3A_61, %and3A_61 : vector<16xi32>
          tpu.vector_store_idx %arg9[%add3A_206, %add3A_734], %bitcast3A_733 {add = true} : memref<160x33xf32, #tpu.memory_space<vmem>>[vector<16xi32>, vector<16xi32>], vector<16xf32>,
          %add3A_735 = arith.constant 1 : i32
          %add3A_736 = vector.broadcast %add3A_735 : i32 to vector<16xi32>
          %add3A_737 = arith.addi %add3A_734, %add3A_736 : vector<16xi32>
          tpu.vector_store_idx %arg9[%add3A_206, %add3A_737], %bitcast3A_731 {add = true} : memref<160x33xf32, #tpu.memory_space<vmem>>[vector<16xi32>, vector<16xi32>], vector<16xf32>,
          %bitcast3A_738 = vector.bitcast %add3A_669 : vector<32xbf16> to vector<16xi32>
          %and3A_739 = arith.andi %bitcast3A_738, %broadcast_in_dim3A_31 : vector<16xi32>
          %bitcast3A_740 = vector.bitcast %and3A_739 : vector<16xi32> to vector<16xf32>
          %shift_left3A_741 = arith.shli %bitcast3A_738, %broadcast_in_dim3A_29 : vector<16xi32>
          %bitcast3A_742 = vector.bitcast %shift_left3A_741 : vector<16xi32> to vector<16xf32>
          %add3A_743 = arith.addi %and3A_67, %and3A_67 : vector<16xi32>
          tpu.vector_store_idx %arg9[%add3A_206, %add3A_743], %bitcast3A_742 {add = true} : memref<160x33xf32, #tpu.memory_space<vmem>>[vector<16xi32>, vector<16xi32>], vector<16xf32>,
          %add3A_744 = arith.constant 1 : i32
          %add3A_745 = vector.broadcast %add3A_744 : i32 to vector<16xi32>
          %add3A_746 = arith.addi %add3A_743, %add3A_745 : vector<16xi32>
          tpu.vector_store_idx %arg9[%add3A_206, %add3A_746], %bitcast3A_740 {add = true} : memref<160x33xf32, #tpu.memory_space<vmem>>[vector<16xi32>, vector<16xi32>], vector<16xf32>,
          %bitcast3A_747 = vector.bitcast %add3A_672 : vector<32xbf16> to vector<16xi32>
          %and3A_748 = arith.andi %bitcast3A_747, %broadcast_in_dim3A_31 : vector<16xi32>
          %bitcast3A_749 = vector.bitcast %and3A_748 : vector<16xi32> to vector<16xf32>
          %shift_left3A_750 = arith.shli %bitcast3A_747, %broadcast_in_dim3A_29 : vector<16xi32>
          %bitcast3A_751 = vector.bitcast %shift_left3A_750 : vector<16xi32> to vector<16xf32>
          %add3A_752 = arith.addi %and3A_73, %and3A_73 : vector<16xi32>
          tpu.vector_store_idx %arg9[%add3A_206, %add3A_752], %bitcast3A_751 {add = true} : memref<160x33xf32, #tpu.memory_space<vmem>>[vector<16xi32>, vector<16xi32>], vector<16xf32>,
          %add3A_753 = arith.constant 1 : i32
          %add3A_754 = vector.broadcast %add3A_753 : i32 to vector<16xi32>
          %add3A_755 = arith.addi %add3A_752, %add3A_754 : vector<16xi32>
          tpu.vector_store_idx %arg9[%add3A_206, %add3A_755], %bitcast3A_749 {add = true} : memref<160x33xf32, #tpu.memory_space<vmem>>[vector<16xi32>, vector<16xi32>], vector<16xf32>,
          %bitcast3A_756 = vector.bitcast %add3A_675 : vector<32xbf16> to vector<16xi32>
          %and3A_757 = arith.andi %bitcast3A_756, %broadcast_in_dim3A_31 : vector<16xi32>
          %bitcast3A_758 = vector.bitcast %and3A_757 : vector<16xi32> to vector<16xf32>
          %shift_left3A_759 = arith.shli %bitcast3A_756, %broadcast_in_dim3A_29 : vector<16xi32>
          %bitcast3A_760 = vector.bitcast %shift_left3A_759 : vector<16xi32> to vector<16xf32>
          %add3A_761 = arith.addi %and3A_79, %and3A_79 : vector<16xi32>
          tpu.vector_store_idx %arg9[%add3A_206, %add3A_761], %bitcast3A_760 {add = true} : memref<160x33xf32, #tpu.memory_space<vmem>>[vector<16xi32>, vector<16xi32>], vector<16xf32>,
          %add3A_762 = arith.constant 1 : i32
          %add3A_763 = vector.broadcast %add3A_762 : i32 to vector<16xi32>
          %add3A_764 = arith.addi %add3A_761, %add3A_763 : vector<16xi32>
          tpu.vector_store_idx %arg9[%add3A_206, %add3A_764], %bitcast3A_758 {add = true} : memref<160x33xf32, #tpu.memory_space<vmem>>[vector<16xi32>, vector<16xi32>], vector<16xf32>,
          %bitcast3A_765 = vector.bitcast %add3A_678 : vector<32xbf16> to vector<16xi32>
          %and3A_766 = arith.andi %bitcast3A_765, %broadcast_in_dim3A_31 : vector<16xi32>
          %bitcast3A_767 = vector.bitcast %and3A_766 : vector<16xi32> to vector<16xf32>
          %shift_left3A_768 = arith.shli %bitcast3A_765, %broadcast_in_dim3A_29 : vector<16xi32>
          %bitcast3A_769 = vector.bitcast %shift_left3A_768 : vector<16xi32> to vector<16xf32>
          %add3A_770 = arith.addi %and3A_85, %and3A_85 : vector<16xi32>
          tpu.vector_store_idx %arg9[%add3A_206, %add3A_770], %bitcast3A_769 {add = true} : memref<160x33xf32, #tpu.memory_space<vmem>>[vector<16xi32>, vector<16xi32>], vector<16xf32>,
          %add3A_771 = arith.constant 1 : i32
          %add3A_772 = vector.broadcast %add3A_771 : i32 to vector<16xi32>
          %add3A_773 = arith.addi %add3A_770, %add3A_772 : vector<16xi32>
          tpu.vector_store_idx %arg9[%add3A_206, %add3A_773], %bitcast3A_767 {add = true} : memref<160x33xf32, #tpu.memory_space<vmem>>[vector<16xi32>, vector<16xi32>], vector<16xf32>,
          %bitcast3A_774 = vector.bitcast %add3A_681 : vector<32xbf16> to vector<16xi32>
          %and3A_775 = arith.andi %bitcast3A_774, %broadcast_in_dim3A_31 : vector<16xi32>
          %bitcast3A_776 = vector.bitcast %and3A_775 : vector<16xi32> to vector<16xf32>
          %shift_left3A_777 = arith.shli %bitcast3A_774, %broadcast_in_dim3A_29 : vector<16xi32>
          %bitcast3A_778 = vector.bitcast %shift_left3A_777 : vector<16xi32> to vector<16xf32>
          %add3A_779 = arith.addi %and3A_91, %and3A_91 : vector<16xi32>
          tpu.vector_store_idx %arg9[%add3A_206, %add3A_779], %bitcast3A_778 {add = true} : memref<160x33xf32, #tpu.memory_space<vmem>>[vector<16xi32>, vector<16xi32>], vector<16xf32>,
          %add3A_780 = arith.constant 1 : i32
          %add3A_781 = vector.broadcast %add3A_780 : i32 to vector<16xi32>
          %add3A_782 = arith.addi %add3A_779, %add3A_781 : vector<16xi32>
          tpu.vector_store_idx %arg9[%add3A_206, %add3A_782], %bitcast3A_776 {add = true} : memref<160x33xf32, #tpu.memory_space<vmem>>[vector<16xi32>, vector<16xi32>], vector<16xf32>,
          %bitcast3A_783 = vector.bitcast %add3A_684 : vector<32xbf16> to vector<16xi32>
          %and3A_784 = arith.andi %bitcast3A_783, %broadcast_in_dim3A_31 : vector<16xi32>
          %bitcast3A_785 = vector.bitcast %and3A_784 : vector<16xi32> to vector<16xf32>
          %shift_left3A_786 = arith.shli %bitcast3A_783, %broadcast_in_dim3A_29 : vector<16xi32>
          %bitcast3A_787 = vector.bitcast %shift_left3A_786 : vector<16xi32> to vector<16xf32>
          %add3A_788 = arith.addi %and3A_97, %and3A_97 : vector<16xi32>
          tpu.vector_store_idx %arg9[%add3A_206, %add3A_788], %bitcast3A_787 {add = true} : memref<160x33xf32, #tpu.memory_space<vmem>>[vector<16xi32>, vector<16xi32>], vector<16xf32>,
          %add3A_789 = arith.constant 1 : i32
          %add3A_790 = vector.broadcast %add3A_789 : i32 to vector<16xi32>
          %add3A_791 = arith.addi %add3A_788, %add3A_790 : vector<16xi32>
          tpu.vector_store_idx %arg9[%add3A_206, %add3A_791], %bitcast3A_785 {add = true} : memref<160x33xf32, #tpu.memory_space<vmem>>[vector<16xi32>, vector<16xi32>], vector<16xf32>,
          %bitcast3A_792 = vector.bitcast %add3A_687 : vector<32xbf16> to vector<16xi32>
          %and3A_793 = arith.andi %bitcast3A_792, %broadcast_in_dim3A_31 : vector<16xi32>
          %bitcast3A_794 = vector.bitcast %and3A_793 : vector<16xi32> to vector<16xf32>
          %shift_left3A_795 = arith.shli %bitcast3A_792, %broadcast_in_dim3A_29 : vector<16xi32>
          %bitcast3A_796 = vector.bitcast %shift_left3A_795 : vector<16xi32> to vector<16xf32>
          %add3A_797 = arith.addi %and3A_103, %and3A_103 : vector<16xi32>
          tpu.vector_store_idx %arg9[%add3A_206, %add3A_797], %bitcast3A_796 {add = true} : memref<160x33xf32, #tpu.memory_space<vmem>>[vector<16xi32>, vector<16xi32>], vector<16xf32>,
          %add3A_798 = arith.constant 1 : i32
          %add3A_799 = vector.broadcast %add3A_798 : i32 to vector<16xi32>
          %add3A_800 = arith.addi %add3A_797, %add3A_799 : vector<16xi32>
          tpu.vector_store_idx %arg9[%add3A_206, %add3A_800], %bitcast3A_794 {add = true} : memref<160x33xf32, #tpu.memory_space<vmem>>[vector<16xi32>, vector<16xi32>], vector<16xf32>,
          %bitcast3A_801 = vector.bitcast %add3A_690 : vector<32xbf16> to vector<16xi32>
          %and3A_802 = arith.andi %bitcast3A_801, %broadcast_in_dim3A_31 : vector<16xi32>
          %bitcast3A_803 = vector.bitcast %and3A_802 : vector<16xi32> to vector<16xf32>
          %shift_left3A_804 = arith.shli %bitcast3A_801, %broadcast_in_dim3A_29 : vector<16xi32>
          %bitcast3A_805 = vector.bitcast %shift_left3A_804 : vector<16xi32> to vector<16xf32>
          %add3A_806 = arith.addi %and3A_109, %and3A_109 : vector<16xi32>
          tpu.vector_store_idx %arg9[%add3A_206, %add3A_806], %bitcast3A_805 {add = true} : memref<160x33xf32, #tpu.memory_space<vmem>>[vector<16xi32>, vector<16xi32>], vector<16xf32>,
          %add3A_807 = arith.constant 1 : i32
          %add3A_808 = vector.broadcast %add3A_807 : i32 to vector<16xi32>
          %add3A_809 = arith.addi %add3A_806, %add3A_808 : vector<16xi32>
          tpu.vector_store_idx %arg9[%add3A_206, %add3A_809], %bitcast3A_803 {add = true} : memref<160x33xf32, #tpu.memory_space<vmem>>[vector<16xi32>, vector<16xi32>], vector<16xf32>,
          %bitcast3A_810 = vector.bitcast %add3A_693 : vector<32xbf16> to vector<16xi32>
          %and3A_811 = arith.andi %bitcast3A_810, %broadcast_in_dim3A_31 : vector<16xi32>
          %bitcast3A_812 = vector.bitcast %and3A_811 : vector<16xi32> to vector<16xf32>
          %shift_left3A_813 = arith.shli %bitcast3A_810, %broadcast_in_dim3A_29 : vector<16xi32>
          %bitcast3A_814 = vector.bitcast %shift_left3A_813 : vector<16xi32> to vector<16xf32>
          %add3A_815 = arith.addi %and3A_115, %and3A_115 : vector<16xi32>
          tpu.vector_store_idx %arg9[%add3A_206, %add3A_815], %bitcast3A_814 {add = true} : memref<160x33xf32, #tpu.memory_space<vmem>>[vector<16xi32>, vector<16xi32>], vector<16xf32>,
          %add3A_816 = arith.constant 1 : i32
          %add3A_817 = vector.broadcast %add3A_816 : i32 to vector<16xi32>
          %add3A_818 = arith.addi %add3A_815, %add3A_817 : vector<16xi32>
          tpu.vector_store_idx %arg9[%add3A_206, %add3A_818], %bitcast3A_812 {add = true} : memref<160x33xf32, #tpu.memory_space<vmem>>[vector<16xi32>, vector<16xi32>], vector<16xf32>,
          %bitcast3A_819 = vector.bitcast %add3A_696 : vector<32xbf16> to vector<16xi32>
          %and3A_820 = arith.andi %bitcast3A_819, %broadcast_in_dim3A_31 : vector<16xi32>
          %bitcast3A_821 = vector.bitcast %and3A_820 : vector<16xi32> to vector<16xf32>
          %shift_left3A_822 = arith.shli %bitcast3A_819, %broadcast_in_dim3A_29 : vector<16xi32>
          %bitcast3A_823 = vector.bitcast %shift_left3A_822 : vector<16xi32> to vector<16xf32>
          %add3A_824 = arith.addi %and3A_121, %and3A_121 : vector<16xi32>
          tpu.vector_store_idx %arg9[%add3A_206, %add3A_824], %bitcast3A_823 {add = true} : memref<160x33xf32, #tpu.memory_space<vmem>>[vector<16xi32>, vector<16xi32>], vector<16xf32>,
          %add3A_825 = arith.constant 1 : i32
          %add3A_826 = vector.broadcast %add3A_825 : i32 to vector<16xi32>
          %add3A_827 = arith.addi %add3A_824, %add3A_826 : vector<16xi32>
          tpu.vector_store_idx %arg9[%add3A_206, %add3A_827], %bitcast3A_821 {add = true} : memref<160x33xf32, #tpu.memory_space<vmem>>[vector<16xi32>, vector<16xi32>], vector<16xf32>,
          %bitcast3A_828 = vector.bitcast %add3A_699 : vector<32xbf16> to vector<16xi32>
          %and3A_829 = arith.andi %bitcast3A_828, %broadcast_in_dim3A_31 : vector<16xi32>
          %bitcast3A_830 = vector.bitcast %and3A_829 : vector<16xi32> to vector<16xf32>
          %shift_left3A_831 = arith.shli %bitcast3A_828, %broadcast_in_dim3A_29 : vector<16xi32>
          %bitcast3A_832 = vector.bitcast %shift_left3A_831 : vector<16xi32> to vector<16xf32>
          %add3A_833 = arith.addi %and3A_127, %and3A_127 : vector<16xi32>
          tpu.vector_store_idx %arg9[%add3A_206, %add3A_833], %bitcast3A_832 {add = true} : memref<160x33xf32, #tpu.memory_space<vmem>>[vector<16xi32>, vector<16xi32>], vector<16xf32>,
          %add3A_834 = arith.constant 1 : i32
          %add3A_835 = vector.broadcast %add3A_834 : i32 to vector<16xi32>
          %add3A_836 = arith.addi %add3A_833, %add3A_835 : vector<16xi32>
          tpu.vector_store_idx %arg9[%add3A_206, %add3A_836], %bitcast3A_830 {add = true} : memref<160x33xf32, #tpu.memory_space<vmem>>[vector<16xi32>, vector<16xi32>], vector<16xf32>,
          %bitcast3A_837 = vector.bitcast %add3A_702 : vector<32xbf16> to vector<16xi32>
          %and3A_838 = arith.andi %bitcast3A_837, %broadcast_in_dim3A_31 : vector<16xi32>
          %bitcast3A_839 = vector.bitcast %and3A_838 : vector<16xi32> to vector<16xf32>
          %shift_left3A_840 = arith.shli %bitcast3A_837, %broadcast_in_dim3A_29 : vector<16xi32>
          %bitcast3A_841 = vector.bitcast %shift_left3A_840 : vector<16xi32> to vector<16xf32>
          %add3A_842 = arith.addi %and3A_133, %and3A_133 : vector<16xi32>
          tpu.vector_store_idx %arg9[%add3A_206, %add3A_842], %bitcast3A_841 {add = true} : memref<160x33xf32, #tpu.memory_space<vmem>>[vector<16xi32>, vector<16xi32>], vector<16xf32>,
          %add3A_843 = arith.constant 1 : i32
          %add3A_844 = vector.broadcast %add3A_843 : i32 to vector<16xi32>
          %add3A_845 = arith.addi %add3A_842, %add3A_844 : vector<16xi32>
          tpu.vector_store_idx %arg9[%add3A_206, %add3A_845], %bitcast3A_839 {add = true} : memref<160x33xf32, #tpu.memory_space<vmem>>[vector<16xi32>, vector<16xi32>], vector<16xf32>,
          %add3A_846 = arith.addi %gather3A_342, %and3A_43 : vector<16xi32>
          %gather3A_847 = tpu.vector_load_idx %arg6[%add3A_846] : memref<87040xi32, #tpu.memory_space<vmem>>[vector<16xi32>], vector<16xi32>,
          %add3A_848 = arith.addi %gather3A_342, %and3A_49 : vector<16xi32>
          %gather3A_849 = tpu.vector_load_idx %arg6[%add3A_848] : memref<87040xi32, #tpu.memory_space<vmem>>[vector<16xi32>], vector<16xi32>,
          %add3A_850 = arith.addi %gather3A_342, %and3A_55 : vector<16xi32>
          %gather3A_851 = tpu.vector_load_idx %arg6[%add3A_850] : memref<87040xi32, #tpu.memory_space<vmem>>[vector<16xi32>], vector<16xi32>,
          %add3A_852 = arith.addi %gather3A_342, %and3A_61 : vector<16xi32>
          %gather3A_853 = tpu.vector_load_idx %arg6[%add3A_852] : memref<87040xi32, #tpu.memory_space<vmem>>[vector<16xi32>], vector<16xi32>,
          %add3A_854 = arith.addi %gather3A_342, %and3A_67 : vector<16xi32>
          %gather3A_855 = tpu.vector_load_idx %arg6[%add3A_854] : memref<87040xi32, #tpu.memory_space<vmem>>[vector<16xi32>], vector<16xi32>,
          %add3A_856 = arith.addi %gather3A_342, %and3A_73 : vector<16xi32>
          %gather3A_857 = tpu.vector_load_idx %arg6[%add3A_856] : memref<87040xi32, #tpu.memory_space<vmem>>[vector<16xi32>], vector<16xi32>,
          %add3A_858 = arith.addi %gather3A_342, %and3A_79 : vector<16xi32>
          %gather3A_859 = tpu.vector_load_idx %arg6[%add3A_858] : memref<87040xi32, #tpu.memory_space<vmem>>[vector<16xi32>], vector<16xi32>,
          %add3A_860 = arith.addi %gather3A_342, %and3A_85 : vector<16xi32>
          %gather3A_861 = tpu.vector_load_idx %arg6[%add3A_860] : memref<87040xi32, #tpu.memory_space<vmem>>[vector<16xi32>], vector<16xi32>,
          %add3A_862 = arith.addi %gather3A_342, %and3A_91 : vector<16xi32>
          %gather3A_863 = tpu.vector_load_idx %arg6[%add3A_862] : memref<87040xi32, #tpu.memory_space<vmem>>[vector<16xi32>], vector<16xi32>,
          %add3A_864 = arith.addi %gather3A_342, %and3A_97 : vector<16xi32>
          %gather3A_865 = tpu.vector_load_idx %arg6[%add3A_864] : memref<87040xi32, #tpu.memory_space<vmem>>[vector<16xi32>], vector<16xi32>,
          %add3A_866 = arith.addi %gather3A_342, %and3A_103 : vector<16xi32>
          %gather3A_867 = tpu.vector_load_idx %arg6[%add3A_866] : memref<87040xi32, #tpu.memory_space<vmem>>[vector<16xi32>], vector<16xi32>,
          %add3A_868 = arith.addi %gather3A_342, %and3A_109 : vector<16xi32>
          %gather3A_869 = tpu.vector_load_idx %arg6[%add3A_868] : memref<87040xi32, #tpu.memory_space<vmem>>[vector<16xi32>], vector<16xi32>,
          %add3A_870 = arith.addi %gather3A_342, %and3A_115 : vector<16xi32>
          %gather3A_871 = tpu.vector_load_idx %arg6[%add3A_870] : memref<87040xi32, #tpu.memory_space<vmem>>[vector<16xi32>], vector<16xi32>,
          %add3A_872 = arith.addi %gather3A_342, %and3A_121 : vector<16xi32>
          %gather3A_873 = tpu.vector_load_idx %arg6[%add3A_872] : memref<87040xi32, #tpu.memory_space<vmem>>[vector<16xi32>], vector<16xi32>,
          %add3A_874 = arith.addi %gather3A_342, %and3A_127 : vector<16xi32>
          %gather3A_875 = tpu.vector_load_idx %arg6[%add3A_874] : memref<87040xi32, #tpu.memory_space<vmem>>[vector<16xi32>], vector<16xi32>,
          %add3A_876 = arith.addi %gather3A_342, %and3A_133 : vector<16xi32>
          %gather3A_877 = tpu.vector_load_idx %arg6[%add3A_876] : memref<87040xi32, #tpu.memory_space<vmem>>[vector<16xi32>], vector<16xi32>,
          %bitcast3A_878 = vector.bitcast %gather3A_847 : vector<16xi32> to vector<32xbf16>
          %mul3A_879 = arith.mulf %bitcast3A_380, %bitcast3A_878 : vector<32xbf16>
          %bitcast3A_880 = vector.bitcast %gather3A_849 : vector<16xi32> to vector<32xbf16>
          %mul3A_881 = arith.mulf %bitcast3A_380, %bitcast3A_880 : vector<32xbf16>
          %bitcast3A_882 = vector.bitcast %gather3A_851 : vector<16xi32> to vector<32xbf16>
          %mul3A_883 = arith.mulf %bitcast3A_380, %bitcast3A_882 : vector<32xbf16>
          %bitcast3A_884 = vector.bitcast %gather3A_853 : vector<16xi32> to vector<32xbf16>
          %mul3A_885 = arith.mulf %bitcast3A_380, %bitcast3A_884 : vector<32xbf16>
          %bitcast3A_886 = vector.bitcast %gather3A_855 : vector<16xi32> to vector<32xbf16>
          %mul3A_887 = arith.mulf %bitcast3A_380, %bitcast3A_886 : vector<32xbf16>
          %bitcast3A_888 = vector.bitcast %gather3A_857 : vector<16xi32> to vector<32xbf16>
          %mul3A_889 = arith.mulf %bitcast3A_380, %bitcast3A_888 : vector<32xbf16>
          %bitcast3A_890 = vector.bitcast %gather3A_859 : vector<16xi32> to vector<32xbf16>
          %mul3A_891 = arith.mulf %bitcast3A_380, %bitcast3A_890 : vector<32xbf16>
          %bitcast3A_892 = vector.bitcast %gather3A_861 : vector<16xi32> to vector<32xbf16>
          %mul3A_893 = arith.mulf %bitcast3A_380, %bitcast3A_892 : vector<32xbf16>
          %bitcast3A_894 = vector.bitcast %gather3A_863 : vector<16xi32> to vector<32xbf16>
          %mul3A_895 = arith.mulf %bitcast3A_380, %bitcast3A_894 : vector<32xbf16>
          %bitcast3A_896 = vector.bitcast %gather3A_865 : vector<16xi32> to vector<32xbf16>
          %mul3A_897 = arith.mulf %bitcast3A_380, %bitcast3A_896 : vector<32xbf16>
          %bitcast3A_898 = vector.bitcast %gather3A_867 : vector<16xi32> to vector<32xbf16>
          %mul3A_899 = arith.mulf %bitcast3A_380, %bitcast3A_898 : vector<32xbf16>
          %bitcast3A_900 = vector.bitcast %gather3A_869 : vector<16xi32> to vector<32xbf16>
          %mul3A_901 = arith.mulf %bitcast3A_380, %bitcast3A_900 : vector<32xbf16>
          %bitcast3A_902 = vector.bitcast %gather3A_871 : vector<16xi32> to vector<32xbf16>
          %mul3A_903 = arith.mulf %bitcast3A_380, %bitcast3A_902 : vector<32xbf16>
          %bitcast3A_904 = vector.bitcast %gather3A_873 : vector<16xi32> to vector<32xbf16>
          %mul3A_905 = arith.mulf %bitcast3A_380, %bitcast3A_904 : vector<32xbf16>
          %bitcast3A_906 = vector.bitcast %gather3A_875 : vector<16xi32> to vector<32xbf16>
          %mul3A_907 = arith.mulf %bitcast3A_380, %bitcast3A_906 : vector<32xbf16>
          %bitcast3A_908 = vector.bitcast %gather3A_877 : vector<16xi32> to vector<32xbf16>
          %mul3A_909 = arith.mulf %bitcast3A_380, %bitcast3A_908 : vector<32xbf16>
          %add3A_910 = arith.addi %gather3A_343, %and3A_43 : vector<16xi32>
          %gather3A_911 = tpu.vector_load_idx %arg6[%add3A_910] : memref<87040xi32, #tpu.memory_space<vmem>>[vector<16xi32>], vector<16xi32>,
          %add3A_912 = arith.addi %gather3A_343, %and3A_49 : vector<16xi32>
          %gather3A_913 = tpu.vector_load_idx %arg6[%add3A_912] : memref<87040xi32, #tpu.memory_space<vmem>>[vector<16xi32>], vector<16xi32>,
          %add3A_914 = arith.addi %gather3A_343, %and3A_55 : vector<16xi32>
          %gather3A_915 = tpu.vector_load_idx %arg6[%add3A_914] : memref<87040xi32, #tpu.memory_space<vmem>>[vector<16xi32>], vector<16xi32>,
          %add3A_916 = arith.addi %gather3A_343, %and3A_61 : vector<16xi32>
          %gather3A_917 = tpu.vector_load_idx %arg6[%add3A_916] : memref<87040xi32, #tpu.memory_space<vmem>>[vector<16xi32>], vector<16xi32>,
          %add3A_918 = arith.addi %gather3A_343, %and3A_67 : vector<16xi32>
          %gather3A_919 = tpu.vector_load_idx %arg6[%add3A_918] : memref<87040xi32, #tpu.memory_space<vmem>>[vector<16xi32>], vector<16xi32>,
          %add3A_920 = arith.addi %gather3A_343, %and3A_73 : vector<16xi32>
          %gather3A_921 = tpu.vector_load_idx %arg6[%add3A_920] : memref<87040xi32, #tpu.memory_space<vmem>>[vector<16xi32>], vector<16xi32>,
          %add3A_922 = arith.addi %gather3A_343, %and3A_79 : vector<16xi32>
          %gather3A_923 = tpu.vector_load_idx %arg6[%add3A_922] : memref<87040xi32, #tpu.memory_space<vmem>>[vector<16xi32>], vector<16xi32>,
          %add3A_924 = arith.addi %gather3A_343, %and3A_85 : vector<16xi32>
          %gather3A_925 = tpu.vector_load_idx %arg6[%add3A_924] : memref<87040xi32, #tpu.memory_space<vmem>>[vector<16xi32>], vector<16xi32>,
          %add3A_926 = arith.addi %gather3A_343, %and3A_91 : vector<16xi32>
          %gather3A_927 = tpu.vector_load_idx %arg6[%add3A_926] : memref<87040xi32, #tpu.memory_space<vmem>>[vector<16xi32>], vector<16xi32>,
          %add3A_928 = arith.addi %gather3A_343, %and3A_97 : vector<16xi32>
          %gather3A_929 = tpu.vector_load_idx %arg6[%add3A_928] : memref<87040xi32, #tpu.memory_space<vmem>>[vector<16xi32>], vector<16xi32>,
          %add3A_930 = arith.addi %gather3A_343, %and3A_103 : vector<16xi32>
          %gather3A_931 = tpu.vector_load_idx %arg6[%add3A_930] : memref<87040xi32, #tpu.memory_space<vmem>>[vector<16xi32>], vector<16xi32>,
          %add3A_932 = arith.addi %gather3A_343, %and3A_109 : vector<16xi32>
          %gather3A_933 = tpu.vector_load_idx %arg6[%add3A_932] : memref<87040xi32, #tpu.memory_space<vmem>>[vector<16xi32>], vector<16xi32>,
          %add3A_934 = arith.addi %gather3A_343, %and3A_115 : vector<16xi32>
          %gather3A_935 = tpu.vector_load_idx %arg6[%add3A_934] : memref<87040xi32, #tpu.memory_space<vmem>>[vector<16xi32>], vector<16xi32>,
          %add3A_936 = arith.addi %gather3A_343, %and3A_121 : vector<16xi32>
          %gather3A_937 = tpu.vector_load_idx %arg6[%add3A_936] : memref<87040xi32, #tpu.memory_space<vmem>>[vector<16xi32>], vector<16xi32>,
          %add3A_938 = arith.addi %gather3A_343, %and3A_127 : vector<16xi32>
          %gather3A_939 = tpu.vector_load_idx %arg6[%add3A_938] : memref<87040xi32, #tpu.memory_space<vmem>>[vector<16xi32>], vector<16xi32>,
          %add3A_940 = arith.addi %gather3A_343, %and3A_133 : vector<16xi32>
          %gather3A_941 = tpu.vector_load_idx %arg6[%add3A_940] : memref<87040xi32, #tpu.memory_space<vmem>>[vector<16xi32>], vector<16xi32>,
          %bitcast3A_942 = vector.bitcast %gather3A_911 : vector<16xi32> to vector<32xbf16>
          %mul3A_943 = arith.mulf %bitcast3A_386, %bitcast3A_942 : vector<32xbf16>
          %add3A_944 = arith.addf %mul3A_879, %mul3A_943 : vector<32xbf16>
          %bitcast3A_945 = vector.bitcast %gather3A_913 : vector<16xi32> to vector<32xbf16>
          %mul3A_946 = arith.mulf %bitcast3A_386, %bitcast3A_945 : vector<32xbf16>
          %add3A_947 = arith.addf %mul3A_881, %mul3A_946 : vector<32xbf16>
          %bitcast3A_948 = vector.bitcast %gather3A_915 : vector<16xi32> to vector<32xbf16>
          %mul3A_949 = arith.mulf %bitcast3A_386, %bitcast3A_948 : vector<32xbf16>
          %add3A_950 = arith.addf %mul3A_883, %mul3A_949 : vector<32xbf16>
          %bitcast3A_951 = vector.bitcast %gather3A_917 : vector<16xi32> to vector<32xbf16>
          %mul3A_952 = arith.mulf %bitcast3A_386, %bitcast3A_951 : vector<32xbf16>
          %add3A_953 = arith.addf %mul3A_885, %mul3A_952 : vector<32xbf16>
          %bitcast3A_954 = vector.bitcast %gather3A_919 : vector<16xi32> to vector<32xbf16>
          %mul3A_955 = arith.mulf %bitcast3A_386, %bitcast3A_954 : vector<32xbf16>
          %add3A_956 = arith.addf %mul3A_887, %mul3A_955 : vector<32xbf16>
          %bitcast3A_957 = vector.bitcast %gather3A_921 : vector<16xi32> to vector<32xbf16>
          %mul3A_958 = arith.mulf %bitcast3A_386, %bitcast3A_957 : vector<32xbf16>
          %add3A_959 = arith.addf %mul3A_889, %mul3A_958 : vector<32xbf16>
          %bitcast3A_960 = vector.bitcast %gather3A_923 : vector<16xi32> to vector<32xbf16>
          %mul3A_961 = arith.mulf %bitcast3A_386, %bitcast3A_960 : vector<32xbf16>
          %add3A_962 = arith.addf %mul3A_891, %mul3A_961 : vector<32xbf16>
          %bitcast3A_963 = vector.bitcast %gather3A_925 : vector<16xi32> to vector<32xbf16>
          %mul3A_964 = arith.mulf %bitcast3A_386, %bitcast3A_963 : vector<32xbf16>
          %add3A_965 = arith.addf %mul3A_893, %mul3A_964 : vector<32xbf16>
          %bitcast3A_966 = vector.bitcast %gather3A_927 : vector<16xi32> to vector<32xbf16>
          %mul3A_967 = arith.mulf %bitcast3A_386, %bitcast3A_966 : vector<32xbf16>
          %add3A_968 = arith.addf %mul3A_895, %mul3A_967 : vector<32xbf16>
          %bitcast3A_969 = vector.bitcast %gather3A_929 : vector<16xi32> to vector<32xbf16>
          %mul3A_970 = arith.mulf %bitcast3A_386, %bitcast3A_969 : vector<32xbf16>
          %add3A_971 = arith.addf %mul3A_897, %mul3A_970 : vector<32xbf16>
          %bitcast3A_972 = vector.bitcast %gather3A_931 : vector<16xi32> to vector<32xbf16>
          %mul3A_973 = arith.mulf %bitcast3A_386, %bitcast3A_972 : vector<32xbf16>
          %add3A_974 = arith.addf %mul3A_899, %mul3A_973 : vector<32xbf16>
          %bitcast3A_975 = vector.bitcast %gather3A_933 : vector<16xi32> to vector<32xbf16>
          %mul3A_976 = arith.mulf %bitcast3A_386, %bitcast3A_975 : vector<32xbf16>
          %add3A_977 = arith.addf %mul3A_901, %mul3A_976 : vector<32xbf16>
          %bitcast3A_978 = vector.bitcast %gather3A_935 : vector<16xi32> to vector<32xbf16>
          %mul3A_979 = arith.mulf %bitcast3A_386, %bitcast3A_978 : vector<32xbf16>
          %add3A_980 = arith.addf %mul3A_903, %mul3A_979 : vector<32xbf16>
          %bitcast3A_981 = vector.bitcast %gather3A_937 : vector<16xi32> to vector<32xbf16>
          %mul3A_982 = arith.mulf %bitcast3A_386, %bitcast3A_981 : vector<32xbf16>
          %add3A_983 = arith.addf %mul3A_905, %mul3A_982 : vector<32xbf16>
          %bitcast3A_984 = vector.bitcast %gather3A_939 : vector<16xi32> to vector<32xbf16>
          %mul3A_985 = arith.mulf %bitcast3A_386, %bitcast3A_984 : vector<32xbf16>
          %add3A_986 = arith.addf %mul3A_907, %mul3A_985 : vector<32xbf16>
          %bitcast3A_987 = vector.bitcast %gather3A_941 : vector<16xi32> to vector<32xbf16>
          %mul3A_988 = arith.mulf %bitcast3A_386, %bitcast3A_987 : vector<32xbf16>
          %add3A_989 = arith.addf %mul3A_909, %mul3A_988 : vector<32xbf16>
          %add3A_990 = arith.addi %gather3A_344, %and3A_43 : vector<16xi32>
          %gather3A_991 = tpu.vector_load_idx %arg6[%add3A_990] : memref<87040xi32, #tpu.memory_space<vmem>>[vector<16xi32>], vector<16xi32>,
          %add3A_992 = arith.addi %gather3A_344, %and3A_49 : vector<16xi32>
          %gather3A_993 = tpu.vector_load_idx %arg6[%add3A_992] : memref<87040xi32, #tpu.memory_space<vmem>>[vector<16xi32>], vector<16xi32>,
          %add3A_994 = arith.addi %gather3A_344, %and3A_55 : vector<16xi32>
          %gather3A_995 = tpu.vector_load_idx %arg6[%add3A_994] : memref<87040xi32, #tpu.memory_space<vmem>>[vector<16xi32>], vector<16xi32>,
          %add3A_996 = arith.addi %gather3A_344, %and3A_61 : vector<16xi32>
          %gather3A_997 = tpu.vector_load_idx %arg6[%add3A_996] : memref<87040xi32, #tpu.memory_space<vmem>>[vector<16xi32>], vector<16xi32>,
          %add3A_998 = arith.addi %gather3A_344, %and3A_67 : vector<16xi32>
          %gather3A_999 = tpu.vector_load_idx %arg6[%add3A_998] : memref<87040xi32, #tpu.memory_space<vmem>>[vector<16xi32>], vector<16xi32>,
          %add3A_1000 = arith.addi %gather3A_344, %and3A_73 : vector<16xi32>
          %gather3A_1001 = tpu.vector_load_idx %arg6[%add3A_1000] : memref<87040xi32, #tpu.memory_space<vmem>>[vector<16xi32>], vector<16xi32>,
          %add3A_1002 = arith.addi %gather3A_344, %and3A_79 : vector<16xi32>
          %gather3A_1003 = tpu.vector_load_idx %arg6[%add3A_1002] : memref<87040xi32, #tpu.memory_space<vmem>>[vector<16xi32>], vector<16xi32>,
          %add3A_1004 = arith.addi %gather3A_344, %and3A_85 : vector<16xi32>
          %gather3A_1005 = tpu.vector_load_idx %arg6[%add3A_1004] : memref<87040xi32, #tpu.memory_space<vmem>>[vector<16xi32>], vector<16xi32>,
          %add3A_1006 = arith.addi %gather3A_344, %and3A_91 : vector<16xi32>
          %gather3A_1007 = tpu.vector_load_idx %arg6[%add3A_1006] : memref<87040xi32, #tpu.memory_space<vmem>>[vector<16xi32>], vector<16xi32>,
          %add3A_1008 = arith.addi %gather3A_344, %and3A_97 : vector<16xi32>
          %gather3A_1009 = tpu.vector_load_idx %arg6[%add3A_1008] : memref<87040xi32, #tpu.memory_space<vmem>>[vector<16xi32>], vector<16xi32>,
          %add3A_1010 = arith.addi %gather3A_344, %and3A_103 : vector<16xi32>
          %gather3A_1011 = tpu.vector_load_idx %arg6[%add3A_1010] : memref<87040xi32, #tpu.memory_space<vmem>>[vector<16xi32>], vector<16xi32>,
          %add3A_1012 = arith.addi %gather3A_344, %and3A_109 : vector<16xi32>
          %gather3A_1013 = tpu.vector_load_idx %arg6[%add3A_1012] : memref<87040xi32, #tpu.memory_space<vmem>>[vector<16xi32>], vector<16xi32>,
          %add3A_1014 = arith.addi %gather3A_344, %and3A_115 : vector<16xi32>
          %gather3A_1015 = tpu.vector_load_idx %arg6[%add3A_1014] : memref<87040xi32, #tpu.memory_space<vmem>>[vector<16xi32>], vector<16xi32>,
          %add3A_1016 = arith.addi %gather3A_344, %and3A_121 : vector<16xi32>
          %gather3A_1017 = tpu.vector_load_idx %arg6[%add3A_1016] : memref<87040xi32, #tpu.memory_space<vmem>>[vector<16xi32>], vector<16xi32>,
          %add3A_1018 = arith.addi %gather3A_344, %and3A_127 : vector<16xi32>
          %gather3A_1019 = tpu.vector_load_idx %arg6[%add3A_1018] : memref<87040xi32, #tpu.memory_space<vmem>>[vector<16xi32>], vector<16xi32>,
          %add3A_1020 = arith.addi %gather3A_344, %and3A_133 : vector<16xi32>
          %gather3A_1021 = tpu.vector_load_idx %arg6[%add3A_1020] : memref<87040xi32, #tpu.memory_space<vmem>>[vector<16xi32>], vector<16xi32>,
          %bitcast3A_1022 = vector.bitcast %gather3A_991 : vector<16xi32> to vector<32xbf16>
          %mul3A_1023 = arith.mulf %bitcast3A_392, %bitcast3A_1022 : vector<32xbf16>
          %add3A_1024 = arith.addf %add3A_944, %mul3A_1023 : vector<32xbf16>
          %bitcast3A_1025 = vector.bitcast %gather3A_993 : vector<16xi32> to vector<32xbf16>
          %mul3A_1026 = arith.mulf %bitcast3A_392, %bitcast3A_1025 : vector<32xbf16>
          %add3A_1027 = arith.addf %add3A_947, %mul3A_1026 : vector<32xbf16>
          %bitcast3A_1028 = vector.bitcast %gather3A_995 : vector<16xi32> to vector<32xbf16>
          %mul3A_1029 = arith.mulf %bitcast3A_392, %bitcast3A_1028 : vector<32xbf16>
          %add3A_1030 = arith.addf %add3A_950, %mul3A_1029 : vector<32xbf16>
          %bitcast3A_1031 = vector.bitcast %gather3A_997 : vector<16xi32> to vector<32xbf16>
          %mul3A_1032 = arith.mulf %bitcast3A_392, %bitcast3A_1031 : vector<32xbf16>
          %add3A_1033 = arith.addf %add3A_953, %mul3A_1032 : vector<32xbf16>
          %bitcast3A_1034 = vector.bitcast %gather3A_999 : vector<16xi32> to vector<32xbf16>
          %mul3A_1035 = arith.mulf %bitcast3A_392, %bitcast3A_1034 : vector<32xbf16>
          %add3A_1036 = arith.addf %add3A_956, %mul3A_1035 : vector<32xbf16>
          %bitcast3A_1037 = vector.bitcast %gather3A_1001 : vector<16xi32> to vector<32xbf16>
          %mul3A_1038 = arith.mulf %bitcast3A_392, %bitcast3A_1037 : vector<32xbf16>
          %add3A_1039 = arith.addf %add3A_959, %mul3A_1038 : vector<32xbf16>
          %bitcast3A_1040 = vector.bitcast %gather3A_1003 : vector<16xi32> to vector<32xbf16>
          %mul3A_1041 = arith.mulf %bitcast3A_392, %bitcast3A_1040 : vector<32xbf16>
          %add3A_1042 = arith.addf %add3A_962, %mul3A_1041 : vector<32xbf16>
          %bitcast3A_1043 = vector.bitcast %gather3A_1005 : vector<16xi32> to vector<32xbf16>
          %mul3A_1044 = arith.mulf %bitcast3A_392, %bitcast3A_1043 : vector<32xbf16>
          %add3A_1045 = arith.addf %add3A_965, %mul3A_1044 : vector<32xbf16>
          %bitcast3A_1046 = vector.bitcast %gather3A_1007 : vector<16xi32> to vector<32xbf16>
          %mul3A_1047 = arith.mulf %bitcast3A_392, %bitcast3A_1046 : vector<32xbf16>
          %add3A_1048 = arith.addf %add3A_968, %mul3A_1047 : vector<32xbf16>
          %bitcast3A_1049 = vector.bitcast %gather3A_1009 : vector<16xi32> to vector<32xbf16>
          %mul3A_1050 = arith.mulf %bitcast3A_392, %bitcast3A_1049 : vector<32xbf16>
          %add3A_1051 = arith.addf %add3A_971, %mul3A_1050 : vector<32xbf16>
          %bitcast3A_1052 = vector.bitcast %gather3A_1011 : vector<16xi32> to vector<32xbf16>
          %mul3A_1053 = arith.mulf %bitcast3A_392, %bitcast3A_1052 : vector<32xbf16>
          %add3A_1054 = arith.addf %add3A_974, %mul3A_1053 : vector<32xbf16>
          %bitcast3A_1055 = vector.bitcast %gather3A_1013 : vector<16xi32> to vector<32xbf16>
          %mul3A_1056 = arith.mulf %bitcast3A_392, %bitcast3A_1055 : vector<32xbf16>
          %add3A_1057 = arith.addf %add3A_977, %mul3A_1056 : vector<32xbf16>
          %bitcast3A_1058 = vector.bitcast %gather3A_1015 : vector<16xi32> to vector<32xbf16>
          %mul3A_1059 = arith.mulf %bitcast3A_392, %bitcast3A_1058 : vector<32xbf16>
          %add3A_1060 = arith.addf %add3A_980, %mul3A_1059 : vector<32xbf16>
          %bitcast3A_1061 = vector.bitcast %gather3A_1017 : vector<16xi32> to vector<32xbf16>
          %mul3A_1062 = arith.mulf %bitcast3A_392, %bitcast3A_1061 : vector<32xbf16>
          %add3A_1063 = arith.addf %add3A_983, %mul3A_1062 : vector<32xbf16>
          %bitcast3A_1064 = vector.bitcast %gather3A_1019 : vector<16xi32> to vector<32xbf16>
          %mul3A_1065 = arith.mulf %bitcast3A_392, %bitcast3A_1064 : vector<32xbf16>
          %add3A_1066 = arith.addf %add3A_986, %mul3A_1065 : vector<32xbf16>
          %bitcast3A_1067 = vector.bitcast %gather3A_1021 : vector<16xi32> to vector<32xbf16>
          %mul3A_1068 = arith.mulf %bitcast3A_392, %bitcast3A_1067 : vector<32xbf16>
          %add3A_1069 = arith.addf %add3A_989, %mul3A_1068 : vector<32xbf16>
          %add3A_1070 = arith.addi %gather3A_345, %and3A_43 : vector<16xi32>
          %gather3A_1071 = tpu.vector_load_idx %arg6[%add3A_1070] : memref<87040xi32, #tpu.memory_space<vmem>>[vector<16xi32>], vector<16xi32>,
          %add3A_1072 = arith.addi %gather3A_345, %and3A_49 : vector<16xi32>
          %gather3A_1073 = tpu.vector_load_idx %arg6[%add3A_1072] : memref<87040xi32, #tpu.memory_space<vmem>>[vector<16xi32>], vector<16xi32>,
          %add3A_1074 = arith.addi %gather3A_345, %and3A_55 : vector<16xi32>
          %gather3A_1075 = tpu.vector_load_idx %arg6[%add3A_1074] : memref<87040xi32, #tpu.memory_space<vmem>>[vector<16xi32>], vector<16xi32>,
          %add3A_1076 = arith.addi %gather3A_345, %and3A_61 : vector<16xi32>
          %gather3A_1077 = tpu.vector_load_idx %arg6[%add3A_1076] : memref<87040xi32, #tpu.memory_space<vmem>>[vector<16xi32>], vector<16xi32>,
          %add3A_1078 = arith.addi %gather3A_345, %and3A_67 : vector<16xi32>
          %gather3A_1079 = tpu.vector_load_idx %arg6[%add3A_1078] : memref<87040xi32, #tpu.memory_space<vmem>>[vector<16xi32>], vector<16xi32>,
          %add3A_1080 = arith.addi %gather3A_345, %and3A_73 : vector<16xi32>
          %gather3A_1081 = tpu.vector_load_idx %arg6[%add3A_1080] : memref<87040xi32, #tpu.memory_space<vmem>>[vector<16xi32>], vector<16xi32>,
          %add3A_1082 = arith.addi %gather3A_345, %and3A_79 : vector<16xi32>
          %gather3A_1083 = tpu.vector_load_idx %arg6[%add3A_1082] : memref<87040xi32, #tpu.memory_space<vmem>>[vector<16xi32>], vector<16xi32>,
          %add3A_1084 = arith.addi %gather3A_345, %and3A_85 : vector<16xi32>
          %gather3A_1085 = tpu.vector_load_idx %arg6[%add3A_1084] : memref<87040xi32, #tpu.memory_space<vmem>>[vector<16xi32>], vector<16xi32>,
          %add3A_1086 = arith.addi %gather3A_345, %and3A_91 : vector<16xi32>
          %gather3A_1087 = tpu.vector_load_idx %arg6[%add3A_1086] : memref<87040xi32, #tpu.memory_space<vmem>>[vector<16xi32>], vector<16xi32>,
          %add3A_1088 = arith.addi %gather3A_345, %and3A_97 : vector<16xi32>
          %gather3A_1089 = tpu.vector_load_idx %arg6[%add3A_1088] : memref<87040xi32, #tpu.memory_space<vmem>>[vector<16xi32>], vector<16xi32>,
          %add3A_1090 = arith.addi %gather3A_345, %and3A_103 : vector<16xi32>
          %gather3A_1091 = tpu.vector_load_idx %arg6[%add3A_1090] : memref<87040xi32, #tpu.memory_space<vmem>>[vector<16xi32>], vector<16xi32>,
          %add3A_1092 = arith.addi %gather3A_345, %and3A_109 : vector<16xi32>
          %gather3A_1093 = tpu.vector_load_idx %arg6[%add3A_1092] : memref<87040xi32, #tpu.memory_space<vmem>>[vector<16xi32>], vector<16xi32>,
          %add3A_1094 = arith.addi %gather3A_345, %and3A_115 : vector<16xi32>
          %gather3A_1095 = tpu.vector_load_idx %arg6[%add3A_1094] : memref<87040xi32, #tpu.memory_space<vmem>>[vector<16xi32>], vector<16xi32>,
          %add3A_1096 = arith.addi %gather3A_345, %and3A_121 : vector<16xi32>
          %gather3A_1097 = tpu.vector_load_idx %arg6[%add3A_1096] : memref<87040xi32, #tpu.memory_space<vmem>>[vector<16xi32>], vector<16xi32>,
          %add3A_1098 = arith.addi %gather3A_345, %and3A_127 : vector<16xi32>
          %gather3A_1099 = tpu.vector_load_idx %arg6[%add3A_1098] : memref<87040xi32, #tpu.memory_space<vmem>>[vector<16xi32>], vector<16xi32>,
          %add3A_1100 = arith.addi %gather3A_345, %and3A_133 : vector<16xi32>
          %gather3A_1101 = tpu.vector_load_idx %arg6[%add3A_1100] : memref<87040xi32, #tpu.memory_space<vmem>>[vector<16xi32>], vector<16xi32>,
          %bitcast3A_1102 = vector.bitcast %gather3A_1071 : vector<16xi32> to vector<32xbf16>
          %mul3A_1103 = arith.mulf %bitcast3A_398, %bitcast3A_1102 : vector<32xbf16>
          %add3A_1104 = arith.addf %add3A_1024, %mul3A_1103 : vector<32xbf16>
          %bitcast3A_1105 = vector.bitcast %gather3A_1073 : vector<16xi32> to vector<32xbf16>
          %mul3A_1106 = arith.mulf %bitcast3A_398, %bitcast3A_1105 : vector<32xbf16>
          %add3A_1107 = arith.addf %add3A_1027, %mul3A_1106 : vector<32xbf16>
          %bitcast3A_1108 = vector.bitcast %gather3A_1075 : vector<16xi32> to vector<32xbf16>
          %mul3A_1109 = arith.mulf %bitcast3A_398, %bitcast3A_1108 : vector<32xbf16>
          %add3A_1110 = arith.addf %add3A_1030, %mul3A_1109 : vector<32xbf16>
          %bitcast3A_1111 = vector.bitcast %gather3A_1077 : vector<16xi32> to vector<32xbf16>
          %mul3A_1112 = arith.mulf %bitcast3A_398, %bitcast3A_1111 : vector<32xbf16>
          %add3A_1113 = arith.addf %add3A_1033, %mul3A_1112 : vector<32xbf16>
          %bitcast3A_1114 = vector.bitcast %gather3A_1079 : vector<16xi32> to vector<32xbf16>
          %mul3A_1115 = arith.mulf %bitcast3A_398, %bitcast3A_1114 : vector<32xbf16>
          %add3A_1116 = arith.addf %add3A_1036, %mul3A_1115 : vector<32xbf16>
          %bitcast3A_1117 = vector.bitcast %gather3A_1081 : vector<16xi32> to vector<32xbf16>
          %mul3A_1118 = arith.mulf %bitcast3A_398, %bitcast3A_1117 : vector<32xbf16>
          %add3A_1119 = arith.addf %add3A_1039, %mul3A_1118 : vector<32xbf16>
          %bitcast3A_1120 = vector.bitcast %gather3A_1083 : vector<16xi32> to vector<32xbf16>
          %mul3A_1121 = arith.mulf %bitcast3A_398, %bitcast3A_1120 : vector<32xbf16>
          %add3A_1122 = arith.addf %add3A_1042, %mul3A_1121 : vector<32xbf16>
          %bitcast3A_1123 = vector.bitcast %gather3A_1085 : vector<16xi32> to vector<32xbf16>
          %mul3A_1124 = arith.mulf %bitcast3A_398, %bitcast3A_1123 : vector<32xbf16>
          %add3A_1125 = arith.addf %add3A_1045, %mul3A_1124 : vector<32xbf16>
          %bitcast3A_1126 = vector.bitcast %gather3A_1087 : vector<16xi32> to vector<32xbf16>
          %mul3A_1127 = arith.mulf %bitcast3A_398, %bitcast3A_1126 : vector<32xbf16>
          %add3A_1128 = arith.addf %add3A_1048, %mul3A_1127 : vector<32xbf16>
          %bitcast3A_1129 = vector.bitcast %gather3A_1089 : vector<16xi32> to vector<32xbf16>
          %mul3A_1130 = arith.mulf %bitcast3A_398, %bitcast3A_1129 : vector<32xbf16>
          %add3A_1131 = arith.addf %add3A_1051, %mul3A_1130 : vector<32xbf16>
          %bitcast3A_1132 = vector.bitcast %gather3A_1091 : vector<16xi32> to vector<32xbf16>
          %mul3A_1133 = arith.mulf %bitcast3A_398, %bitcast3A_1132 : vector<32xbf16>
          %add3A_1134 = arith.addf %add3A_1054, %mul3A_1133 : vector<32xbf16>
          %bitcast3A_1135 = vector.bitcast %gather3A_1093 : vector<16xi32> to vector<32xbf16>
          %mul3A_1136 = arith.mulf %bitcast3A_398, %bitcast3A_1135 : vector<32xbf16>
          %add3A_1137 = arith.addf %add3A_1057, %mul3A_1136 : vector<32xbf16>
          %bitcast3A_1138 = vector.bitcast %gather3A_1095 : vector<16xi32> to vector<32xbf16>
          %mul3A_1139 = arith.mulf %bitcast3A_398, %bitcast3A_1138 : vector<32xbf16>
          %add3A_1140 = arith.addf %add3A_1060, %mul3A_1139 : vector<32xbf16>
          %bitcast3A_1141 = vector.bitcast %gather3A_1097 : vector<16xi32> to vector<32xbf16>
          %mul3A_1142 = arith.mulf %bitcast3A_398, %bitcast3A_1141 : vector<32xbf16>
          %add3A_1143 = arith.addf %add3A_1063, %mul3A_1142 : vector<32xbf16>
          %bitcast3A_1144 = vector.bitcast %gather3A_1099 : vector<16xi32> to vector<32xbf16>
          %mul3A_1145 = arith.mulf %bitcast3A_398, %bitcast3A_1144 : vector<32xbf16>
          %add3A_1146 = arith.addf %add3A_1066, %mul3A_1145 : vector<32xbf16>
          %bitcast3A_1147 = vector.bitcast %gather3A_1101 : vector<16xi32> to vector<32xbf16>
          %mul3A_1148 = arith.mulf %bitcast3A_398, %bitcast3A_1147 : vector<32xbf16>
          %add3A_1149 = arith.addf %add3A_1069, %mul3A_1148 : vector<32xbf16>
          %bitcast3A_1150 = vector.bitcast %add3A_1104 : vector<32xbf16> to vector<16xi32>
          %and3A_1151 = arith.andi %bitcast3A_1150, %broadcast_in_dim3A_31 : vector<16xi32>
          %bitcast3A_1152 = vector.bitcast %and3A_1151 : vector<16xi32> to vector<16xf32>
          %shift_left3A_1153 = arith.shli %bitcast3A_1150, %broadcast_in_dim3A_29 : vector<16xi32>
          %bitcast3A_1154 = vector.bitcast %shift_left3A_1153 : vector<16xi32> to vector<16xf32>
          %add3A_1155 = arith.addi %and3A_43, %and3A_43 : vector<16xi32>
          tpu.vector_store_idx %arg9[%add3A_206, %add3A_1155], %bitcast3A_1154 {add = true} : memref<160x33xf32, #tpu.memory_space<vmem>>[vector<16xi32>, vector<16xi32>], vector<16xf32>,
          %add3A_1156 = arith.constant 1 : i32
          %add3A_1157 = vector.broadcast %add3A_1156 : i32 to vector<16xi32>
          %add3A_1158 = arith.addi %add3A_1155, %add3A_1157 : vector<16xi32>
          tpu.vector_store_idx %arg9[%add3A_206, %add3A_1158], %bitcast3A_1152 {add = true} : memref<160x33xf32, #tpu.memory_space<vmem>>[vector<16xi32>, vector<16xi32>], vector<16xf32>,
          %bitcast3A_1159 = vector.bitcast %add3A_1107 : vector<32xbf16> to vector<16xi32>
          %and3A_1160 = arith.andi %bitcast3A_1159, %broadcast_in_dim3A_31 : vector<16xi32>
          %bitcast3A_1161 = vector.bitcast %and3A_1160 : vector<16xi32> to vector<16xf32>
          %shift_left3A_1162 = arith.shli %bitcast3A_1159, %broadcast_in_dim3A_29 : vector<16xi32>
          %bitcast3A_1163 = vector.bitcast %shift_left3A_1162 : vector<16xi32> to vector<16xf32>
          %add3A_1164 = arith.addi %and3A_49, %and3A_49 : vector<16xi32>
          tpu.vector_store_idx %arg9[%add3A_206, %add3A_1164], %bitcast3A_1163 {add = true} : memref<160x33xf32, #tpu.memory_space<vmem>>[vector<16xi32>, vector<16xi32>], vector<16xf32>,
          %add3A_1165 = arith.constant 1 : i32
          %add3A_1166 = vector.broadcast %add3A_1165 : i32 to vector<16xi32>
          %add3A_1167 = arith.addi %add3A_1164, %add3A_1166 : vector<16xi32>
          tpu.vector_store_idx %arg9[%add3A_206, %add3A_1167], %bitcast3A_1161 {add = true} : memref<160x33xf32, #tpu.memory_space<vmem>>[vector<16xi32>, vector<16xi32>], vector<16xf32>,
          %bitcast3A_1168 = vector.bitcast %add3A_1110 : vector<32xbf16> to vector<16xi32>
          %and3A_1169 = arith.andi %bitcast3A_1168, %broadcast_in_dim3A_31 : vector<16xi32>
          %bitcast3A_1170 = vector.bitcast %and3A_1169 : vector<16xi32> to vector<16xf32>
          %shift_left3A_1171 = arith.shli %bitcast3A_1168, %broadcast_in_dim3A_29 : vector<16xi32>
          %bitcast3A_1172 = vector.bitcast %shift_left3A_1171 : vector<16xi32> to vector<16xf32>
          %add3A_1173 = arith.addi %and3A_55, %and3A_55 : vector<16xi32>
          tpu.vector_store_idx %arg9[%add3A_206, %add3A_1173], %bitcast3A_1172 {add = true} : memref<160x33xf32, #tpu.memory_space<vmem>>[vector<16xi32>, vector<16xi32>], vector<16xf32>,
          %add3A_1174 = arith.constant 1 : i32
          %add3A_1175 = vector.broadcast %add3A_1174 : i32 to vector<16xi32>
          %add3A_1176 = arith.addi %add3A_1173, %add3A_1175 : vector<16xi32>
          tpu.vector_store_idx %arg9[%add3A_206, %add3A_1176], %bitcast3A_1170 {add = true} : memref<160x33xf32, #tpu.memory_space<vmem>>[vector<16xi32>, vector<16xi32>], vector<16xf32>,
          %bitcast3A_1177 = vector.bitcast %add3A_1113 : vector<32xbf16> to vector<16xi32>
          %and3A_1178 = arith.andi %bitcast3A_1177, %broadcast_in_dim3A_31 : vector<16xi32>
          %bitcast3A_1179 = vector.bitcast %and3A_1178 : vector<16xi32> to vector<16xf32>
          %shift_left3A_1180 = arith.shli %bitcast3A_1177, %broadcast_in_dim3A_29 : vector<16xi32>
          %bitcast3A_1181 = vector.bitcast %shift_left3A_1180 : vector<16xi32> to vector<16xf32>
          %add3A_1182 = arith.addi %and3A_61, %and3A_61 : vector<16xi32>
          tpu.vector_store_idx %arg9[%add3A_206, %add3A_1182], %bitcast3A_1181 {add = true} : memref<160x33xf32, #tpu.memory_space<vmem>>[vector<16xi32>, vector<16xi32>], vector<16xf32>,
          %add3A_1183 = arith.constant 1 : i32
          %add3A_1184 = vector.broadcast %add3A_1183 : i32 to vector<16xi32>
          %add3A_1185 = arith.addi %add3A_1182, %add3A_1184 : vector<16xi32>
          tpu.vector_store_idx %arg9[%add3A_206, %add3A_1185], %bitcast3A_1179 {add = true} : memref<160x33xf32, #tpu.memory_space<vmem>>[vector<16xi32>, vector<16xi32>], vector<16xf32>,
          %bitcast3A_1186 = vector.bitcast %add3A_1116 : vector<32xbf16> to vector<16xi32>
          %and3A_1187 = arith.andi %bitcast3A_1186, %broadcast_in_dim3A_31 : vector<16xi32>
          %bitcast3A_1188 = vector.bitcast %and3A_1187 : vector<16xi32> to vector<16xf32>
          %shift_left3A_1189 = arith.shli %bitcast3A_1186, %broadcast_in_dim3A_29 : vector<16xi32>
          %bitcast3A_1190 = vector.bitcast %shift_left3A_1189 : vector<16xi32> to vector<16xf32>
          %add3A_1191 = arith.addi %and3A_67, %and3A_67 : vector<16xi32>
          tpu.vector_store_idx %arg9[%add3A_206, %add3A_1191], %bitcast3A_1190 {add = true} : memref<160x33xf32, #tpu.memory_space<vmem>>[vector<16xi32>, vector<16xi32>], vector<16xf32>,
          %add3A_1192 = arith.constant 1 : i32
          %add3A_1193 = vector.broadcast %add3A_1192 : i32 to vector<16xi32>
          %add3A_1194 = arith.addi %add3A_1191, %add3A_1193 : vector<16xi32>
          tpu.vector_store_idx %arg9[%add3A_206, %add3A_1194], %bitcast3A_1188 {add = true} : memref<160x33xf32, #tpu.memory_space<vmem>>[vector<16xi32>, vector<16xi32>], vector<16xf32>,
          %bitcast3A_1195 = vector.bitcast %add3A_1119 : vector<32xbf16> to vector<16xi32>
          %and3A_1196 = arith.andi %bitcast3A_1195, %broadcast_in_dim3A_31 : vector<16xi32>
          %bitcast3A_1197 = vector.bitcast %and3A_1196 : vector<16xi32> to vector<16xf32>
          %shift_left3A_1198 = arith.shli %bitcast3A_1195, %broadcast_in_dim3A_29 : vector<16xi32>
          %bitcast3A_1199 = vector.bitcast %shift_left3A_1198 : vector<16xi32> to vector<16xf32>
          %add3A_1200 = arith.addi %and3A_73, %and3A_73 : vector<16xi32>
          tpu.vector_store_idx %arg9[%add3A_206, %add3A_1200], %bitcast3A_1199 {add = true} : memref<160x33xf32, #tpu.memory_space<vmem>>[vector<16xi32>, vector<16xi32>], vector<16xf32>,
          %add3A_1201 = arith.constant 1 : i32
          %add3A_1202 = vector.broadcast %add3A_1201 : i32 to vector<16xi32>
          %add3A_1203 = arith.addi %add3A_1200, %add3A_1202 : vector<16xi32>
          tpu.vector_store_idx %arg9[%add3A_206, %add3A_1203], %bitcast3A_1197 {add = true} : memref<160x33xf32, #tpu.memory_space<vmem>>[vector<16xi32>, vector<16xi32>], vector<16xf32>,
          %bitcast3A_1204 = vector.bitcast %add3A_1122 : vector<32xbf16> to vector<16xi32>
          %and3A_1205 = arith.andi %bitcast3A_1204, %broadcast_in_dim3A_31 : vector<16xi32>
          %bitcast3A_1206 = vector.bitcast %and3A_1205 : vector<16xi32> to vector<16xf32>
          %shift_left3A_1207 = arith.shli %bitcast3A_1204, %broadcast_in_dim3A_29 : vector<16xi32>
          %bitcast3A_1208 = vector.bitcast %shift_left3A_1207 : vector<16xi32> to vector<16xf32>
          %add3A_1209 = arith.addi %and3A_79, %and3A_79 : vector<16xi32>
          tpu.vector_store_idx %arg9[%add3A_206, %add3A_1209], %bitcast3A_1208 {add = true} : memref<160x33xf32, #tpu.memory_space<vmem>>[vector<16xi32>, vector<16xi32>], vector<16xf32>,
          %add3A_1210 = arith.constant 1 : i32
          %add3A_1211 = vector.broadcast %add3A_1210 : i32 to vector<16xi32>
          %add3A_1212 = arith.addi %add3A_1209, %add3A_1211 : vector<16xi32>
          tpu.vector_store_idx %arg9[%add3A_206, %add3A_1212], %bitcast3A_1206 {add = true} : memref<160x33xf32, #tpu.memory_space<vmem>>[vector<16xi32>, vector<16xi32>], vector<16xf32>,
          %bitcast3A_1213 = vector.bitcast %add3A_1125 : vector<32xbf16> to vector<16xi32>
          %and3A_1214 = arith.andi %bitcast3A_1213, %broadcast_in_dim3A_31 : vector<16xi32>
          %bitcast3A_1215 = vector.bitcast %and3A_1214 : vector<16xi32> to vector<16xf32>
          %shift_left3A_1216 = arith.shli %bitcast3A_1213, %broadcast_in_dim3A_29 : vector<16xi32>
          %bitcast3A_1217 = vector.bitcast %shift_left3A_1216 : vector<16xi32> to vector<16xf32>
          %add3A_1218 = arith.addi %and3A_85, %and3A_85 : vector<16xi32>
          tpu.vector_store_idx %arg9[%add3A_206, %add3A_1218], %bitcast3A_1217 {add = true} : memref<160x33xf32, #tpu.memory_space<vmem>>[vector<16xi32>, vector<16xi32>], vector<16xf32>,
          %add3A_1219 = arith.constant 1 : i32
          %add3A_1220 = vector.broadcast %add3A_1219 : i32 to vector<16xi32>
          %add3A_1221 = arith.addi %add3A_1218, %add3A_1220 : vector<16xi32>
          tpu.vector_store_idx %arg9[%add3A_206, %add3A_1221], %bitcast3A_1215 {add = true} : memref<160x33xf32, #tpu.memory_space<vmem>>[vector<16xi32>, vector<16xi32>], vector<16xf32>,
          %bitcast3A_1222 = vector.bitcast %add3A_1128 : vector<32xbf16> to vector<16xi32>
          %and3A_1223 = arith.andi %bitcast3A_1222, %broadcast_in_dim3A_31 : vector<16xi32>
          %bitcast3A_1224 = vector.bitcast %and3A_1223 : vector<16xi32> to vector<16xf32>
          %shift_left3A_1225 = arith.shli %bitcast3A_1222, %broadcast_in_dim3A_29 : vector<16xi32>
          %bitcast3A_1226 = vector.bitcast %shift_left3A_1225 : vector<16xi32> to vector<16xf32>
          %add3A_1227 = arith.addi %and3A_91, %and3A_91 : vector<16xi32>
          tpu.vector_store_idx %arg9[%add3A_206, %add3A_1227], %bitcast3A_1226 {add = true} : memref<160x33xf32, #tpu.memory_space<vmem>>[vector<16xi32>, vector<16xi32>], vector<16xf32>,
          %add3A_1228 = arith.constant 1 : i32
          %add3A_1229 = vector.broadcast %add3A_1228 : i32 to vector<16xi32>
          %add3A_1230 = arith.addi %add3A_1227, %add3A_1229 : vector<16xi32>
          tpu.vector_store_idx %arg9[%add3A_206, %add3A_1230], %bitcast3A_1224 {add = true} : memref<160x33xf32, #tpu.memory_space<vmem>>[vector<16xi32>, vector<16xi32>], vector<16xf32>,
          %bitcast3A_1231 = vector.bitcast %add3A_1131 : vector<32xbf16> to vector<16xi32>
          %and3A_1232 = arith.andi %bitcast3A_1231, %broadcast_in_dim3A_31 : vector<16xi32>
          %bitcast3A_1233 = vector.bitcast %and3A_1232 : vector<16xi32> to vector<16xf32>
          %shift_left3A_1234 = arith.shli %bitcast3A_1231, %broadcast_in_dim3A_29 : vector<16xi32>
          %bitcast3A_1235 = vector.bitcast %shift_left3A_1234 : vector<16xi32> to vector<16xf32>
          %add3A_1236 = arith.addi %and3A_97, %and3A_97 : vector<16xi32>
          tpu.vector_store_idx %arg9[%add3A_206, %add3A_1236], %bitcast3A_1235 {add = true} : memref<160x33xf32, #tpu.memory_space<vmem>>[vector<16xi32>, vector<16xi32>], vector<16xf32>,
          %add3A_1237 = arith.constant 1 : i32
          %add3A_1238 = vector.broadcast %add3A_1237 : i32 to vector<16xi32>
          %add3A_1239 = arith.addi %add3A_1236, %add3A_1238 : vector<16xi32>
          tpu.vector_store_idx %arg9[%add3A_206, %add3A_1239], %bitcast3A_1233 {add = true} : memref<160x33xf32, #tpu.memory_space<vmem>>[vector<16xi32>, vector<16xi32>], vector<16xf32>,
          %bitcast3A_1240 = vector.bitcast %add3A_1134 : vector<32xbf16> to vector<16xi32>
          %and3A_1241 = arith.andi %bitcast3A_1240, %broadcast_in_dim3A_31 : vector<16xi32>
          %bitcast3A_1242 = vector.bitcast %and3A_1241 : vector<16xi32> to vector<16xf32>
          %shift_left3A_1243 = arith.shli %bitcast3A_1240, %broadcast_in_dim3A_29 : vector<16xi32>
          %bitcast3A_1244 = vector.bitcast %shift_left3A_1243 : vector<16xi32> to vector<16xf32>
          %add3A_1245 = arith.addi %and3A_103, %and3A_103 : vector<16xi32>
          tpu.vector_store_idx %arg9[%add3A_206, %add3A_1245], %bitcast3A_1244 {add = true} : memref<160x33xf32, #tpu.memory_space<vmem>>[vector<16xi32>, vector<16xi32>], vector<16xf32>,
          %add3A_1246 = arith.constant 1 : i32
          %add3A_1247 = vector.broadcast %add3A_1246 : i32 to vector<16xi32>
          %add3A_1248 = arith.addi %add3A_1245, %add3A_1247 : vector<16xi32>
          tpu.vector_store_idx %arg9[%add3A_206, %add3A_1248], %bitcast3A_1242 {add = true} : memref<160x33xf32, #tpu.memory_space<vmem>>[vector<16xi32>, vector<16xi32>], vector<16xf32>,
          %bitcast3A_1249 = vector.bitcast %add3A_1137 : vector<32xbf16> to vector<16xi32>
          %and3A_1250 = arith.andi %bitcast3A_1249, %broadcast_in_dim3A_31 : vector<16xi32>
          %bitcast3A_1251 = vector.bitcast %and3A_1250 : vector<16xi32> to vector<16xf32>
          %shift_left3A_1252 = arith.shli %bitcast3A_1249, %broadcast_in_dim3A_29 : vector<16xi32>
          %bitcast3A_1253 = vector.bitcast %shift_left3A_1252 : vector<16xi32> to vector<16xf32>
          %add3A_1254 = arith.addi %and3A_109, %and3A_109 : vector<16xi32>
          tpu.vector_store_idx %arg9[%add3A_206, %add3A_1254], %bitcast3A_1253 {add = true} : memref<160x33xf32, #tpu.memory_space<vmem>>[vector<16xi32>, vector<16xi32>], vector<16xf32>,
          %add3A_1255 = arith.constant 1 : i32
          %add3A_1256 = vector.broadcast %add3A_1255 : i32 to vector<16xi32>
          %add3A_1257 = arith.addi %add3A_1254, %add3A_1256 : vector<16xi32>
          tpu.vector_store_idx %arg9[%add3A_206, %add3A_1257], %bitcast3A_1251 {add = true} : memref<160x33xf32, #tpu.memory_space<vmem>>[vector<16xi32>, vector<16xi32>], vector<16xf32>,
          %bitcast3A_1258 = vector.bitcast %add3A_1140 : vector<32xbf16> to vector<16xi32>
          %and3A_1259 = arith.andi %bitcast3A_1258, %broadcast_in_dim3A_31 : vector<16xi32>
          %bitcast3A_1260 = vector.bitcast %and3A_1259 : vector<16xi32> to vector<16xf32>
          %shift_left3A_1261 = arith.shli %bitcast3A_1258, %broadcast_in_dim3A_29 : vector<16xi32>
          %bitcast3A_1262 = vector.bitcast %shift_left3A_1261 : vector<16xi32> to vector<16xf32>
          %add3A_1263 = arith.addi %and3A_115, %and3A_115 : vector<16xi32>
          tpu.vector_store_idx %arg9[%add3A_206, %add3A_1263], %bitcast3A_1262 {add = true} : memref<160x33xf32, #tpu.memory_space<vmem>>[vector<16xi32>, vector<16xi32>], vector<16xf32>,
          %add3A_1264 = arith.constant 1 : i32
          %add3A_1265 = vector.broadcast %add3A_1264 : i32 to vector<16xi32>
          %add3A_1266 = arith.addi %add3A_1263, %add3A_1265 : vector<16xi32>
          tpu.vector_store_idx %arg9[%add3A_206, %add3A_1266], %bitcast3A_1260 {add = true} : memref<160x33xf32, #tpu.memory_space<vmem>>[vector<16xi32>, vector<16xi32>], vector<16xf32>,
          %bitcast3A_1267 = vector.bitcast %add3A_1143 : vector<32xbf16> to vector<16xi32>
          %and3A_1268 = arith.andi %bitcast3A_1267, %broadcast_in_dim3A_31 : vector<16xi32>
          %bitcast3A_1269 = vector.bitcast %and3A_1268 : vector<16xi32> to vector<16xf32>
          %shift_left3A_1270 = arith.shli %bitcast3A_1267, %broadcast_in_dim3A_29 : vector<16xi32>
          %bitcast3A_1271 = vector.bitcast %shift_left3A_1270 : vector<16xi32> to vector<16xf32>
          %add3A_1272 = arith.addi %and3A_121, %and3A_121 : vector<16xi32>
          tpu.vector_store_idx %arg9[%add3A_206, %add3A_1272], %bitcast3A_1271 {add = true} : memref<160x33xf32, #tpu.memory_space<vmem>>[vector<16xi32>, vector<16xi32>], vector<16xf32>,
          %add3A_1273 = arith.constant 1 : i32
          %add3A_1274 = vector.broadcast %add3A_1273 : i32 to vector<16xi32>
          %add3A_1275 = arith.addi %add3A_1272, %add3A_1274 : vector<16xi32>
          tpu.vector_store_idx %arg9[%add3A_206, %add3A_1275], %bitcast3A_1269 {add = true} : memref<160x33xf32, #tpu.memory_space<vmem>>[vector<16xi32>, vector<16xi32>], vector<16xf32>,
          %bitcast3A_1276 = vector.bitcast %add3A_1146 : vector<32xbf16> to vector<16xi32>
          %and3A_1277 = arith.andi %bitcast3A_1276, %broadcast_in_dim3A_31 : vector<16xi32>
          %bitcast3A_1278 = vector.bitcast %and3A_1277 : vector<16xi32> to vector<16xf32>
          %shift_left3A_1279 = arith.shli %bitcast3A_1276, %broadcast_in_dim3A_29 : vector<16xi32>
          %bitcast3A_1280 = vector.bitcast %shift_left3A_1279 : vector<16xi32> to vector<16xf32>
          %add3A_1281 = arith.addi %and3A_127, %and3A_127 : vector<16xi32>
          tpu.vector_store_idx %arg9[%add3A_206, %add3A_1281], %bitcast3A_1280 {add = true} : memref<160x33xf32, #tpu.memory_space<vmem>>[vector<16xi32>, vector<16xi32>], vector<16xf32>,
          %add3A_1282 = arith.constant 1 : i32
          %add3A_1283 = vector.broadcast %add3A_1282 : i32 to vector<16xi32>
          %add3A_1284 = arith.addi %add3A_1281, %add3A_1283 : vector<16xi32>
          tpu.vector_store_idx %arg9[%add3A_206, %add3A_1284], %bitcast3A_1278 {add = true} : memref<160x33xf32, #tpu.memory_space<vmem>>[vector<16xi32>, vector<16xi32>], vector<16xf32>,
          %bitcast3A_1285 = vector.bitcast %add3A_1149 : vector<32xbf16> to vector<16xi32>
          %and3A_1286 = arith.andi %bitcast3A_1285, %broadcast_in_dim3A_31 : vector<16xi32>
          %bitcast3A_1287 = vector.bitcast %and3A_1286 : vector<16xi32> to vector<16xf32>
          %shift_left3A_1288 = arith.shli %bitcast3A_1285, %broadcast_in_dim3A_29 : vector<16xi32>
          %bitcast3A_1289 = vector.bitcast %shift_left3A_1288 : vector<16xi32> to vector<16xf32>
          %add3A_1290 = arith.addi %and3A_133, %and3A_133 : vector<16xi32>
          tpu.vector_store_idx %arg9[%add3A_206, %add3A_1290], %bitcast3A_1289 {add = true} : memref<160x33xf32, #tpu.memory_space<vmem>>[vector<16xi32>, vector<16xi32>], vector<16xf32>,
          %add3A_1291 = arith.constant 1 : i32
          %add3A_1292 = vector.broadcast %add3A_1291 : i32 to vector<16xi32>
          %add3A_1293 = arith.addi %add3A_1290, %add3A_1292 : vector<16xi32>
          tpu.vector_store_idx %arg9[%add3A_206, %add3A_1293], %bitcast3A_1287 {add = true} : memref<160x33xf32, #tpu.memory_space<vmem>>[vector<16xi32>, vector<16xi32>], vector<16xf32>,
        }
        %scan3A_311 = arith.constant 8 : i32
      }
      %scan3A_201 = arith.constant 10 : i32
      "tpu.region"() ({
        %run_scoped3A = tpu.sem_alloc : memref<!tpu.dma_semaphore, #tpu.memory_space<semaphore_mem>>
        %dma_start3A = arith.constant 0 : i32
        %dma_start3A_202 = tpu.memref_slice %arg5[%arg0, %select_n3A, %add3A_191, %dma_start3A] : memref<2x8x5440x33xf32, #tpu.memory_space<hbm>> -> memref<1x1x160x33xf32, #tpu.memory_space<hbm>>
        %dma_start3A_203 = tpu.memref_squeeze %dma_start3A_202 : memref<1x1x160x33xf32, #tpu.memory_space<hbm>> -> memref<160x33xf32, #tpu.memory_space<hbm>>
        %dma_start3A_204 = arith.constant 0 : i32
        %dma_start3A_205 = tpu.memref_slice %arg5[%arg0, %select_n3A, %add3A_191, %dma_start3A_204] : memref<2x8x5440x33xf32, #tpu.memory_space<hbm>> -> memref<1x1x160x33xf32, #tpu.memory_space<hbm>>
        %dma_start3A_206 = tpu.memref_squeeze %dma_start3A_205 : memref<1x1x160x33xf32, #tpu.memory_space<hbm>> -> memref<160x33xf32, #tpu.memory_space<hbm>>
        tpu.enqueue_dma source(%arg9 : memref<160x33xf32, #tpu.memory_space<vmem>>) target(%dma_start3A_206 : memref<160x33xf32, #tpu.memory_space<hbm>>) target_semaphore(%run_scoped3A : memref<!tpu.dma_semaphore, #tpu.memory_space<semaphore_mem>>)
        %dma_wait3A = arith.constant 0 : i32
        %dma_wait3A_207 = tpu.memref_slice %arg5[%arg0, %select_n3A, %add3A_191, %dma_wait3A] : memref<2x8x5440x33xf32, #tpu.memory_space<hbm>> -> memref<1x1x160x33xf32, #tpu.memory_space<hbm>>
        %dma_wait3A_208 = tpu.memref_squeeze %dma_wait3A_207 : memref<1x1x160x33xf32, #tpu.memory_space<hbm>> -> memref<160x33xf32, #tpu.memory_space<hbm>>
        %dma_wait3A_209 = arith.constant 0 : i32
        %dma_wait3A_210 = tpu.memref_slice %arg5[%arg0, %select_n3A, %add3A_191, %dma_wait3A_209] : memref<2x8x5440x33xf32, #tpu.memory_space<hbm>> -> memref<1x1x160x33xf32, #tpu.memory_space<hbm>>
        %dma_wait3A_211 = tpu.memref_squeeze %dma_wait3A_210 : memref<1x1x160x33xf32, #tpu.memory_space<hbm>> -> memref<160x33xf32, #tpu.memory_space<hbm>>
        tpu.wait_dma2 semaphore(%run_scoped3A : memref<!tpu.dma_semaphore, #tpu.memory_space<semaphore_mem>>) src(%arg9 : memref<160x33xf32, #tpu.memory_space<vmem>>) dst(%dma_wait3A_211 : memref<160x33xf32, #tpu.memory_space<hbm>>)
        tpu.yield
      }) : () -> ()
    }
    %scan3A_186 = arith.constant 17 : i32
    return
  }
}

module attributes {stable_mosaic.version = 14 : i64} {
  func.func @_t1_body(%arg0: i32, %arg1: i32, %arg2: memref<1x544x256xf32, #tpu.memory_space<vmem>>, %arg3: memref<256x256xf32, #tpu.memory_space<vmem>>, %arg4: memref<1x256xf32, #tpu.memory_space<vmem>>, %arg5: memref<1x8x544x16xi32, #tpu.memory_space<vmem>>) attributes {dimension_semantics = [#tpu.dimension_semantics<arbitrary>, #tpu.dimension_semantics<arbitrary>], iteration_bounds = array<i64: 2, 10>, scalar_prefetch = 0 : i64, scratch_operands = 0 : i64, tpu.core_type = #tpu.core_type<tc>, window_params = [{transform_indices = @transform_0, window_bounds = array<i64: 1, 544, 256>}, {pipeline_mode = #tpu.pipeline_mode<synchronous>, transform_indices = @transform_1, window_bounds = array<i64: 256, 256>}, {pipeline_mode = #tpu.pipeline_mode<synchronous>, transform_indices = @transform_2, window_bounds = array<i64: 1, 256>}, {transform_indices = @transform_3, window_bounds = array<i64: 1, 8, 544, 16>}]} {
    %get3A = arith.constant 0 : index
    %get3A_0 = arith.constant 0 : index
    %get3A_1 = arith.constant 0 : index
    %get3A_2 = vector.load %arg2[%get3A, %get3A_0, %get3A_1] : memref<1x544x256xf32, #tpu.memory_space<vmem>>, vector<1x544x256xf32>
    %get3A_3 = vector.shape_cast %get3A_2 : vector<1x544x256xf32> to vector<544x256xf32>
    %convert_element_type3A = arith.truncf %get3A_3 : vector<544x256xf32> to vector<544x256xbf16>
    %get3A_4 = arith.constant 0 : index
    %get3A_5 = arith.constant 0 : index
    %get3A_6 = vector.load %arg3[%get3A_4, %get3A_5] : memref<256x256xf32, #tpu.memory_space<vmem>>, vector<256x256xf32>
    %convert_element_type3A_7 = arith.truncf %get3A_6 : vector<256x256xf32> to vector<256x256xbf16>
    %dot_general3A = arith.constant dense<0.000000e+00> : vector<544x256xf32>
    %dot_general3A_8 = tpu.matmul %convert_element_type3A, %convert_element_type3A_7, %dot_general3A {dimension_numbers = #tpu.dot_dimension_numbers<[1], [0], [0], [1], [0, 0, 1, 1], [], []>, transpose_lhs_hint = false} : vector<544x256xbf16>, vector<256x256xbf16>, vector<544x256xf32> -> vector<544x256xf32>
    %get3A_9 = arith.constant 0 : index
    %get3A_10 = arith.constant 0 : index
    %get3A_11 = vector.load %arg4[%get3A_9, %get3A_10] : memref<1x256xf32, #tpu.memory_space<vmem>>, vector<1x256xf32>
    %add3A = vector.broadcast %get3A_11 : vector<1x256xf32> to vector<544x256xf32>
    %add3A_12 = arith.addf %dot_general3A_8, %add3A : vector<544x256xf32>
    %slice3A = vector.extract_strided_slice %add3A_12 {offsets = [0, 0], sizes = [544, 128], strides = [1, 1]} : vector<544x256xf32> to vector<544x128xf32>
    %slice3A_13 = vector.extract_strided_slice %add3A_12 {offsets = [0, 128], sizes = [544, 128], strides = [1, 1]} : vector<544x256xf32> to vector<544x128xf32>
    %bitcast_convert_type3A = tpu.bitcast %slice3A : vector<544x128xf32> -> vector<544x128xi32>
    %bitcast_convert_type3A_14 = tpu.bitcast %slice3A_13 : vector<544x128xf32> -> vector<544x128xi32>
    %broadcast_in_dim3A = arith.constant 16 : i32
    %broadcast_in_dim3A_15 = vector.broadcast %broadcast_in_dim3A : i32 to vector<544x128xi32>
    %add3A_16 = arith.constant 32768 : i32
    %add3A_17 = vector.broadcast %add3A_16 : i32 to vector<544x128xi32>
    %add3A_18 = arith.addi %bitcast_convert_type3A, %add3A_17 : vector<544x128xi32>
    %and3A = arith.constant -65536 : i32
    %and3A_19 = vector.broadcast %and3A : i32 to vector<544x128xi32>
    %and3A_20 = arith.andi %add3A_18, %and3A_19 : vector<544x128xi32>
    %add3A_21 = arith.constant 32768 : i32
    %add3A_22 = vector.broadcast %add3A_21 : i32 to vector<544x128xi32>
    %add3A_23 = arith.addi %bitcast_convert_type3A_14, %add3A_22 : vector<544x128xi32>
    %and3A_24 = arith.constant -65536 : i32
    %and3A_25 = vector.broadcast %and3A_24 : i32 to vector<544x128xi32>
    %and3A_26 = arith.andi %add3A_23, %and3A_25 : vector<544x128xi32>
    %shift_right_logical3A = arith.shrui %and3A_20, %broadcast_in_dim3A_15 : vector<544x128xi32>
    %or3A = arith.ori %and3A_26, %shift_right_logical3A : vector<544x128xi32>
    %slice3A_27 = vector.extract_strided_slice %or3A {offsets = [0, 0], sizes = [544, 16], strides = [1, 1]} : vector<544x128xi32> to vector<544x16xi32>
    %swap3A = arith.constant 0 : index
    %swap3A_28 = arith.constant 0 : index
    %swap3A_29 = arith.constant 0 : index
    %swap3A_30 = arith.constant 0 : index
    %swap3A_31 = vector.load %arg5[%swap3A, %swap3A_28, %swap3A_29, %swap3A_30] : memref<1x8x544x16xi32, #tpu.memory_space<vmem>>, vector<1x1x544x16xi32>
    %swap3A_32 = vector.shape_cast %swap3A_31 : vector<1x1x544x16xi32> to vector<544x16xi32>
    %swap3A_33 = vector.shape_cast %slice3A_27 : vector<544x16xi32> to vector<1x1x544x16xi32>
    tpu.vector_store %arg5[%swap3A, %swap3A_28, %swap3A_29, %swap3A_30], %swap3A_33 {strides = array<i32>} : memref<1x8x544x16xi32, #tpu.memory_space<vmem>>, vector<1x1x544x16xi32>,
    %slice3A_34 = vector.extract_strided_slice %or3A {offsets = [0, 16], sizes = [544, 16], strides = [1, 1]} : vector<544x128xi32> to vector<544x16xi32>
    %swap3A_35 = arith.constant 0 : index
    %swap3A_36 = arith.constant 1 : index
    %swap3A_37 = arith.constant 0 : index
    %swap3A_38 = arith.constant 0 : index
    %swap3A_39 = vector.load %arg5[%swap3A_35, %swap3A_36, %swap3A_37, %swap3A_38] : memref<1x8x544x16xi32, #tpu.memory_space<vmem>>, vector<1x1x544x16xi32>
    %swap3A_40 = vector.shape_cast %swap3A_39 : vector<1x1x544x16xi32> to vector<544x16xi32>
    %swap3A_41 = vector.shape_cast %slice3A_34 : vector<544x16xi32> to vector<1x1x544x16xi32>
    tpu.vector_store %arg5[%swap3A_35, %swap3A_36, %swap3A_37, %swap3A_38], %swap3A_41 {strides = array<i32>} : memref<1x8x544x16xi32, #tpu.memory_space<vmem>>, vector<1x1x544x16xi32>,
    %slice3A_42 = vector.extract_strided_slice %or3A {offsets = [0, 32], sizes = [544, 16], strides = [1, 1]} : vector<544x128xi32> to vector<544x16xi32>
    %swap3A_43 = arith.constant 0 : index
    %swap3A_44 = arith.constant 2 : index
    %swap3A_45 = arith.constant 0 : index
    %swap3A_46 = arith.constant 0 : index
    %swap3A_47 = vector.load %arg5[%swap3A_43, %swap3A_44, %swap3A_45, %swap3A_46] : memref<1x8x544x16xi32, #tpu.memory_space<vmem>>, vector<1x1x544x16xi32>
    %swap3A_48 = vector.shape_cast %swap3A_47 : vector<1x1x544x16xi32> to vector<544x16xi32>
    %swap3A_49 = vector.shape_cast %slice3A_42 : vector<544x16xi32> to vector<1x1x544x16xi32>
    tpu.vector_store %arg5[%swap3A_43, %swap3A_44, %swap3A_45, %swap3A_46], %swap3A_49 {strides = array<i32>} : memref<1x8x544x16xi32, #tpu.memory_space<vmem>>, vector<1x1x544x16xi32>,
    %slice3A_50 = vector.extract_strided_slice %or3A {offsets = [0, 48], sizes = [544, 16], strides = [1, 1]} : vector<544x128xi32> to vector<544x16xi32>
    %swap3A_51 = arith.constant 0 : index
    %swap3A_52 = arith.constant 3 : index
    %swap3A_53 = arith.constant 0 : index
    %swap3A_54 = arith.constant 0 : index
    %swap3A_55 = vector.load %arg5[%swap3A_51, %swap3A_52, %swap3A_53, %swap3A_54] : memref<1x8x544x16xi32, #tpu.memory_space<vmem>>, vector<1x1x544x16xi32>
    %swap3A_56 = vector.shape_cast %swap3A_55 : vector<1x1x544x16xi32> to vector<544x16xi32>
    %swap3A_57 = vector.shape_cast %slice3A_50 : vector<544x16xi32> to vector<1x1x544x16xi32>
    tpu.vector_store %arg5[%swap3A_51, %swap3A_52, %swap3A_53, %swap3A_54], %swap3A_57 {strides = array<i32>} : memref<1x8x544x16xi32, #tpu.memory_space<vmem>>, vector<1x1x544x16xi32>,
    %slice3A_58 = vector.extract_strided_slice %or3A {offsets = [0, 64], sizes = [544, 16], strides = [1, 1]} : vector<544x128xi32> to vector<544x16xi32>
    %swap3A_59 = arith.constant 0 : index
    %swap3A_60 = arith.constant 4 : index
    %swap3A_61 = arith.constant 0 : index
    %swap3A_62 = arith.constant 0 : index
    %swap3A_63 = vector.load %arg5[%swap3A_59, %swap3A_60, %swap3A_61, %swap3A_62] : memref<1x8x544x16xi32, #tpu.memory_space<vmem>>, vector<1x1x544x16xi32>
    %swap3A_64 = vector.shape_cast %swap3A_63 : vector<1x1x544x16xi32> to vector<544x16xi32>
    %swap3A_65 = vector.shape_cast %slice3A_58 : vector<544x16xi32> to vector<1x1x544x16xi32>
    tpu.vector_store %arg5[%swap3A_59, %swap3A_60, %swap3A_61, %swap3A_62], %swap3A_65 {strides = array<i32>} : memref<1x8x544x16xi32, #tpu.memory_space<vmem>>, vector<1x1x544x16xi32>,
    %slice3A_66 = vector.extract_strided_slice %or3A {offsets = [0, 80], sizes = [544, 16], strides = [1, 1]} : vector<544x128xi32> to vector<544x16xi32>
    %swap3A_67 = arith.constant 0 : index
    %swap3A_68 = arith.constant 5 : index
    %swap3A_69 = arith.constant 0 : index
    %swap3A_70 = arith.constant 0 : index
    %swap3A_71 = vector.load %arg5[%swap3A_67, %swap3A_68, %swap3A_69, %swap3A_70] : memref<1x8x544x16xi32, #tpu.memory_space<vmem>>, vector<1x1x544x16xi32>
    %swap3A_72 = vector.shape_cast %swap3A_71 : vector<1x1x544x16xi32> to vector<544x16xi32>
    %swap3A_73 = vector.shape_cast %slice3A_66 : vector<544x16xi32> to vector<1x1x544x16xi32>
    tpu.vector_store %arg5[%swap3A_67, %swap3A_68, %swap3A_69, %swap3A_70], %swap3A_73 {strides = array<i32>} : memref<1x8x544x16xi32, #tpu.memory_space<vmem>>, vector<1x1x544x16xi32>,
    %slice3A_74 = vector.extract_strided_slice %or3A {offsets = [0, 96], sizes = [544, 16], strides = [1, 1]} : vector<544x128xi32> to vector<544x16xi32>
    %swap3A_75 = arith.constant 0 : index
    %swap3A_76 = arith.constant 6 : index
    %swap3A_77 = arith.constant 0 : index
    %swap3A_78 = arith.constant 0 : index
    %swap3A_79 = vector.load %arg5[%swap3A_75, %swap3A_76, %swap3A_77, %swap3A_78] : memref<1x8x544x16xi32, #tpu.memory_space<vmem>>, vector<1x1x544x16xi32>
    %swap3A_80 = vector.shape_cast %swap3A_79 : vector<1x1x544x16xi32> to vector<544x16xi32>
    %swap3A_81 = vector.shape_cast %slice3A_74 : vector<544x16xi32> to vector<1x1x544x16xi32>
    tpu.vector_store %arg5[%swap3A_75, %swap3A_76, %swap3A_77, %swap3A_78], %swap3A_81 {strides = array<i32>} : memref<1x8x544x16xi32, #tpu.memory_space<vmem>>, vector<1x1x544x16xi32>,
    %slice3A_82 = vector.extract_strided_slice %or3A {offsets = [0, 112], sizes = [544, 16], strides = [1, 1]} : vector<544x128xi32> to vector<544x16xi32>
    %swap3A_83 = arith.constant 0 : index
    %swap3A_84 = arith.constant 7 : index
    %swap3A_85 = arith.constant 0 : index
    %swap3A_86 = arith.constant 0 : index
    %swap3A_87 = vector.load %arg5[%swap3A_83, %swap3A_84, %swap3A_85, %swap3A_86] : memref<1x8x544x16xi32, #tpu.memory_space<vmem>>, vector<1x1x544x16xi32>
    %swap3A_88 = vector.shape_cast %swap3A_87 : vector<1x1x544x16xi32> to vector<544x16xi32>
    %swap3A_89 = vector.shape_cast %slice3A_82 : vector<544x16xi32> to vector<1x1x544x16xi32>
    tpu.vector_store %arg5[%swap3A_83, %swap3A_84, %swap3A_85, %swap3A_86], %swap3A_89 {strides = array<i32>} : memref<1x8x544x16xi32, #tpu.memory_space<vmem>>, vector<1x1x544x16xi32>,
    return
  }
  func.func @transform_0(%arg0: i32, %arg1: i32) -> (i32, i32, i32) {
    %c0_i32 = arith.constant 0 : i32
    %c0_i32_0 = arith.constant 0 : i32
    return %arg0, %arg1, %c0_i32 : i32, i32, i32
  }
  func.func @transform_1(%arg0: i32, %arg1: i32) -> (i32, i32) {
    %c0_i32 = arith.constant 0 : i32
    %c0_i32_0 = arith.constant 0 : i32
    %c0_i32_1 = arith.constant 0 : i32
    return %c0_i32, %c0_i32_0 : i32, i32
  }
  func.func @transform_2(%arg0: i32, %arg1: i32) -> (i32, i32) {
    %c0_i32 = arith.constant 0 : i32
    %c0_i32_0 = arith.constant 0 : i32
    %c0_i32_1 = arith.constant 0 : i32
    return %c0_i32, %c0_i32_0 : i32, i32
  }
  func.func @transform_3(%arg0: i32, %arg1: i32) -> (i32, i32, i32, i32) {
    %c0_i32 = arith.constant 0 : i32
    %c0_i32_0 = arith.constant 0 : i32
    %c0_i32_1 = arith.constant 0 : i32
    return %arg0, %c0_i32, %arg1, %c0_i32_0 : i32, i32, i32, i32
  }
}

module attributes {stable_mosaic.version = 14 : i64} {
  func.func @_t2_body(%arg0: i32, %arg1: i32, %arg2: memref<1x544x256xf32, #tpu.memory_space<vmem>>, %arg3: memref<1x544x8xf32, #tpu.memory_space<vmem>>, %arg4: memref<256x384xf32, #tpu.memory_space<vmem>>, %arg5: memref<1x384xf32, #tpu.memory_space<vmem>>, %arg6: memref<8x256xf32, #tpu.memory_space<vmem>>, %arg7: memref<128x128xf32, #tpu.memory_space<vmem>>, %arg8: memref<1x256xf32, #tpu.memory_space<vmem>>, %arg9: memref<1x256xf32, #tpu.memory_space<vmem>>, %arg10: memref<1x128xf32, #tpu.memory_space<vmem>>, %arg11: memref<1x128xf32, #tpu.memory_space<vmem>>, %arg12: memref<1x8x544x64xi32, #tpu.memory_space<vmem>>, %arg13: memref<1x8x544x64xf32, #tpu.memory_space<vmem>>) attributes {dimension_semantics = [#tpu.dimension_semantics<arbitrary>, #tpu.dimension_semantics<arbitrary>], iteration_bounds = array<i64: 2, 10>, scalar_prefetch = 0 : i64, scratch_operands = 0 : i64, tpu.core_type = #tpu.core_type<tc>, window_params = [{transform_indices = @transform_0, window_bounds = array<i64: 1, 544, 256>}, {transform_indices = @transform_1, window_bounds = array<i64: 1, 544, 8>}, {pipeline_mode = #tpu.pipeline_mode<synchronous>, transform_indices = @transform_2, window_bounds = array<i64: 256, 384>}, {pipeline_mode = #tpu.pipeline_mode<synchronous>, transform_indices = @transform_3, window_bounds = array<i64: 1, 384>}, {pipeline_mode = #tpu.pipeline_mode<synchronous>, transform_indices = @transform_4, window_bounds = array<i64: 8, 256>}, {pipeline_mode = #tpu.pipeline_mode<synchronous>, transform_indices = @transform_5, window_bounds = array<i64: 128, 128>}, {pipeline_mode = #tpu.pipeline_mode<synchronous>, transform_indices = @transform_6, window_bounds = array<i64: 1, 256>}, {pipeline_mode = #tpu.pipeline_mode<synchronous>, transform_indices = @transform_7, window_bounds = array<i64: 1, 256>}, {pipeline_mode = #tpu.pipeline_mode<synchronous>, transform_indices = @transform_8, window_bounds = array<i64: 1, 128>}, {pipeline_mode = #tpu.pipeline_mode<synchronous>, transform_indices = @transform_9, window_bounds = array<i64: 1, 128>}, {transform_indices = @transform_10, window_bounds = array<i64: 1, 8, 544, 64>}, {transform_indices = @transform_11, window_bounds = array<i64: 1, 8, 544, 64>}]} {
    %get3A = arith.constant 0 : index
    %get3A_0 = arith.constant 0 : index
    %get3A_1 = arith.constant 0 : index
    %get3A_2 = vector.load %arg2[%get3A, %get3A_0, %get3A_1] : memref<1x544x256xf32, #tpu.memory_space<vmem>>, vector<1x544x256xf32>
    %get3A_3 = vector.shape_cast %get3A_2 : vector<1x544x256xf32> to vector<544x256xf32>
    %convert_element_type3A = arith.truncf %get3A_3 : vector<544x256xf32> to vector<544x256xbf16>
    %get3A_4 = arith.constant 0 : index
    %get3A_5 = arith.constant 0 : index
    %get3A_6 = vector.load %arg4[%get3A_4, %get3A_5] : memref<256x384xf32, #tpu.memory_space<vmem>>, vector<256x384xf32>
    %convert_element_type3A_7 = arith.truncf %get3A_6 : vector<256x384xf32> to vector<256x384xbf16>
    %dot_general3A = arith.constant dense<0.000000e+00> : vector<544x384xf32>
    %dot_general3A_8 = tpu.matmul %convert_element_type3A, %convert_element_type3A_7, %dot_general3A {dimension_numbers = #tpu.dot_dimension_numbers<[1], [0], [0], [1], [0, 0, 1, 1], [], []>, transpose_lhs_hint = false} : vector<544x256xbf16>, vector<256x384xbf16>, vector<544x384xf32> -> vector<544x384xf32>
    %get3A_9 = arith.constant 0 : index
    %get3A_10 = arith.constant 0 : index
    %get3A_11 = vector.load %arg5[%get3A_9, %get3A_10] : memref<1x384xf32, #tpu.memory_space<vmem>>, vector<1x384xf32>
    %add3A = vector.broadcast %get3A_11 : vector<1x384xf32> to vector<544x384xf32>
    %add3A_12 = arith.addf %dot_general3A_8, %add3A : vector<544x384xf32>
    %get3A_13 = arith.constant 0 : index
    %get3A_14 = arith.constant 0 : index
    %get3A_15 = arith.constant 0 : index
    %get3A_16 = vector.load %arg3[%get3A_13, %get3A_14, %get3A_15] : memref<1x544x8xf32, #tpu.memory_space<vmem>>, vector<1x544x8xf32>
    %get3A_17 = vector.shape_cast %get3A_16 : vector<1x544x8xf32> to vector<544x8xf32>
    %get3A_18 = arith.constant 0 : index
    %get3A_19 = arith.constant 0 : index
    %get3A_20 = vector.load %arg6[%get3A_18, %get3A_19] : memref<8x256xf32, #tpu.memory_space<vmem>>, vector<8x256xf32>
    %dot_general3A_21 = arith.constant dense<0.000000e+00> : vector<544x256xf32>
    %dot_general3A_22 = tpu.matmul %get3A_17, %get3A_20, %dot_general3A_21 {dimension_numbers = #tpu.dot_dimension_numbers<[1], [0], [0], [1], [0, 0, 1, 1], [], []>, precision = #tpu.contract_precision<fp32>, transpose_lhs_hint = false} : vector<544x8xf32>, vector<8x256xf32>, vector<544x256xf32> -> vector<544x256xf32>
    %slice3A = vector.extract_strided_slice %add3A_12 {offsets = [0, 0], sizes = [544, 256], strides = [1, 1]} : vector<544x384xf32> to vector<544x256xf32>
    %add3A_23 = arith.addf %slice3A, %dot_general3A_22 : vector<544x256xf32>
    %slice3A_24 = vector.extract_strided_slice %add3A_12 {offsets = [0, 256], sizes = [544, 128], strides = [1, 1]} : vector<544x384xf32> to vector<544x128xf32>
    %jit3A = arith.constant 0.000000e+00 : f32
    %jit3A_25 = arith.constant 1.000000e+00 : f32
    %max3A = vector.broadcast %jit3A : f32 to vector<544x256xf32>
    %max3A_26 = arith.maximumf %max3A, %add3A_23 : vector<544x256xf32>
    %min3A = vector.broadcast %jit3A_25 : f32 to vector<544x256xf32>
    %min3A_27 = arith.minimumf %min3A, %max3A_26 : vector<544x256xf32>
    %get3A_28 = arith.constant 0 : index
    %get3A_29 = arith.constant 0 : index
    %get3A_30 = vector.load %arg8[%get3A_28, %get3A_29] : memref<1x256xf32, #tpu.memory_space<vmem>>, vector<1x256xf32>
    %mul3A = vector.broadcast %get3A_30 : vector<1x256xf32> to vector<544x256xf32>
    %mul3A_31 = arith.mulf %min3A_27, %mul3A : vector<544x256xf32>
    %sub3A = arith.constant 5.000000e-01 : f32
    %sub3A_32 = vector.broadcast %sub3A : f32 to vector<544x256xf32>
    %sub3A_33 = arith.subf %mul3A_31, %sub3A_32 : vector<544x256xf32>
    %floor3A = math.floor %sub3A_33 : vector<544x256xf32>
    %get3A_34 = arith.constant 0 : index
    %get3A_35 = arith.constant 0 : index
    %get3A_36 = vector.load %arg9[%get3A_34, %get3A_35] : memref<1x256xf32, #tpu.memory_space<vmem>>, vector<1x256xf32>
    %jit3A_37 = arith.constant 0.000000e+00 : f32
    %max3A_38 = vector.broadcast %jit3A_37 : f32 to vector<544x256xf32>
    %max3A_39 = arith.maximumf %max3A_38, %floor3A : vector<544x256xf32>
    %min3A_40 = vector.broadcast %get3A_36 : vector<1x256xf32> to vector<544x256xf32>
    %min3A_41 = arith.minimumf %min3A_40, %max3A_39 : vector<544x256xf32>
    %add3A_42 = arith.constant 1.000000e+00 : f32
    %add3A_43 = vector.broadcast %add3A_42 : f32 to vector<544x256xf32>
    %add3A_44 = arith.addf %floor3A, %add3A_43 : vector<544x256xf32>
    %get3A_45 = arith.constant 0 : index
    %get3A_46 = arith.constant 0 : index
    %get3A_47 = vector.load %arg9[%get3A_45, %get3A_46] : memref<1x256xf32, #tpu.memory_space<vmem>>, vector<1x256xf32>
    %jit3A_48 = arith.constant 0.000000e+00 : f32
    %max3A_49 = vector.broadcast %jit3A_48 : f32 to vector<544x256xf32>
    %max3A_50 = arith.maximumf %max3A_49, %add3A_44 : vector<544x256xf32>
    %min3A_51 = vector.broadcast %get3A_47 : vector<1x256xf32> to vector<544x256xf32>
    %min3A_52 = arith.minimumf %min3A_51, %max3A_50 : vector<544x256xf32>
    %sub3A_53 = arith.subf %min3A_52, %sub3A_33 : vector<544x256xf32>
    %sub3A_54 = arith.subf %sub3A_33, %min3A_41 : vector<544x256xf32>
    %slice3A_55 = vector.extract_strided_slice %min3A_41 {offsets = [0, 0], sizes = [544, 128], strides = [1, 1]} : vector<544x256xf32> to vector<544x128xf32>
    %slice3A_56 = vector.extract_strided_slice %min3A_41 {offsets = [0, 128], sizes = [544, 128], strides = [1, 1]} : vector<544x256xf32> to vector<544x128xf32>
    %slice3A_57 = vector.extract_strided_slice %min3A_52 {offsets = [0, 0], sizes = [544, 128], strides = [1, 1]} : vector<544x256xf32> to vector<544x128xf32>
    %slice3A_58 = vector.extract_strided_slice %min3A_52 {offsets = [0, 128], sizes = [544, 128], strides = [1, 1]} : vector<544x256xf32> to vector<544x128xf32>
    %slice3A_59 = vector.extract_strided_slice %sub3A_53 {offsets = [0, 0], sizes = [544, 128], strides = [1, 1]} : vector<544x256xf32> to vector<544x128xf32>
    %slice3A_60 = vector.extract_strided_slice %sub3A_53 {offsets = [0, 128], sizes = [544, 128], strides = [1, 1]} : vector<544x256xf32> to vector<544x128xf32>
    %slice3A_61 = vector.extract_strided_slice %sub3A_54 {offsets = [0, 0], sizes = [544, 128], strides = [1, 1]} : vector<544x256xf32> to vector<544x128xf32>
    %slice3A_62 = vector.extract_strided_slice %sub3A_54 {offsets = [0, 128], sizes = [544, 128], strides = [1, 1]} : vector<544x256xf32> to vector<544x128xf32>
    %reduce_max3A = arith.constant dense<0xFF800000> : vector<544xf32>
    %reduce_max3A_63 = vector.multi_reduction <maximumf>, %slice3A_24, %reduce_max3A [1] : vector<544x128xf32> to vector<544xf32>
    %broadcast_in_dim3A = vector.shape_cast %reduce_max3A_63 : vector<544xf32> to vector<544x1xf32>
    %sub3A_64 = vector.broadcast %broadcast_in_dim3A : vector<544x1xf32> to vector<544x128xf32>
    %sub3A_65 = arith.subf %slice3A_24, %sub3A_64 : vector<544x128xf32>
    %exp3A = math.exp %sub3A_65 : vector<544x128xf32>
    %get3A_66 = arith.constant 0 : index
    %get3A_67 = arith.constant 0 : index
    %get3A_68 = vector.load %arg7[%get3A_66, %get3A_67] : memref<128x128xf32, #tpu.memory_space<vmem>>, vector<128x128xf32>
    %dot_general3A_69 = arith.constant dense<0.000000e+00> : vector<544x128xf32>
    %dot_general3A_70 = tpu.matmul %exp3A, %get3A_68, %dot_general3A_69 {dimension_numbers = #tpu.dot_dimension_numbers<[1], [0], [0], [1], [0, 0, 1, 1], [], []>, transpose_lhs_hint = false} : vector<544x128xf32>, vector<128x128xf32>, vector<544x128xf32> -> vector<544x128xf32>
    %div3A = arith.divf %exp3A, %dot_general3A_70 : vector<544x128xf32>
    %get3A_71 = arith.constant 0 : index
    %get3A_72 = arith.constant 0 : index
    %get3A_73 = vector.load %arg10[%get3A_71, %get3A_72] : memref<1x128xf32, #tpu.memory_space<vmem>>, vector<1x128xf32>
    %get3A_74 = arith.constant 0 : index
    %get3A_75 = arith.constant 0 : index
    %get3A_76 = vector.load %arg11[%get3A_74, %get3A_75] : memref<1x128xf32, #tpu.memory_space<vmem>>, vector<1x128xf32>
    %mul3A_77 = vector.broadcast %get3A_76 : vector<1x128xf32> to vector<544x128xf32>
    %mul3A_78 = arith.mulf %slice3A_56, %mul3A_77 : vector<544x128xf32>
    %add3A_79 = vector.broadcast %get3A_73 : vector<1x128xf32> to vector<544x128xf32>
    %add3A_80 = arith.addf %add3A_79, %mul3A_78 : vector<544x128xf32>
    %add3A_81 = arith.addf %add3A_80, %slice3A_55 : vector<544x128xf32>
    %mul3A_82 = arith.constant 1.600000e+01 : f32
    %mul3A_83 = vector.broadcast %mul3A_82 : f32 to vector<544x128xf32>
    %mul3A_84 = arith.mulf %add3A_81, %mul3A_83 : vector<544x128xf32>
    %mul3A_85 = vector.broadcast %get3A_76 : vector<1x128xf32> to vector<544x128xf32>
    %mul3A_86 = arith.mulf %slice3A_58, %mul3A_85 : vector<544x128xf32>
    %add3A_87 = vector.broadcast %get3A_73 : vector<1x128xf32> to vector<544x128xf32>
    %add3A_88 = arith.addf %add3A_87, %mul3A_86 : vector<544x128xf32>
    %add3A_89 = arith.addf %add3A_88, %slice3A_55 : vector<544x128xf32>
    %mul3A_90 = arith.constant 1.600000e+01 : f32
    %mul3A_91 = vector.broadcast %mul3A_90 : f32 to vector<544x128xf32>
    %mul3A_92 = arith.mulf %add3A_89, %mul3A_91 : vector<544x128xf32>
    %mul3A_93 = vector.broadcast %get3A_76 : vector<1x128xf32> to vector<544x128xf32>
    %mul3A_94 = arith.mulf %slice3A_56, %mul3A_93 : vector<544x128xf32>
    %add3A_95 = vector.broadcast %get3A_73 : vector<1x128xf32> to vector<544x128xf32>
    %add3A_96 = arith.addf %add3A_95, %mul3A_94 : vector<544x128xf32>
    %add3A_97 = arith.addf %add3A_96, %slice3A_57 : vector<544x128xf32>
    %mul3A_98 = arith.constant 1.600000e+01 : f32
    %mul3A_99 = vector.broadcast %mul3A_98 : f32 to vector<544x128xf32>
    %mul3A_100 = arith.mulf %add3A_97, %mul3A_99 : vector<544x128xf32>
    %mul3A_101 = vector.broadcast %get3A_76 : vector<1x128xf32> to vector<544x128xf32>
    %mul3A_102 = arith.mulf %slice3A_58, %mul3A_101 : vector<544x128xf32>
    %add3A_103 = vector.broadcast %get3A_73 : vector<1x128xf32> to vector<544x128xf32>
    %add3A_104 = arith.addf %add3A_103, %mul3A_102 : vector<544x128xf32>
    %add3A_105 = arith.addf %add3A_104, %slice3A_57 : vector<544x128xf32>
    %mul3A_106 = arith.constant 1.600000e+01 : f32
    %mul3A_107 = vector.broadcast %mul3A_106 : f32 to vector<544x128xf32>
    %mul3A_108 = arith.mulf %add3A_105, %mul3A_107 : vector<544x128xf32>
    %mul3A_109 = arith.mulf %slice3A_59, %slice3A_60 : vector<544x128xf32>
    %mul3A_110 = arith.mulf %mul3A_109, %div3A : vector<544x128xf32>
    %mul3A_111 = arith.mulf %slice3A_59, %slice3A_62 : vector<544x128xf32>
    %mul3A_112 = arith.mulf %mul3A_111, %div3A : vector<544x128xf32>
    %mul3A_113 = arith.mulf %slice3A_61, %slice3A_60 : vector<544x128xf32>
    %mul3A_114 = arith.mulf %mul3A_113, %div3A : vector<544x128xf32>
    %mul3A_115 = arith.mulf %slice3A_61, %slice3A_62 : vector<544x128xf32>
    %mul3A_116 = arith.mulf %mul3A_115, %div3A : vector<544x128xf32>
    %slice3A_117 = vector.extract_strided_slice %mul3A_84 {offsets = [0, 0], sizes = [544, 16], strides = [1, 1]} : vector<544x128xf32> to vector<544x16xf32>
    %convert_element_type3A_118 = arith.fptosi %slice3A_117 : vector<544x16xf32> to vector<544x16xi32>
    %swap3A = arith.constant 0 : index
    %swap3A_119 = arith.constant 0 : index
    %swap3A_120 = arith.constant 0 : index
    %swap3A_121 = arith.constant 0 : index
    %swap3A_122 = vector.load %arg12[%swap3A, %swap3A_119, %swap3A_120, %swap3A_121] : memref<1x8x544x64xi32, #tpu.memory_space<vmem>>, vector<1x1x544x16xi32>
    %swap3A_123 = vector.shape_cast %swap3A_122 : vector<1x1x544x16xi32> to vector<544x16xi32>
    %swap3A_124 = vector.shape_cast %convert_element_type3A_118 : vector<544x16xi32> to vector<1x1x544x16xi32>
    tpu.vector_store %arg12[%swap3A, %swap3A_119, %swap3A_120, %swap3A_121], %swap3A_124 {strides = array<i32>} : memref<1x8x544x64xi32, #tpu.memory_space<vmem>>, vector<1x1x544x16xi32>,
    %slice3A_125 = vector.extract_strided_slice %mul3A_110 {offsets = [0, 0], sizes = [544, 16], strides = [1, 1]} : vector<544x128xf32> to vector<544x16xf32>
    %swap3A_126 = arith.constant 0 : index
    %swap3A_127 = arith.constant 0 : index
    %swap3A_128 = arith.constant 0 : index
    %swap3A_129 = arith.constant 0 : index
    %swap3A_130 = vector.load %arg13[%swap3A_126, %swap3A_127, %swap3A_128, %swap3A_129] : memref<1x8x544x64xf32, #tpu.memory_space<vmem>>, vector<1x1x544x16xf32>
    %swap3A_131 = vector.shape_cast %swap3A_130 : vector<1x1x544x16xf32> to vector<544x16xf32>
    %swap3A_132 = vector.shape_cast %slice3A_125 : vector<544x16xf32> to vector<1x1x544x16xf32>
    tpu.vector_store %arg13[%swap3A_126, %swap3A_127, %swap3A_128, %swap3A_129], %swap3A_132 {strides = array<i32>} : memref<1x8x544x64xf32, #tpu.memory_space<vmem>>, vector<1x1x544x16xf32>,
    %slice3A_133 = vector.extract_strided_slice %mul3A_92 {offsets = [0, 0], sizes = [544, 16], strides = [1, 1]} : vector<544x128xf32> to vector<544x16xf32>
    %convert_element_type3A_134 = arith.fptosi %slice3A_133 : vector<544x16xf32> to vector<544x16xi32>
    %swap3A_135 = arith.constant 0 : index
    %swap3A_136 = arith.constant 0 : index
    %swap3A_137 = arith.constant 0 : index
    %swap3A_138 = arith.constant 16 : index
    %swap3A_139 = vector.load %arg12[%swap3A_135, %swap3A_136, %swap3A_137, %swap3A_138] : memref<1x8x544x64xi32, #tpu.memory_space<vmem>>, vector<1x1x544x16xi32>
    %swap3A_140 = vector.shape_cast %swap3A_139 : vector<1x1x544x16xi32> to vector<544x16xi32>
    %swap3A_141 = vector.shape_cast %convert_element_type3A_134 : vector<544x16xi32> to vector<1x1x544x16xi32>
    tpu.vector_store %arg12[%swap3A_135, %swap3A_136, %swap3A_137, %swap3A_138], %swap3A_141 {strides = array<i32>} : memref<1x8x544x64xi32, #tpu.memory_space<vmem>>, vector<1x1x544x16xi32>,
    %slice3A_142 = vector.extract_strided_slice %mul3A_112 {offsets = [0, 0], sizes = [544, 16], strides = [1, 1]} : vector<544x128xf32> to vector<544x16xf32>
    %swap3A_143 = arith.constant 0 : index
    %swap3A_144 = arith.constant 0 : index
    %swap3A_145 = arith.constant 0 : index
    %swap3A_146 = arith.constant 16 : index
    %swap3A_147 = vector.load %arg13[%swap3A_143, %swap3A_144, %swap3A_145, %swap3A_146] : memref<1x8x544x64xf32, #tpu.memory_space<vmem>>, vector<1x1x544x16xf32>
    %swap3A_148 = vector.shape_cast %swap3A_147 : vector<1x1x544x16xf32> to vector<544x16xf32>
    %swap3A_149 = vector.shape_cast %slice3A_142 : vector<544x16xf32> to vector<1x1x544x16xf32>
    tpu.vector_store %arg13[%swap3A_143, %swap3A_144, %swap3A_145, %swap3A_146], %swap3A_149 {strides = array<i32>} : memref<1x8x544x64xf32, #tpu.memory_space<vmem>>, vector<1x1x544x16xf32>,
    %slice3A_150 = vector.extract_strided_slice %mul3A_100 {offsets = [0, 0], sizes = [544, 16], strides = [1, 1]} : vector<544x128xf32> to vector<544x16xf32>
    %convert_element_type3A_151 = arith.fptosi %slice3A_150 : vector<544x16xf32> to vector<544x16xi32>
    %swap3A_152 = arith.constant 0 : index
    %swap3A_153 = arith.constant 0 : index
    %swap3A_154 = arith.constant 0 : index
    %swap3A_155 = arith.constant 32 : index
    %swap3A_156 = vector.load %arg12[%swap3A_152, %swap3A_153, %swap3A_154, %swap3A_155] : memref<1x8x544x64xi32, #tpu.memory_space<vmem>>, vector<1x1x544x16xi32>
    %swap3A_157 = vector.shape_cast %swap3A_156 : vector<1x1x544x16xi32> to vector<544x16xi32>
    %swap3A_158 = vector.shape_cast %convert_element_type3A_151 : vector<544x16xi32> to vector<1x1x544x16xi32>
    tpu.vector_store %arg12[%swap3A_152, %swap3A_153, %swap3A_154, %swap3A_155], %swap3A_158 {strides = array<i32>} : memref<1x8x544x64xi32, #tpu.memory_space<vmem>>, vector<1x1x544x16xi32>,
    %slice3A_159 = vector.extract_strided_slice %mul3A_114 {offsets = [0, 0], sizes = [544, 16], strides = [1, 1]} : vector<544x128xf32> to vector<544x16xf32>
    %swap3A_160 = arith.constant 0 : index
    %swap3A_161 = arith.constant 0 : index
    %swap3A_162 = arith.constant 0 : index
    %swap3A_163 = arith.constant 32 : index
    %swap3A_164 = vector.load %arg13[%swap3A_160, %swap3A_161, %swap3A_162, %swap3A_163] : memref<1x8x544x64xf32, #tpu.memory_space<vmem>>, vector<1x1x544x16xf32>
    %swap3A_165 = vector.shape_cast %swap3A_164 : vector<1x1x544x16xf32> to vector<544x16xf32>
    %swap3A_166 = vector.shape_cast %slice3A_159 : vector<544x16xf32> to vector<1x1x544x16xf32>
    tpu.vector_store %arg13[%swap3A_160, %swap3A_161, %swap3A_162, %swap3A_163], %swap3A_166 {strides = array<i32>} : memref<1x8x544x64xf32, #tpu.memory_space<vmem>>, vector<1x1x544x16xf32>,
    %slice3A_167 = vector.extract_strided_slice %mul3A_108 {offsets = [0, 0], sizes = [544, 16], strides = [1, 1]} : vector<544x128xf32> to vector<544x16xf32>
    %convert_element_type3A_168 = arith.fptosi %slice3A_167 : vector<544x16xf32> to vector<544x16xi32>
    %swap3A_169 = arith.constant 0 : index
    %swap3A_170 = arith.constant 0 : index
    %swap3A_171 = arith.constant 0 : index
    %swap3A_172 = arith.constant 48 : index
    %swap3A_173 = vector.load %arg12[%swap3A_169, %swap3A_170, %swap3A_171, %swap3A_172] : memref<1x8x544x64xi32, #tpu.memory_space<vmem>>, vector<1x1x544x16xi32>
    %swap3A_174 = vector.shape_cast %swap3A_173 : vector<1x1x544x16xi32> to vector<544x16xi32>
    %swap3A_175 = vector.shape_cast %convert_element_type3A_168 : vector<544x16xi32> to vector<1x1x544x16xi32>
    tpu.vector_store %arg12[%swap3A_169, %swap3A_170, %swap3A_171, %swap3A_172], %swap3A_175 {strides = array<i32>} : memref<1x8x544x64xi32, #tpu.memory_space<vmem>>, vector<1x1x544x16xi32>,
    %slice3A_176 = vector.extract_strided_slice %mul3A_116 {offsets = [0, 0], sizes = [544, 16], strides = [1, 1]} : vector<544x128xf32> to vector<544x16xf32>
    %swap3A_177 = arith.constant 0 : index
    %swap3A_178 = arith.constant 0 : index
    %swap3A_179 = arith.constant 0 : index
    %swap3A_180 = arith.constant 48 : index
    %swap3A_181 = vector.load %arg13[%swap3A_177, %swap3A_178, %swap3A_179, %swap3A_180] : memref<1x8x544x64xf32, #tpu.memory_space<vmem>>, vector<1x1x544x16xf32>
    %swap3A_182 = vector.shape_cast %swap3A_181 : vector<1x1x544x16xf32> to vector<544x16xf32>
    %swap3A_183 = vector.shape_cast %slice3A_176 : vector<544x16xf32> to vector<1x1x544x16xf32>
    tpu.vector_store %arg13[%swap3A_177, %swap3A_178, %swap3A_179, %swap3A_180], %swap3A_183 {strides = array<i32>} : memref<1x8x544x64xf32, #tpu.memory_space<vmem>>, vector<1x1x544x16xf32>,
    %slice3A_184 = vector.extract_strided_slice %mul3A_84 {offsets = [0, 16], sizes = [544, 16], strides = [1, 1]} : vector<544x128xf32> to vector<544x16xf32>
    %convert_element_type3A_185 = arith.fptosi %slice3A_184 : vector<544x16xf32> to vector<544x16xi32>
    %swap3A_186 = arith.constant 0 : index
    %swap3A_187 = arith.constant 1 : index
    %swap3A_188 = arith.constant 0 : index
    %swap3A_189 = arith.constant 0 : index
    %swap3A_190 = vector.load %arg12[%swap3A_186, %swap3A_187, %swap3A_188, %swap3A_189] : memref<1x8x544x64xi32, #tpu.memory_space<vmem>>, vector<1x1x544x16xi32>
    %swap3A_191 = vector.shape_cast %swap3A_190 : vector<1x1x544x16xi32> to vector<544x16xi32>
    %swap3A_192 = vector.shape_cast %convert_element_type3A_185 : vector<544x16xi32> to vector<1x1x544x16xi32>
    tpu.vector_store %arg12[%swap3A_186, %swap3A_187, %swap3A_188, %swap3A_189], %swap3A_192 {strides = array<i32>} : memref<1x8x544x64xi32, #tpu.memory_space<vmem>>, vector<1x1x544x16xi32>,
    %slice3A_193 = vector.extract_strided_slice %mul3A_110 {offsets = [0, 16], sizes = [544, 16], strides = [1, 1]} : vector<544x128xf32> to vector<544x16xf32>
    %swap3A_194 = arith.constant 0 : index
    %swap3A_195 = arith.constant 1 : index
    %swap3A_196 = arith.constant 0 : index
    %swap3A_197 = arith.constant 0 : index
    %swap3A_198 = vector.load %arg13[%swap3A_194, %swap3A_195, %swap3A_196, %swap3A_197] : memref<1x8x544x64xf32, #tpu.memory_space<vmem>>, vector<1x1x544x16xf32>
    %swap3A_199 = vector.shape_cast %swap3A_198 : vector<1x1x544x16xf32> to vector<544x16xf32>
    %swap3A_200 = vector.shape_cast %slice3A_193 : vector<544x16xf32> to vector<1x1x544x16xf32>
    tpu.vector_store %arg13[%swap3A_194, %swap3A_195, %swap3A_196, %swap3A_197], %swap3A_200 {strides = array<i32>} : memref<1x8x544x64xf32, #tpu.memory_space<vmem>>, vector<1x1x544x16xf32>,
    %slice3A_201 = vector.extract_strided_slice %mul3A_92 {offsets = [0, 16], sizes = [544, 16], strides = [1, 1]} : vector<544x128xf32> to vector<544x16xf32>
    %convert_element_type3A_202 = arith.fptosi %slice3A_201 : vector<544x16xf32> to vector<544x16xi32>
    %swap3A_203 = arith.constant 0 : index
    %swap3A_204 = arith.constant 1 : index
    %swap3A_205 = arith.constant 0 : index
    %swap3A_206 = arith.constant 16 : index
    %swap3A_207 = vector.load %arg12[%swap3A_203, %swap3A_204, %swap3A_205, %swap3A_206] : memref<1x8x544x64xi32, #tpu.memory_space<vmem>>, vector<1x1x544x16xi32>
    %swap3A_208 = vector.shape_cast %swap3A_207 : vector<1x1x544x16xi32> to vector<544x16xi32>
    %swap3A_209 = vector.shape_cast %convert_element_type3A_202 : vector<544x16xi32> to vector<1x1x544x16xi32>
    tpu.vector_store %arg12[%swap3A_203, %swap3A_204, %swap3A_205, %swap3A_206], %swap3A_209 {strides = array<i32>} : memref<1x8x544x64xi32, #tpu.memory_space<vmem>>, vector<1x1x544x16xi32>,
    %slice3A_210 = vector.extract_strided_slice %mul3A_112 {offsets = [0, 16], sizes = [544, 16], strides = [1, 1]} : vector<544x128xf32> to vector<544x16xf32>
    %swap3A_211 = arith.constant 0 : index
    %swap3A_212 = arith.constant 1 : index
    %swap3A_213 = arith.constant 0 : index
    %swap3A_214 = arith.constant 16 : index
    %swap3A_215 = vector.load %arg13[%swap3A_211, %swap3A_212, %swap3A_213, %swap3A_214] : memref<1x8x544x64xf32, #tpu.memory_space<vmem>>, vector<1x1x544x16xf32>
    %swap3A_216 = vector.shape_cast %swap3A_215 : vector<1x1x544x16xf32> to vector<544x16xf32>
    %swap3A_217 = vector.shape_cast %slice3A_210 : vector<544x16xf32> to vector<1x1x544x16xf32>
    tpu.vector_store %arg13[%swap3A_211, %swap3A_212, %swap3A_213, %swap3A_214], %swap3A_217 {strides = array<i32>} : memref<1x8x544x64xf32, #tpu.memory_space<vmem>>, vector<1x1x544x16xf32>,
    %slice3A_218 = vector.extract_strided_slice %mul3A_100 {offsets = [0, 16], sizes = [544, 16], strides = [1, 1]} : vector<544x128xf32> to vector<544x16xf32>
    %convert_element_type3A_219 = arith.fptosi %slice3A_218 : vector<544x16xf32> to vector<544x16xi32>
    %swap3A_220 = arith.constant 0 : index
    %swap3A_221 = arith.constant 1 : index
    %swap3A_222 = arith.constant 0 : index
    %swap3A_223 = arith.constant 32 : index
    %swap3A_224 = vector.load %arg12[%swap3A_220, %swap3A_221, %swap3A_222, %swap3A_223] : memref<1x8x544x64xi32, #tpu.memory_space<vmem>>, vector<1x1x544x16xi32>
    %swap3A_225 = vector.shape_cast %swap3A_224 : vector<1x1x544x16xi32> to vector<544x16xi32>
    %swap3A_226 = vector.shape_cast %convert_element_type3A_219 : vector<544x16xi32> to vector<1x1x544x16xi32>
    tpu.vector_store %arg12[%swap3A_220, %swap3A_221, %swap3A_222, %swap3A_223], %swap3A_226 {strides = array<i32>} : memref<1x8x544x64xi32, #tpu.memory_space<vmem>>, vector<1x1x544x16xi32>,
    %slice3A_227 = vector.extract_strided_slice %mul3A_114 {offsets = [0, 16], sizes = [544, 16], strides = [1, 1]} : vector<544x128xf32> to vector<544x16xf32>
    %swap3A_228 = arith.constant 0 : index
    %swap3A_229 = arith.constant 1 : index
    %swap3A_230 = arith.constant 0 : index
    %swap3A_231 = arith.constant 32 : index
    %swap3A_232 = vector.load %arg13[%swap3A_228, %swap3A_229, %swap3A_230, %swap3A_231] : memref<1x8x544x64xf32, #tpu.memory_space<vmem>>, vector<1x1x544x16xf32>
    %swap3A_233 = vector.shape_cast %swap3A_232 : vector<1x1x544x16xf32> to vector<544x16xf32>
    %swap3A_234 = vector.shape_cast %slice3A_227 : vector<544x16xf32> to vector<1x1x544x16xf32>
    tpu.vector_store %arg13[%swap3A_228, %swap3A_229, %swap3A_230, %swap3A_231], %swap3A_234 {strides = array<i32>} : memref<1x8x544x64xf32, #tpu.memory_space<vmem>>, vector<1x1x544x16xf32>,
    %slice3A_235 = vector.extract_strided_slice %mul3A_108 {offsets = [0, 16], sizes = [544, 16], strides = [1, 1]} : vector<544x128xf32> to vector<544x16xf32>
    %convert_element_type3A_236 = arith.fptosi %slice3A_235 : vector<544x16xf32> to vector<544x16xi32>
    %swap3A_237 = arith.constant 0 : index
    %swap3A_238 = arith.constant 1 : index
    %swap3A_239 = arith.constant 0 : index
    %swap3A_240 = arith.constant 48 : index
    %swap3A_241 = vector.load %arg12[%swap3A_237, %swap3A_238, %swap3A_239, %swap3A_240] : memref<1x8x544x64xi32, #tpu.memory_space<vmem>>, vector<1x1x544x16xi32>
    %swap3A_242 = vector.shape_cast %swap3A_241 : vector<1x1x544x16xi32> to vector<544x16xi32>
    %swap3A_243 = vector.shape_cast %convert_element_type3A_236 : vector<544x16xi32> to vector<1x1x544x16xi32>
    tpu.vector_store %arg12[%swap3A_237, %swap3A_238, %swap3A_239, %swap3A_240], %swap3A_243 {strides = array<i32>} : memref<1x8x544x64xi32, #tpu.memory_space<vmem>>, vector<1x1x544x16xi32>,
    %slice3A_244 = vector.extract_strided_slice %mul3A_116 {offsets = [0, 16], sizes = [544, 16], strides = [1, 1]} : vector<544x128xf32> to vector<544x16xf32>
    %swap3A_245 = arith.constant 0 : index
    %swap3A_246 = arith.constant 1 : index
    %swap3A_247 = arith.constant 0 : index
    %swap3A_248 = arith.constant 48 : index
    %swap3A_249 = vector.load %arg13[%swap3A_245, %swap3A_246, %swap3A_247, %swap3A_248] : memref<1x8x544x64xf32, #tpu.memory_space<vmem>>, vector<1x1x544x16xf32>
    %swap3A_250 = vector.shape_cast %swap3A_249 : vector<1x1x544x16xf32> to vector<544x16xf32>
    %swap3A_251 = vector.shape_cast %slice3A_244 : vector<544x16xf32> to vector<1x1x544x16xf32>
    tpu.vector_store %arg13[%swap3A_245, %swap3A_246, %swap3A_247, %swap3A_248], %swap3A_251 {strides = array<i32>} : memref<1x8x544x64xf32, #tpu.memory_space<vmem>>, vector<1x1x544x16xf32>,
    %slice3A_252 = vector.extract_strided_slice %mul3A_84 {offsets = [0, 32], sizes = [544, 16], strides = [1, 1]} : vector<544x128xf32> to vector<544x16xf32>
    %convert_element_type3A_253 = arith.fptosi %slice3A_252 : vector<544x16xf32> to vector<544x16xi32>
    %swap3A_254 = arith.constant 0 : index
    %swap3A_255 = arith.constant 2 : index
    %swap3A_256 = arith.constant 0 : index
    %swap3A_257 = arith.constant 0 : index
    %swap3A_258 = vector.load %arg12[%swap3A_254, %swap3A_255, %swap3A_256, %swap3A_257] : memref<1x8x544x64xi32, #tpu.memory_space<vmem>>, vector<1x1x544x16xi32>
    %swap3A_259 = vector.shape_cast %swap3A_258 : vector<1x1x544x16xi32> to vector<544x16xi32>
    %swap3A_260 = vector.shape_cast %convert_element_type3A_253 : vector<544x16xi32> to vector<1x1x544x16xi32>
    tpu.vector_store %arg12[%swap3A_254, %swap3A_255, %swap3A_256, %swap3A_257], %swap3A_260 {strides = array<i32>} : memref<1x8x544x64xi32, #tpu.memory_space<vmem>>, vector<1x1x544x16xi32>,
    %slice3A_261 = vector.extract_strided_slice %mul3A_110 {offsets = [0, 32], sizes = [544, 16], strides = [1, 1]} : vector<544x128xf32> to vector<544x16xf32>
    %swap3A_262 = arith.constant 0 : index
    %swap3A_263 = arith.constant 2 : index
    %swap3A_264 = arith.constant 0 : index
    %swap3A_265 = arith.constant 0 : index
    %swap3A_266 = vector.load %arg13[%swap3A_262, %swap3A_263, %swap3A_264, %swap3A_265] : memref<1x8x544x64xf32, #tpu.memory_space<vmem>>, vector<1x1x544x16xf32>
    %swap3A_267 = vector.shape_cast %swap3A_266 : vector<1x1x544x16xf32> to vector<544x16xf32>
    %swap3A_268 = vector.shape_cast %slice3A_261 : vector<544x16xf32> to vector<1x1x544x16xf32>
    tpu.vector_store %arg13[%swap3A_262, %swap3A_263, %swap3A_264, %swap3A_265], %swap3A_268 {strides = array<i32>} : memref<1x8x544x64xf32, #tpu.memory_space<vmem>>, vector<1x1x544x16xf32>,
    %slice3A_269 = vector.extract_strided_slice %mul3A_92 {offsets = [0, 32], sizes = [544, 16], strides = [1, 1]} : vector<544x128xf32> to vector<544x16xf32>
    %convert_element_type3A_270 = arith.fptosi %slice3A_269 : vector<544x16xf32> to vector<544x16xi32>
    %swap3A_271 = arith.constant 0 : index
    %swap3A_272 = arith.constant 2 : index
    %swap3A_273 = arith.constant 0 : index
    %swap3A_274 = arith.constant 16 : index
    %swap3A_275 = vector.load %arg12[%swap3A_271, %swap3A_272, %swap3A_273, %swap3A_274] : memref<1x8x544x64xi32, #tpu.memory_space<vmem>>, vector<1x1x544x16xi32>
    %swap3A_276 = vector.shape_cast %swap3A_275 : vector<1x1x544x16xi32> to vector<544x16xi32>
    %swap3A_277 = vector.shape_cast %convert_element_type3A_270 : vector<544x16xi32> to vector<1x1x544x16xi32>
    tpu.vector_store %arg12[%swap3A_271, %swap3A_272, %swap3A_273, %swap3A_274], %swap3A_277 {strides = array<i32>} : memref<1x8x544x64xi32, #tpu.memory_space<vmem>>, vector<1x1x544x16xi32>,
    %slice3A_278 = vector.extract_strided_slice %mul3A_112 {offsets = [0, 32], sizes = [544, 16], strides = [1, 1]} : vector<544x128xf32> to vector<544x16xf32>
    %swap3A_279 = arith.constant 0 : index
    %swap3A_280 = arith.constant 2 : index
    %swap3A_281 = arith.constant 0 : index
    %swap3A_282 = arith.constant 16 : index
    %swap3A_283 = vector.load %arg13[%swap3A_279, %swap3A_280, %swap3A_281, %swap3A_282] : memref<1x8x544x64xf32, #tpu.memory_space<vmem>>, vector<1x1x544x16xf32>
    %swap3A_284 = vector.shape_cast %swap3A_283 : vector<1x1x544x16xf32> to vector<544x16xf32>
    %swap3A_285 = vector.shape_cast %slice3A_278 : vector<544x16xf32> to vector<1x1x544x16xf32>
    tpu.vector_store %arg13[%swap3A_279, %swap3A_280, %swap3A_281, %swap3A_282], %swap3A_285 {strides = array<i32>} : memref<1x8x544x64xf32, #tpu.memory_space<vmem>>, vector<1x1x544x16xf32>,
    %slice3A_286 = vector.extract_strided_slice %mul3A_100 {offsets = [0, 32], sizes = [544, 16], strides = [1, 1]} : vector<544x128xf32> to vector<544x16xf32>
    %convert_element_type3A_287 = arith.fptosi %slice3A_286 : vector<544x16xf32> to vector<544x16xi32>
    %swap3A_288 = arith.constant 0 : index
    %swap3A_289 = arith.constant 2 : index
    %swap3A_290 = arith.constant 0 : index
    %swap3A_291 = arith.constant 32 : index
    %swap3A_292 = vector.load %arg12[%swap3A_288, %swap3A_289, %swap3A_290, %swap3A_291] : memref<1x8x544x64xi32, #tpu.memory_space<vmem>>, vector<1x1x544x16xi32>
    %swap3A_293 = vector.shape_cast %swap3A_292 : vector<1x1x544x16xi32> to vector<544x16xi32>
    %swap3A_294 = vector.shape_cast %convert_element_type3A_287 : vector<544x16xi32> to vector<1x1x544x16xi32>
    tpu.vector_store %arg12[%swap3A_288, %swap3A_289, %swap3A_290, %swap3A_291], %swap3A_294 {strides = array<i32>} : memref<1x8x544x64xi32, #tpu.memory_space<vmem>>, vector<1x1x544x16xi32>,
    %slice3A_295 = vector.extract_strided_slice %mul3A_114 {offsets = [0, 32], sizes = [544, 16], strides = [1, 1]} : vector<544x128xf32> to vector<544x16xf32>
    %swap3A_296 = arith.constant 0 : index
    %swap3A_297 = arith.constant 2 : index
    %swap3A_298 = arith.constant 0 : index
    %swap3A_299 = arith.constant 32 : index
    %swap3A_300 = vector.load %arg13[%swap3A_296, %swap3A_297, %swap3A_298, %swap3A_299] : memref<1x8x544x64xf32, #tpu.memory_space<vmem>>, vector<1x1x544x16xf32>
    %swap3A_301 = vector.shape_cast %swap3A_300 : vector<1x1x544x16xf32> to vector<544x16xf32>
    %swap3A_302 = vector.shape_cast %slice3A_295 : vector<544x16xf32> to vector<1x1x544x16xf32>
    tpu.vector_store %arg13[%swap3A_296, %swap3A_297, %swap3A_298, %swap3A_299], %swap3A_302 {strides = array<i32>} : memref<1x8x544x64xf32, #tpu.memory_space<vmem>>, vector<1x1x544x16xf32>,
    %slice3A_303 = vector.extract_strided_slice %mul3A_108 {offsets = [0, 32], sizes = [544, 16], strides = [1, 1]} : vector<544x128xf32> to vector<544x16xf32>
    %convert_element_type3A_304 = arith.fptosi %slice3A_303 : vector<544x16xf32> to vector<544x16xi32>
    %swap3A_305 = arith.constant 0 : index
    %swap3A_306 = arith.constant 2 : index
    %swap3A_307 = arith.constant 0 : index
    %swap3A_308 = arith.constant 48 : index
    %swap3A_309 = vector.load %arg12[%swap3A_305, %swap3A_306, %swap3A_307, %swap3A_308] : memref<1x8x544x64xi32, #tpu.memory_space<vmem>>, vector<1x1x544x16xi32>
    %swap3A_310 = vector.shape_cast %swap3A_309 : vector<1x1x544x16xi32> to vector<544x16xi32>
    %swap3A_311 = vector.shape_cast %convert_element_type3A_304 : vector<544x16xi32> to vector<1x1x544x16xi32>
    tpu.vector_store %arg12[%swap3A_305, %swap3A_306, %swap3A_307, %swap3A_308], %swap3A_311 {strides = array<i32>} : memref<1x8x544x64xi32, #tpu.memory_space<vmem>>, vector<1x1x544x16xi32>,
    %slice3A_312 = vector.extract_strided_slice %mul3A_116 {offsets = [0, 32], sizes = [544, 16], strides = [1, 1]} : vector<544x128xf32> to vector<544x16xf32>
    %swap3A_313 = arith.constant 0 : index
    %swap3A_314 = arith.constant 2 : index
    %swap3A_315 = arith.constant 0 : index
    %swap3A_316 = arith.constant 48 : index
    %swap3A_317 = vector.load %arg13[%swap3A_313, %swap3A_314, %swap3A_315, %swap3A_316] : memref<1x8x544x64xf32, #tpu.memory_space<vmem>>, vector<1x1x544x16xf32>
    %swap3A_318 = vector.shape_cast %swap3A_317 : vector<1x1x544x16xf32> to vector<544x16xf32>
    %swap3A_319 = vector.shape_cast %slice3A_312 : vector<544x16xf32> to vector<1x1x544x16xf32>
    tpu.vector_store %arg13[%swap3A_313, %swap3A_314, %swap3A_315, %swap3A_316], %swap3A_319 {strides = array<i32>} : memref<1x8x544x64xf32, #tpu.memory_space<vmem>>, vector<1x1x544x16xf32>,
    %slice3A_320 = vector.extract_strided_slice %mul3A_84 {offsets = [0, 48], sizes = [544, 16], strides = [1, 1]} : vector<544x128xf32> to vector<544x16xf32>
    %convert_element_type3A_321 = arith.fptosi %slice3A_320 : vector<544x16xf32> to vector<544x16xi32>
    %swap3A_322 = arith.constant 0 : index
    %swap3A_323 = arith.constant 3 : index
    %swap3A_324 = arith.constant 0 : index
    %swap3A_325 = arith.constant 0 : index
    %swap3A_326 = vector.load %arg12[%swap3A_322, %swap3A_323, %swap3A_324, %swap3A_325] : memref<1x8x544x64xi32, #tpu.memory_space<vmem>>, vector<1x1x544x16xi32>
    %swap3A_327 = vector.shape_cast %swap3A_326 : vector<1x1x544x16xi32> to vector<544x16xi32>
    %swap3A_328 = vector.shape_cast %convert_element_type3A_321 : vector<544x16xi32> to vector<1x1x544x16xi32>
    tpu.vector_store %arg12[%swap3A_322, %swap3A_323, %swap3A_324, %swap3A_325], %swap3A_328 {strides = array<i32>} : memref<1x8x544x64xi32, #tpu.memory_space<vmem>>, vector<1x1x544x16xi32>,
    %slice3A_329 = vector.extract_strided_slice %mul3A_110 {offsets = [0, 48], sizes = [544, 16], strides = [1, 1]} : vector<544x128xf32> to vector<544x16xf32>
    %swap3A_330 = arith.constant 0 : index
    %swap3A_331 = arith.constant 3 : index
    %swap3A_332 = arith.constant 0 : index
    %swap3A_333 = arith.constant 0 : index
    %swap3A_334 = vector.load %arg13[%swap3A_330, %swap3A_331, %swap3A_332, %swap3A_333] : memref<1x8x544x64xf32, #tpu.memory_space<vmem>>, vector<1x1x544x16xf32>
    %swap3A_335 = vector.shape_cast %swap3A_334 : vector<1x1x544x16xf32> to vector<544x16xf32>
    %swap3A_336 = vector.shape_cast %slice3A_329 : vector<544x16xf32> to vector<1x1x544x16xf32>
    tpu.vector_store %arg13[%swap3A_330, %swap3A_331, %swap3A_332, %swap3A_333], %swap3A_336 {strides = array<i32>} : memref<1x8x544x64xf32, #tpu.memory_space<vmem>>, vector<1x1x544x16xf32>,
    %slice3A_337 = vector.extract_strided_slice %mul3A_92 {offsets = [0, 48], sizes = [544, 16], strides = [1, 1]} : vector<544x128xf32> to vector<544x16xf32>
    %convert_element_type3A_338 = arith.fptosi %slice3A_337 : vector<544x16xf32> to vector<544x16xi32>
    %swap3A_339 = arith.constant 0 : index
    %swap3A_340 = arith.constant 3 : index
    %swap3A_341 = arith.constant 0 : index
    %swap3A_342 = arith.constant 16 : index
    %swap3A_343 = vector.load %arg12[%swap3A_339, %swap3A_340, %swap3A_341, %swap3A_342] : memref<1x8x544x64xi32, #tpu.memory_space<vmem>>, vector<1x1x544x16xi32>
    %swap3A_344 = vector.shape_cast %swap3A_343 : vector<1x1x544x16xi32> to vector<544x16xi32>
    %swap3A_345 = vector.shape_cast %convert_element_type3A_338 : vector<544x16xi32> to vector<1x1x544x16xi32>
    tpu.vector_store %arg12[%swap3A_339, %swap3A_340, %swap3A_341, %swap3A_342], %swap3A_345 {strides = array<i32>} : memref<1x8x544x64xi32, #tpu.memory_space<vmem>>, vector<1x1x544x16xi32>,
    %slice3A_346 = vector.extract_strided_slice %mul3A_112 {offsets = [0, 48], sizes = [544, 16], strides = [1, 1]} : vector<544x128xf32> to vector<544x16xf32>
    %swap3A_347 = arith.constant 0 : index
    %swap3A_348 = arith.constant 3 : index
    %swap3A_349 = arith.constant 0 : index
    %swap3A_350 = arith.constant 16 : index
    %swap3A_351 = vector.load %arg13[%swap3A_347, %swap3A_348, %swap3A_349, %swap3A_350] : memref<1x8x544x64xf32, #tpu.memory_space<vmem>>, vector<1x1x544x16xf32>
    %swap3A_352 = vector.shape_cast %swap3A_351 : vector<1x1x544x16xf32> to vector<544x16xf32>
    %swap3A_353 = vector.shape_cast %slice3A_346 : vector<544x16xf32> to vector<1x1x544x16xf32>
    tpu.vector_store %arg13[%swap3A_347, %swap3A_348, %swap3A_349, %swap3A_350], %swap3A_353 {strides = array<i32>} : memref<1x8x544x64xf32, #tpu.memory_space<vmem>>, vector<1x1x544x16xf32>,
    %slice3A_354 = vector.extract_strided_slice %mul3A_100 {offsets = [0, 48], sizes = [544, 16], strides = [1, 1]} : vector<544x128xf32> to vector<544x16xf32>
    %convert_element_type3A_355 = arith.fptosi %slice3A_354 : vector<544x16xf32> to vector<544x16xi32>
    %swap3A_356 = arith.constant 0 : index
    %swap3A_357 = arith.constant 3 : index
    %swap3A_358 = arith.constant 0 : index
    %swap3A_359 = arith.constant 32 : index
    %swap3A_360 = vector.load %arg12[%swap3A_356, %swap3A_357, %swap3A_358, %swap3A_359] : memref<1x8x544x64xi32, #tpu.memory_space<vmem>>, vector<1x1x544x16xi32>
    %swap3A_361 = vector.shape_cast %swap3A_360 : vector<1x1x544x16xi32> to vector<544x16xi32>
    %swap3A_362 = vector.shape_cast %convert_element_type3A_355 : vector<544x16xi32> to vector<1x1x544x16xi32>
    tpu.vector_store %arg12[%swap3A_356, %swap3A_357, %swap3A_358, %swap3A_359], %swap3A_362 {strides = array<i32>} : memref<1x8x544x64xi32, #tpu.memory_space<vmem>>, vector<1x1x544x16xi32>,
    %slice3A_363 = vector.extract_strided_slice %mul3A_114 {offsets = [0, 48], sizes = [544, 16], strides = [1, 1]} : vector<544x128xf32> to vector<544x16xf32>
    %swap3A_364 = arith.constant 0 : index
    %swap3A_365 = arith.constant 3 : index
    %swap3A_366 = arith.constant 0 : index
    %swap3A_367 = arith.constant 32 : index
    %swap3A_368 = vector.load %arg13[%swap3A_364, %swap3A_365, %swap3A_366, %swap3A_367] : memref<1x8x544x64xf32, #tpu.memory_space<vmem>>, vector<1x1x544x16xf32>
    %swap3A_369 = vector.shape_cast %swap3A_368 : vector<1x1x544x16xf32> to vector<544x16xf32>
    %swap3A_370 = vector.shape_cast %slice3A_363 : vector<544x16xf32> to vector<1x1x544x16xf32>
    tpu.vector_store %arg13[%swap3A_364, %swap3A_365, %swap3A_366, %swap3A_367], %swap3A_370 {strides = array<i32>} : memref<1x8x544x64xf32, #tpu.memory_space<vmem>>, vector<1x1x544x16xf32>,
    %slice3A_371 = vector.extract_strided_slice %mul3A_108 {offsets = [0, 48], sizes = [544, 16], strides = [1, 1]} : vector<544x128xf32> to vector<544x16xf32>
    %convert_element_type3A_372 = arith.fptosi %slice3A_371 : vector<544x16xf32> to vector<544x16xi32>
    %swap3A_373 = arith.constant 0 : index
    %swap3A_374 = arith.constant 3 : index
    %swap3A_375 = arith.constant 0 : index
    %swap3A_376 = arith.constant 48 : index
    %swap3A_377 = vector.load %arg12[%swap3A_373, %swap3A_374, %swap3A_375, %swap3A_376] : memref<1x8x544x64xi32, #tpu.memory_space<vmem>>, vector<1x1x544x16xi32>
    %swap3A_378 = vector.shape_cast %swap3A_377 : vector<1x1x544x16xi32> to vector<544x16xi32>
    %swap3A_379 = vector.shape_cast %convert_element_type3A_372 : vector<544x16xi32> to vector<1x1x544x16xi32>
    tpu.vector_store %arg12[%swap3A_373, %swap3A_374, %swap3A_375, %swap3A_376], %swap3A_379 {strides = array<i32>} : memref<1x8x544x64xi32, #tpu.memory_space<vmem>>, vector<1x1x544x16xi32>,
    %slice3A_380 = vector.extract_strided_slice %mul3A_116 {offsets = [0, 48], sizes = [544, 16], strides = [1, 1]} : vector<544x128xf32> to vector<544x16xf32>
    %swap3A_381 = arith.constant 0 : index
    %swap3A_382 = arith.constant 3 : index
    %swap3A_383 = arith.constant 0 : index
    %swap3A_384 = arith.constant 48 : index
    %swap3A_385 = vector.load %arg13[%swap3A_381, %swap3A_382, %swap3A_383, %swap3A_384] : memref<1x8x544x64xf32, #tpu.memory_space<vmem>>, vector<1x1x544x16xf32>
    %swap3A_386 = vector.shape_cast %swap3A_385 : vector<1x1x544x16xf32> to vector<544x16xf32>
    %swap3A_387 = vector.shape_cast %slice3A_380 : vector<544x16xf32> to vector<1x1x544x16xf32>
    tpu.vector_store %arg13[%swap3A_381, %swap3A_382, %swap3A_383, %swap3A_384], %swap3A_387 {strides = array<i32>} : memref<1x8x544x64xf32, #tpu.memory_space<vmem>>, vector<1x1x544x16xf32>,
    %slice3A_388 = vector.extract_strided_slice %mul3A_84 {offsets = [0, 64], sizes = [544, 16], strides = [1, 1]} : vector<544x128xf32> to vector<544x16xf32>
    %convert_element_type3A_389 = arith.fptosi %slice3A_388 : vector<544x16xf32> to vector<544x16xi32>
    %swap3A_390 = arith.constant 0 : index
    %swap3A_391 = arith.constant 4 : index
    %swap3A_392 = arith.constant 0 : index
    %swap3A_393 = arith.constant 0 : index
    %swap3A_394 = vector.load %arg12[%swap3A_390, %swap3A_391, %swap3A_392, %swap3A_393] : memref<1x8x544x64xi32, #tpu.memory_space<vmem>>, vector<1x1x544x16xi32>
    %swap3A_395 = vector.shape_cast %swap3A_394 : vector<1x1x544x16xi32> to vector<544x16xi32>
    %swap3A_396 = vector.shape_cast %convert_element_type3A_389 : vector<544x16xi32> to vector<1x1x544x16xi32>
    tpu.vector_store %arg12[%swap3A_390, %swap3A_391, %swap3A_392, %swap3A_393], %swap3A_396 {strides = array<i32>} : memref<1x8x544x64xi32, #tpu.memory_space<vmem>>, vector<1x1x544x16xi32>,
    %slice3A_397 = vector.extract_strided_slice %mul3A_110 {offsets = [0, 64], sizes = [544, 16], strides = [1, 1]} : vector<544x128xf32> to vector<544x16xf32>
    %swap3A_398 = arith.constant 0 : index
    %swap3A_399 = arith.constant 4 : index
    %swap3A_400 = arith.constant 0 : index
    %swap3A_401 = arith.constant 0 : index
    %swap3A_402 = vector.load %arg13[%swap3A_398, %swap3A_399, %swap3A_400, %swap3A_401] : memref<1x8x544x64xf32, #tpu.memory_space<vmem>>, vector<1x1x544x16xf32>
    %swap3A_403 = vector.shape_cast %swap3A_402 : vector<1x1x544x16xf32> to vector<544x16xf32>
    %swap3A_404 = vector.shape_cast %slice3A_397 : vector<544x16xf32> to vector<1x1x544x16xf32>
    tpu.vector_store %arg13[%swap3A_398, %swap3A_399, %swap3A_400, %swap3A_401], %swap3A_404 {strides = array<i32>} : memref<1x8x544x64xf32, #tpu.memory_space<vmem>>, vector<1x1x544x16xf32>,
    %slice3A_405 = vector.extract_strided_slice %mul3A_92 {offsets = [0, 64], sizes = [544, 16], strides = [1, 1]} : vector<544x128xf32> to vector<544x16xf32>
    %convert_element_type3A_406 = arith.fptosi %slice3A_405 : vector<544x16xf32> to vector<544x16xi32>
    %swap3A_407 = arith.constant 0 : index
    %swap3A_408 = arith.constant 4 : index
    %swap3A_409 = arith.constant 0 : index
    %swap3A_410 = arith.constant 16 : index
    %swap3A_411 = vector.load %arg12[%swap3A_407, %swap3A_408, %swap3A_409, %swap3A_410] : memref<1x8x544x64xi32, #tpu.memory_space<vmem>>, vector<1x1x544x16xi32>
    %swap3A_412 = vector.shape_cast %swap3A_411 : vector<1x1x544x16xi32> to vector<544x16xi32>
    %swap3A_413 = vector.shape_cast %convert_element_type3A_406 : vector<544x16xi32> to vector<1x1x544x16xi32>
    tpu.vector_store %arg12[%swap3A_407, %swap3A_408, %swap3A_409, %swap3A_410], %swap3A_413 {strides = array<i32>} : memref<1x8x544x64xi32, #tpu.memory_space<vmem>>, vector<1x1x544x16xi32>,
    %slice3A_414 = vector.extract_strided_slice %mul3A_112 {offsets = [0, 64], sizes = [544, 16], strides = [1, 1]} : vector<544x128xf32> to vector<544x16xf32>
    %swap3A_415 = arith.constant 0 : index
    %swap3A_416 = arith.constant 4 : index
    %swap3A_417 = arith.constant 0 : index
    %swap3A_418 = arith.constant 16 : index
    %swap3A_419 = vector.load %arg13[%swap3A_415, %swap3A_416, %swap3A_417, %swap3A_418] : memref<1x8x544x64xf32, #tpu.memory_space<vmem>>, vector<1x1x544x16xf32>
    %swap3A_420 = vector.shape_cast %swap3A_419 : vector<1x1x544x16xf32> to vector<544x16xf32>
    %swap3A_421 = vector.shape_cast %slice3A_414 : vector<544x16xf32> to vector<1x1x544x16xf32>
    tpu.vector_store %arg13[%swap3A_415, %swap3A_416, %swap3A_417, %swap3A_418], %swap3A_421 {strides = array<i32>} : memref<1x8x544x64xf32, #tpu.memory_space<vmem>>, vector<1x1x544x16xf32>,
    %slice3A_422 = vector.extract_strided_slice %mul3A_100 {offsets = [0, 64], sizes = [544, 16], strides = [1, 1]} : vector<544x128xf32> to vector<544x16xf32>
    %convert_element_type3A_423 = arith.fptosi %slice3A_422 : vector<544x16xf32> to vector<544x16xi32>
    %swap3A_424 = arith.constant 0 : index
    %swap3A_425 = arith.constant 4 : index
    %swap3A_426 = arith.constant 0 : index
    %swap3A_427 = arith.constant 32 : index
    %swap3A_428 = vector.load %arg12[%swap3A_424, %swap3A_425, %swap3A_426, %swap3A_427] : memref<1x8x544x64xi32, #tpu.memory_space<vmem>>, vector<1x1x544x16xi32>
    %swap3A_429 = vector.shape_cast %swap3A_428 : vector<1x1x544x16xi32> to vector<544x16xi32>
    %swap3A_430 = vector.shape_cast %convert_element_type3A_423 : vector<544x16xi32> to vector<1x1x544x16xi32>
    tpu.vector_store %arg12[%swap3A_424, %swap3A_425, %swap3A_426, %swap3A_427], %swap3A_430 {strides = array<i32>} : memref<1x8x544x64xi32, #tpu.memory_space<vmem>>, vector<1x1x544x16xi32>,
    %slice3A_431 = vector.extract_strided_slice %mul3A_114 {offsets = [0, 64], sizes = [544, 16], strides = [1, 1]} : vector<544x128xf32> to vector<544x16xf32>
    %swap3A_432 = arith.constant 0 : index
    %swap3A_433 = arith.constant 4 : index
    %swap3A_434 = arith.constant 0 : index
    %swap3A_435 = arith.constant 32 : index
    %swap3A_436 = vector.load %arg13[%swap3A_432, %swap3A_433, %swap3A_434, %swap3A_435] : memref<1x8x544x64xf32, #tpu.memory_space<vmem>>, vector<1x1x544x16xf32>
    %swap3A_437 = vector.shape_cast %swap3A_436 : vector<1x1x544x16xf32> to vector<544x16xf32>
    %swap3A_438 = vector.shape_cast %slice3A_431 : vector<544x16xf32> to vector<1x1x544x16xf32>
    tpu.vector_store %arg13[%swap3A_432, %swap3A_433, %swap3A_434, %swap3A_435], %swap3A_438 {strides = array<i32>} : memref<1x8x544x64xf32, #tpu.memory_space<vmem>>, vector<1x1x544x16xf32>,
    %slice3A_439 = vector.extract_strided_slice %mul3A_108 {offsets = [0, 64], sizes = [544, 16], strides = [1, 1]} : vector<544x128xf32> to vector<544x16xf32>
    %convert_element_type3A_440 = arith.fptosi %slice3A_439 : vector<544x16xf32> to vector<544x16xi32>
    %swap3A_441 = arith.constant 0 : index
    %swap3A_442 = arith.constant 4 : index
    %swap3A_443 = arith.constant 0 : index
    %swap3A_444 = arith.constant 48 : index
    %swap3A_445 = vector.load %arg12[%swap3A_441, %swap3A_442, %swap3A_443, %swap3A_444] : memref<1x8x544x64xi32, #tpu.memory_space<vmem>>, vector<1x1x544x16xi32>
    %swap3A_446 = vector.shape_cast %swap3A_445 : vector<1x1x544x16xi32> to vector<544x16xi32>
    %swap3A_447 = vector.shape_cast %convert_element_type3A_440 : vector<544x16xi32> to vector<1x1x544x16xi32>
    tpu.vector_store %arg12[%swap3A_441, %swap3A_442, %swap3A_443, %swap3A_444], %swap3A_447 {strides = array<i32>} : memref<1x8x544x64xi32, #tpu.memory_space<vmem>>, vector<1x1x544x16xi32>,
    %slice3A_448 = vector.extract_strided_slice %mul3A_116 {offsets = [0, 64], sizes = [544, 16], strides = [1, 1]} : vector<544x128xf32> to vector<544x16xf32>
    %swap3A_449 = arith.constant 0 : index
    %swap3A_450 = arith.constant 4 : index
    %swap3A_451 = arith.constant 0 : index
    %swap3A_452 = arith.constant 48 : index
    %swap3A_453 = vector.load %arg13[%swap3A_449, %swap3A_450, %swap3A_451, %swap3A_452] : memref<1x8x544x64xf32, #tpu.memory_space<vmem>>, vector<1x1x544x16xf32>
    %swap3A_454 = vector.shape_cast %swap3A_453 : vector<1x1x544x16xf32> to vector<544x16xf32>
    %swap3A_455 = vector.shape_cast %slice3A_448 : vector<544x16xf32> to vector<1x1x544x16xf32>
    tpu.vector_store %arg13[%swap3A_449, %swap3A_450, %swap3A_451, %swap3A_452], %swap3A_455 {strides = array<i32>} : memref<1x8x544x64xf32, #tpu.memory_space<vmem>>, vector<1x1x544x16xf32>,
    %slice3A_456 = vector.extract_strided_slice %mul3A_84 {offsets = [0, 80], sizes = [544, 16], strides = [1, 1]} : vector<544x128xf32> to vector<544x16xf32>
    %convert_element_type3A_457 = arith.fptosi %slice3A_456 : vector<544x16xf32> to vector<544x16xi32>
    %swap3A_458 = arith.constant 0 : index
    %swap3A_459 = arith.constant 5 : index
    %swap3A_460 = arith.constant 0 : index
    %swap3A_461 = arith.constant 0 : index
    %swap3A_462 = vector.load %arg12[%swap3A_458, %swap3A_459, %swap3A_460, %swap3A_461] : memref<1x8x544x64xi32, #tpu.memory_space<vmem>>, vector<1x1x544x16xi32>
    %swap3A_463 = vector.shape_cast %swap3A_462 : vector<1x1x544x16xi32> to vector<544x16xi32>
    %swap3A_464 = vector.shape_cast %convert_element_type3A_457 : vector<544x16xi32> to vector<1x1x544x16xi32>
    tpu.vector_store %arg12[%swap3A_458, %swap3A_459, %swap3A_460, %swap3A_461], %swap3A_464 {strides = array<i32>} : memref<1x8x544x64xi32, #tpu.memory_space<vmem>>, vector<1x1x544x16xi32>,
    %slice3A_465 = vector.extract_strided_slice %mul3A_110 {offsets = [0, 80], sizes = [544, 16], strides = [1, 1]} : vector<544x128xf32> to vector<544x16xf32>
    %swap3A_466 = arith.constant 0 : index
    %swap3A_467 = arith.constant 5 : index
    %swap3A_468 = arith.constant 0 : index
    %swap3A_469 = arith.constant 0 : index
    %swap3A_470 = vector.load %arg13[%swap3A_466, %swap3A_467, %swap3A_468, %swap3A_469] : memref<1x8x544x64xf32, #tpu.memory_space<vmem>>, vector<1x1x544x16xf32>
    %swap3A_471 = vector.shape_cast %swap3A_470 : vector<1x1x544x16xf32> to vector<544x16xf32>
    %swap3A_472 = vector.shape_cast %slice3A_465 : vector<544x16xf32> to vector<1x1x544x16xf32>
    tpu.vector_store %arg13[%swap3A_466, %swap3A_467, %swap3A_468, %swap3A_469], %swap3A_472 {strides = array<i32>} : memref<1x8x544x64xf32, #tpu.memory_space<vmem>>, vector<1x1x544x16xf32>,
    %slice3A_473 = vector.extract_strided_slice %mul3A_92 {offsets = [0, 80], sizes = [544, 16], strides = [1, 1]} : vector<544x128xf32> to vector<544x16xf32>
    %convert_element_type3A_474 = arith.fptosi %slice3A_473 : vector<544x16xf32> to vector<544x16xi32>
    %swap3A_475 = arith.constant 0 : index
    %swap3A_476 = arith.constant 5 : index
    %swap3A_477 = arith.constant 0 : index
    %swap3A_478 = arith.constant 16 : index
    %swap3A_479 = vector.load %arg12[%swap3A_475, %swap3A_476, %swap3A_477, %swap3A_478] : memref<1x8x544x64xi32, #tpu.memory_space<vmem>>, vector<1x1x544x16xi32>
    %swap3A_480 = vector.shape_cast %swap3A_479 : vector<1x1x544x16xi32> to vector<544x16xi32>
    %swap3A_481 = vector.shape_cast %convert_element_type3A_474 : vector<544x16xi32> to vector<1x1x544x16xi32>
    tpu.vector_store %arg12[%swap3A_475, %swap3A_476, %swap3A_477, %swap3A_478], %swap3A_481 {strides = array<i32>} : memref<1x8x544x64xi32, #tpu.memory_space<vmem>>, vector<1x1x544x16xi32>,
    %slice3A_482 = vector.extract_strided_slice %mul3A_112 {offsets = [0, 80], sizes = [544, 16], strides = [1, 1]} : vector<544x128xf32> to vector<544x16xf32>
    %swap3A_483 = arith.constant 0 : index
    %swap3A_484 = arith.constant 5 : index
    %swap3A_485 = arith.constant 0 : index
    %swap3A_486 = arith.constant 16 : index
    %swap3A_487 = vector.load %arg13[%swap3A_483, %swap3A_484, %swap3A_485, %swap3A_486] : memref<1x8x544x64xf32, #tpu.memory_space<vmem>>, vector<1x1x544x16xf32>
    %swap3A_488 = vector.shape_cast %swap3A_487 : vector<1x1x544x16xf32> to vector<544x16xf32>
    %swap3A_489 = vector.shape_cast %slice3A_482 : vector<544x16xf32> to vector<1x1x544x16xf32>
    tpu.vector_store %arg13[%swap3A_483, %swap3A_484, %swap3A_485, %swap3A_486], %swap3A_489 {strides = array<i32>} : memref<1x8x544x64xf32, #tpu.memory_space<vmem>>, vector<1x1x544x16xf32>,
    %slice3A_490 = vector.extract_strided_slice %mul3A_100 {offsets = [0, 80], sizes = [544, 16], strides = [1, 1]} : vector<544x128xf32> to vector<544x16xf32>
    %convert_element_type3A_491 = arith.fptosi %slice3A_490 : vector<544x16xf32> to vector<544x16xi32>
    %swap3A_492 = arith.constant 0 : index
    %swap3A_493 = arith.constant 5 : index
    %swap3A_494 = arith.constant 0 : index
    %swap3A_495 = arith.constant 32 : index
    %swap3A_496 = vector.load %arg12[%swap3A_492, %swap3A_493, %swap3A_494, %swap3A_495] : memref<1x8x544x64xi32, #tpu.memory_space<vmem>>, vector<1x1x544x16xi32>
    %swap3A_497 = vector.shape_cast %swap3A_496 : vector<1x1x544x16xi32> to vector<544x16xi32>
    %swap3A_498 = vector.shape_cast %convert_element_type3A_491 : vector<544x16xi32> to vector<1x1x544x16xi32>
    tpu.vector_store %arg12[%swap3A_492, %swap3A_493, %swap3A_494, %swap3A_495], %swap3A_498 {strides = array<i32>} : memref<1x8x544x64xi32, #tpu.memory_space<vmem>>, vector<1x1x544x16xi32>,
    %slice3A_499 = vector.extract_strided_slice %mul3A_114 {offsets = [0, 80], sizes = [544, 16], strides = [1, 1]} : vector<544x128xf32> to vector<544x16xf32>
    %swap3A_500 = arith.constant 0 : index
    %swap3A_501 = arith.constant 5 : index
    %swap3A_502 = arith.constant 0 : index
    %swap3A_503 = arith.constant 32 : index
    %swap3A_504 = vector.load %arg13[%swap3A_500, %swap3A_501, %swap3A_502, %swap3A_503] : memref<1x8x544x64xf32, #tpu.memory_space<vmem>>, vector<1x1x544x16xf32>
    %swap3A_505 = vector.shape_cast %swap3A_504 : vector<1x1x544x16xf32> to vector<544x16xf32>
    %swap3A_506 = vector.shape_cast %slice3A_499 : vector<544x16xf32> to vector<1x1x544x16xf32>
    tpu.vector_store %arg13[%swap3A_500, %swap3A_501, %swap3A_502, %swap3A_503], %swap3A_506 {strides = array<i32>} : memref<1x8x544x64xf32, #tpu.memory_space<vmem>>, vector<1x1x544x16xf32>,
    %slice3A_507 = vector.extract_strided_slice %mul3A_108 {offsets = [0, 80], sizes = [544, 16], strides = [1, 1]} : vector<544x128xf32> to vector<544x16xf32>
    %convert_element_type3A_508 = arith.fptosi %slice3A_507 : vector<544x16xf32> to vector<544x16xi32>
    %swap3A_509 = arith.constant 0 : index
    %swap3A_510 = arith.constant 5 : index
    %swap3A_511 = arith.constant 0 : index
    %swap3A_512 = arith.constant 48 : index
    %swap3A_513 = vector.load %arg12[%swap3A_509, %swap3A_510, %swap3A_511, %swap3A_512] : memref<1x8x544x64xi32, #tpu.memory_space<vmem>>, vector<1x1x544x16xi32>
    %swap3A_514 = vector.shape_cast %swap3A_513 : vector<1x1x544x16xi32> to vector<544x16xi32>
    %swap3A_515 = vector.shape_cast %convert_element_type3A_508 : vector<544x16xi32> to vector<1x1x544x16xi32>
    tpu.vector_store %arg12[%swap3A_509, %swap3A_510, %swap3A_511, %swap3A_512], %swap3A_515 {strides = array<i32>} : memref<1x8x544x64xi32, #tpu.memory_space<vmem>>, vector<1x1x544x16xi32>,
    %slice3A_516 = vector.extract_strided_slice %mul3A_116 {offsets = [0, 80], sizes = [544, 16], strides = [1, 1]} : vector<544x128xf32> to vector<544x16xf32>
    %swap3A_517 = arith.constant 0 : index
    %swap3A_518 = arith.constant 5 : index
    %swap3A_519 = arith.constant 0 : index
    %swap3A_520 = arith.constant 48 : index
    %swap3A_521 = vector.load %arg13[%swap3A_517, %swap3A_518, %swap3A_519, %swap3A_520] : memref<1x8x544x64xf32, #tpu.memory_space<vmem>>, vector<1x1x544x16xf32>
    %swap3A_522 = vector.shape_cast %swap3A_521 : vector<1x1x544x16xf32> to vector<544x16xf32>
    %swap3A_523 = vector.shape_cast %slice3A_516 : vector<544x16xf32> to vector<1x1x544x16xf32>
    tpu.vector_store %arg13[%swap3A_517, %swap3A_518, %swap3A_519, %swap3A_520], %swap3A_523 {strides = array<i32>} : memref<1x8x544x64xf32, #tpu.memory_space<vmem>>, vector<1x1x544x16xf32>,
    %slice3A_524 = vector.extract_strided_slice %mul3A_84 {offsets = [0, 96], sizes = [544, 16], strides = [1, 1]} : vector<544x128xf32> to vector<544x16xf32>
    %convert_element_type3A_525 = arith.fptosi %slice3A_524 : vector<544x16xf32> to vector<544x16xi32>
    %swap3A_526 = arith.constant 0 : index
    %swap3A_527 = arith.constant 6 : index
    %swap3A_528 = arith.constant 0 : index
    %swap3A_529 = arith.constant 0 : index
    %swap3A_530 = vector.load %arg12[%swap3A_526, %swap3A_527, %swap3A_528, %swap3A_529] : memref<1x8x544x64xi32, #tpu.memory_space<vmem>>, vector<1x1x544x16xi32>
    %swap3A_531 = vector.shape_cast %swap3A_530 : vector<1x1x544x16xi32> to vector<544x16xi32>
    %swap3A_532 = vector.shape_cast %convert_element_type3A_525 : vector<544x16xi32> to vector<1x1x544x16xi32>
    tpu.vector_store %arg12[%swap3A_526, %swap3A_527, %swap3A_528, %swap3A_529], %swap3A_532 {strides = array<i32>} : memref<1x8x544x64xi32, #tpu.memory_space<vmem>>, vector<1x1x544x16xi32>,
    %slice3A_533 = vector.extract_strided_slice %mul3A_110 {offsets = [0, 96], sizes = [544, 16], strides = [1, 1]} : vector<544x128xf32> to vector<544x16xf32>
    %swap3A_534 = arith.constant 0 : index
    %swap3A_535 = arith.constant 6 : index
    %swap3A_536 = arith.constant 0 : index
    %swap3A_537 = arith.constant 0 : index
    %swap3A_538 = vector.load %arg13[%swap3A_534, %swap3A_535, %swap3A_536, %swap3A_537] : memref<1x8x544x64xf32, #tpu.memory_space<vmem>>, vector<1x1x544x16xf32>
    %swap3A_539 = vector.shape_cast %swap3A_538 : vector<1x1x544x16xf32> to vector<544x16xf32>
    %swap3A_540 = vector.shape_cast %slice3A_533 : vector<544x16xf32> to vector<1x1x544x16xf32>
    tpu.vector_store %arg13[%swap3A_534, %swap3A_535, %swap3A_536, %swap3A_537], %swap3A_540 {strides = array<i32>} : memref<1x8x544x64xf32, #tpu.memory_space<vmem>>, vector<1x1x544x16xf32>,
    %slice3A_541 = vector.extract_strided_slice %mul3A_92 {offsets = [0, 96], sizes = [544, 16], strides = [1, 1]} : vector<544x128xf32> to vector<544x16xf32>
    %convert_element_type3A_542 = arith.fptosi %slice3A_541 : vector<544x16xf32> to vector<544x16xi32>
    %swap3A_543 = arith.constant 0 : index
    %swap3A_544 = arith.constant 6 : index
    %swap3A_545 = arith.constant 0 : index
    %swap3A_546 = arith.constant 16 : index
    %swap3A_547 = vector.load %arg12[%swap3A_543, %swap3A_544, %swap3A_545, %swap3A_546] : memref<1x8x544x64xi32, #tpu.memory_space<vmem>>, vector<1x1x544x16xi32>
    %swap3A_548 = vector.shape_cast %swap3A_547 : vector<1x1x544x16xi32> to vector<544x16xi32>
    %swap3A_549 = vector.shape_cast %convert_element_type3A_542 : vector<544x16xi32> to vector<1x1x544x16xi32>
    tpu.vector_store %arg12[%swap3A_543, %swap3A_544, %swap3A_545, %swap3A_546], %swap3A_549 {strides = array<i32>} : memref<1x8x544x64xi32, #tpu.memory_space<vmem>>, vector<1x1x544x16xi32>,
    %slice3A_550 = vector.extract_strided_slice %mul3A_112 {offsets = [0, 96], sizes = [544, 16], strides = [1, 1]} : vector<544x128xf32> to vector<544x16xf32>
    %swap3A_551 = arith.constant 0 : index
    %swap3A_552 = arith.constant 6 : index
    %swap3A_553 = arith.constant 0 : index
    %swap3A_554 = arith.constant 16 : index
    %swap3A_555 = vector.load %arg13[%swap3A_551, %swap3A_552, %swap3A_553, %swap3A_554] : memref<1x8x544x64xf32, #tpu.memory_space<vmem>>, vector<1x1x544x16xf32>
    %swap3A_556 = vector.shape_cast %swap3A_555 : vector<1x1x544x16xf32> to vector<544x16xf32>
    %swap3A_557 = vector.shape_cast %slice3A_550 : vector<544x16xf32> to vector<1x1x544x16xf32>
    tpu.vector_store %arg13[%swap3A_551, %swap3A_552, %swap3A_553, %swap3A_554], %swap3A_557 {strides = array<i32>} : memref<1x8x544x64xf32, #tpu.memory_space<vmem>>, vector<1x1x544x16xf32>,
    %slice3A_558 = vector.extract_strided_slice %mul3A_100 {offsets = [0, 96], sizes = [544, 16], strides = [1, 1]} : vector<544x128xf32> to vector<544x16xf32>
    %convert_element_type3A_559 = arith.fptosi %slice3A_558 : vector<544x16xf32> to vector<544x16xi32>
    %swap3A_560 = arith.constant 0 : index
    %swap3A_561 = arith.constant 6 : index
    %swap3A_562 = arith.constant 0 : index
    %swap3A_563 = arith.constant 32 : index
    %swap3A_564 = vector.load %arg12[%swap3A_560, %swap3A_561, %swap3A_562, %swap3A_563] : memref<1x8x544x64xi32, #tpu.memory_space<vmem>>, vector<1x1x544x16xi32>
    %swap3A_565 = vector.shape_cast %swap3A_564 : vector<1x1x544x16xi32> to vector<544x16xi32>
    %swap3A_566 = vector.shape_cast %convert_element_type3A_559 : vector<544x16xi32> to vector<1x1x544x16xi32>
    tpu.vector_store %arg12[%swap3A_560, %swap3A_561, %swap3A_562, %swap3A_563], %swap3A_566 {strides = array<i32>} : memref<1x8x544x64xi32, #tpu.memory_space<vmem>>, vector<1x1x544x16xi32>,
    %slice3A_567 = vector.extract_strided_slice %mul3A_114 {offsets = [0, 96], sizes = [544, 16], strides = [1, 1]} : vector<544x128xf32> to vector<544x16xf32>
    %swap3A_568 = arith.constant 0 : index
    %swap3A_569 = arith.constant 6 : index
    %swap3A_570 = arith.constant 0 : index
    %swap3A_571 = arith.constant 32 : index
    %swap3A_572 = vector.load %arg13[%swap3A_568, %swap3A_569, %swap3A_570, %swap3A_571] : memref<1x8x544x64xf32, #tpu.memory_space<vmem>>, vector<1x1x544x16xf32>
    %swap3A_573 = vector.shape_cast %swap3A_572 : vector<1x1x544x16xf32> to vector<544x16xf32>
    %swap3A_574 = vector.shape_cast %slice3A_567 : vector<544x16xf32> to vector<1x1x544x16xf32>
    tpu.vector_store %arg13[%swap3A_568, %swap3A_569, %swap3A_570, %swap3A_571], %swap3A_574 {strides = array<i32>} : memref<1x8x544x64xf32, #tpu.memory_space<vmem>>, vector<1x1x544x16xf32>,
    %slice3A_575 = vector.extract_strided_slice %mul3A_108 {offsets = [0, 96], sizes = [544, 16], strides = [1, 1]} : vector<544x128xf32> to vector<544x16xf32>
    %convert_element_type3A_576 = arith.fptosi %slice3A_575 : vector<544x16xf32> to vector<544x16xi32>
    %swap3A_577 = arith.constant 0 : index
    %swap3A_578 = arith.constant 6 : index
    %swap3A_579 = arith.constant 0 : index
    %swap3A_580 = arith.constant 48 : index
    %swap3A_581 = vector.load %arg12[%swap3A_577, %swap3A_578, %swap3A_579, %swap3A_580] : memref<1x8x544x64xi32, #tpu.memory_space<vmem>>, vector<1x1x544x16xi32>
    %swap3A_582 = vector.shape_cast %swap3A_581 : vector<1x1x544x16xi32> to vector<544x16xi32>
    %swap3A_583 = vector.shape_cast %convert_element_type3A_576 : vector<544x16xi32> to vector<1x1x544x16xi32>
    tpu.vector_store %arg12[%swap3A_577, %swap3A_578, %swap3A_579, %swap3A_580], %swap3A_583 {strides = array<i32>} : memref<1x8x544x64xi32, #tpu.memory_space<vmem>>, vector<1x1x544x16xi32>,
    %slice3A_584 = vector.extract_strided_slice %mul3A_116 {offsets = [0, 96], sizes = [544, 16], strides = [1, 1]} : vector<544x128xf32> to vector<544x16xf32>
    %swap3A_585 = arith.constant 0 : index
    %swap3A_586 = arith.constant 6 : index
    %swap3A_587 = arith.constant 0 : index
    %swap3A_588 = arith.constant 48 : index
    %swap3A_589 = vector.load %arg13[%swap3A_585, %swap3A_586, %swap3A_587, %swap3A_588] : memref<1x8x544x64xf32, #tpu.memory_space<vmem>>, vector<1x1x544x16xf32>
    %swap3A_590 = vector.shape_cast %swap3A_589 : vector<1x1x544x16xf32> to vector<544x16xf32>
    %swap3A_591 = vector.shape_cast %slice3A_584 : vector<544x16xf32> to vector<1x1x544x16xf32>
    tpu.vector_store %arg13[%swap3A_585, %swap3A_586, %swap3A_587, %swap3A_588], %swap3A_591 {strides = array<i32>} : memref<1x8x544x64xf32, #tpu.memory_space<vmem>>, vector<1x1x544x16xf32>,
    %slice3A_592 = vector.extract_strided_slice %mul3A_84 {offsets = [0, 112], sizes = [544, 16], strides = [1, 1]} : vector<544x128xf32> to vector<544x16xf32>
    %convert_element_type3A_593 = arith.fptosi %slice3A_592 : vector<544x16xf32> to vector<544x16xi32>
    %swap3A_594 = arith.constant 0 : index
    %swap3A_595 = arith.constant 7 : index
    %swap3A_596 = arith.constant 0 : index
    %swap3A_597 = arith.constant 0 : index
    %swap3A_598 = vector.load %arg12[%swap3A_594, %swap3A_595, %swap3A_596, %swap3A_597] : memref<1x8x544x64xi32, #tpu.memory_space<vmem>>, vector<1x1x544x16xi32>
    %swap3A_599 = vector.shape_cast %swap3A_598 : vector<1x1x544x16xi32> to vector<544x16xi32>
    %swap3A_600 = vector.shape_cast %convert_element_type3A_593 : vector<544x16xi32> to vector<1x1x544x16xi32>
    tpu.vector_store %arg12[%swap3A_594, %swap3A_595, %swap3A_596, %swap3A_597], %swap3A_600 {strides = array<i32>} : memref<1x8x544x64xi32, #tpu.memory_space<vmem>>, vector<1x1x544x16xi32>,
    %slice3A_601 = vector.extract_strided_slice %mul3A_110 {offsets = [0, 112], sizes = [544, 16], strides = [1, 1]} : vector<544x128xf32> to vector<544x16xf32>
    %swap3A_602 = arith.constant 0 : index
    %swap3A_603 = arith.constant 7 : index
    %swap3A_604 = arith.constant 0 : index
    %swap3A_605 = arith.constant 0 : index
    %swap3A_606 = vector.load %arg13[%swap3A_602, %swap3A_603, %swap3A_604, %swap3A_605] : memref<1x8x544x64xf32, #tpu.memory_space<vmem>>, vector<1x1x544x16xf32>
    %swap3A_607 = vector.shape_cast %swap3A_606 : vector<1x1x544x16xf32> to vector<544x16xf32>
    %swap3A_608 = vector.shape_cast %slice3A_601 : vector<544x16xf32> to vector<1x1x544x16xf32>
    tpu.vector_store %arg13[%swap3A_602, %swap3A_603, %swap3A_604, %swap3A_605], %swap3A_608 {strides = array<i32>} : memref<1x8x544x64xf32, #tpu.memory_space<vmem>>, vector<1x1x544x16xf32>,
    %slice3A_609 = vector.extract_strided_slice %mul3A_92 {offsets = [0, 112], sizes = [544, 16], strides = [1, 1]} : vector<544x128xf32> to vector<544x16xf32>
    %convert_element_type3A_610 = arith.fptosi %slice3A_609 : vector<544x16xf32> to vector<544x16xi32>
    %swap3A_611 = arith.constant 0 : index
    %swap3A_612 = arith.constant 7 : index
    %swap3A_613 = arith.constant 0 : index
    %swap3A_614 = arith.constant 16 : index
    %swap3A_615 = vector.load %arg12[%swap3A_611, %swap3A_612, %swap3A_613, %swap3A_614] : memref<1x8x544x64xi32, #tpu.memory_space<vmem>>, vector<1x1x544x16xi32>
    %swap3A_616 = vector.shape_cast %swap3A_615 : vector<1x1x544x16xi32> to vector<544x16xi32>
    %swap3A_617 = vector.shape_cast %convert_element_type3A_610 : vector<544x16xi32> to vector<1x1x544x16xi32>
    tpu.vector_store %arg12[%swap3A_611, %swap3A_612, %swap3A_613, %swap3A_614], %swap3A_617 {strides = array<i32>} : memref<1x8x544x64xi32, #tpu.memory_space<vmem>>, vector<1x1x544x16xi32>,
    %slice3A_618 = vector.extract_strided_slice %mul3A_112 {offsets = [0, 112], sizes = [544, 16], strides = [1, 1]} : vector<544x128xf32> to vector<544x16xf32>
    %swap3A_619 = arith.constant 0 : index
    %swap3A_620 = arith.constant 7 : index
    %swap3A_621 = arith.constant 0 : index
    %swap3A_622 = arith.constant 16 : index
    %swap3A_623 = vector.load %arg13[%swap3A_619, %swap3A_620, %swap3A_621, %swap3A_622] : memref<1x8x544x64xf32, #tpu.memory_space<vmem>>, vector<1x1x544x16xf32>
    %swap3A_624 = vector.shape_cast %swap3A_623 : vector<1x1x544x16xf32> to vector<544x16xf32>
    %swap3A_625 = vector.shape_cast %slice3A_618 : vector<544x16xf32> to vector<1x1x544x16xf32>
    tpu.vector_store %arg13[%swap3A_619, %swap3A_620, %swap3A_621, %swap3A_622], %swap3A_625 {strides = array<i32>} : memref<1x8x544x64xf32, #tpu.memory_space<vmem>>, vector<1x1x544x16xf32>,
    %slice3A_626 = vector.extract_strided_slice %mul3A_100 {offsets = [0, 112], sizes = [544, 16], strides = [1, 1]} : vector<544x128xf32> to vector<544x16xf32>
    %convert_element_type3A_627 = arith.fptosi %slice3A_626 : vector<544x16xf32> to vector<544x16xi32>
    %swap3A_628 = arith.constant 0 : index
    %swap3A_629 = arith.constant 7 : index
    %swap3A_630 = arith.constant 0 : index
    %swap3A_631 = arith.constant 32 : index
    %swap3A_632 = vector.load %arg12[%swap3A_628, %swap3A_629, %swap3A_630, %swap3A_631] : memref<1x8x544x64xi32, #tpu.memory_space<vmem>>, vector<1x1x544x16xi32>
    %swap3A_633 = vector.shape_cast %swap3A_632 : vector<1x1x544x16xi32> to vector<544x16xi32>
    %swap3A_634 = vector.shape_cast %convert_element_type3A_627 : vector<544x16xi32> to vector<1x1x544x16xi32>
    tpu.vector_store %arg12[%swap3A_628, %swap3A_629, %swap3A_630, %swap3A_631], %swap3A_634 {strides = array<i32>} : memref<1x8x544x64xi32, #tpu.memory_space<vmem>>, vector<1x1x544x16xi32>,
    %slice3A_635 = vector.extract_strided_slice %mul3A_114 {offsets = [0, 112], sizes = [544, 16], strides = [1, 1]} : vector<544x128xf32> to vector<544x16xf32>
    %swap3A_636 = arith.constant 0 : index
    %swap3A_637 = arith.constant 7 : index
    %swap3A_638 = arith.constant 0 : index
    %swap3A_639 = arith.constant 32 : index
    %swap3A_640 = vector.load %arg13[%swap3A_636, %swap3A_637, %swap3A_638, %swap3A_639] : memref<1x8x544x64xf32, #tpu.memory_space<vmem>>, vector<1x1x544x16xf32>
    %swap3A_641 = vector.shape_cast %swap3A_640 : vector<1x1x544x16xf32> to vector<544x16xf32>
    %swap3A_642 = vector.shape_cast %slice3A_635 : vector<544x16xf32> to vector<1x1x544x16xf32>
    tpu.vector_store %arg13[%swap3A_636, %swap3A_637, %swap3A_638, %swap3A_639], %swap3A_642 {strides = array<i32>} : memref<1x8x544x64xf32, #tpu.memory_space<vmem>>, vector<1x1x544x16xf32>,
    %slice3A_643 = vector.extract_strided_slice %mul3A_108 {offsets = [0, 112], sizes = [544, 16], strides = [1, 1]} : vector<544x128xf32> to vector<544x16xf32>
    %convert_element_type3A_644 = arith.fptosi %slice3A_643 : vector<544x16xf32> to vector<544x16xi32>
    %swap3A_645 = arith.constant 0 : index
    %swap3A_646 = arith.constant 7 : index
    %swap3A_647 = arith.constant 0 : index
    %swap3A_648 = arith.constant 48 : index
    %swap3A_649 = vector.load %arg12[%swap3A_645, %swap3A_646, %swap3A_647, %swap3A_648] : memref<1x8x544x64xi32, #tpu.memory_space<vmem>>, vector<1x1x544x16xi32>
    %swap3A_650 = vector.shape_cast %swap3A_649 : vector<1x1x544x16xi32> to vector<544x16xi32>
    %swap3A_651 = vector.shape_cast %convert_element_type3A_644 : vector<544x16xi32> to vector<1x1x544x16xi32>
    tpu.vector_store %arg12[%swap3A_645, %swap3A_646, %swap3A_647, %swap3A_648], %swap3A_651 {strides = array<i32>} : memref<1x8x544x64xi32, #tpu.memory_space<vmem>>, vector<1x1x544x16xi32>,
    %slice3A_652 = vector.extract_strided_slice %mul3A_116 {offsets = [0, 112], sizes = [544, 16], strides = [1, 1]} : vector<544x128xf32> to vector<544x16xf32>
    %swap3A_653 = arith.constant 0 : index
    %swap3A_654 = arith.constant 7 : index
    %swap3A_655 = arith.constant 0 : index
    %swap3A_656 = arith.constant 48 : index
    %swap3A_657 = vector.load %arg13[%swap3A_653, %swap3A_654, %swap3A_655, %swap3A_656] : memref<1x8x544x64xf32, #tpu.memory_space<vmem>>, vector<1x1x544x16xf32>
    %swap3A_658 = vector.shape_cast %swap3A_657 : vector<1x1x544x16xf32> to vector<544x16xf32>
    %swap3A_659 = vector.shape_cast %slice3A_652 : vector<544x16xf32> to vector<1x1x544x16xf32>
    tpu.vector_store %arg13[%swap3A_653, %swap3A_654, %swap3A_655, %swap3A_656], %swap3A_659 {strides = array<i32>} : memref<1x8x544x64xf32, #tpu.memory_space<vmem>>, vector<1x1x544x16xf32>,
    return
  }
  func.func @transform_0(%arg0: i32, %arg1: i32) -> (i32, i32, i32) {
    %c0_i32 = arith.constant 0 : i32
    %c0_i32_0 = arith.constant 0 : i32
    return %arg0, %arg1, %c0_i32 : i32, i32, i32
  }
  func.func @transform_1(%arg0: i32, %arg1: i32) -> (i32, i32, i32) {
    %c0_i32 = arith.constant 0 : i32
    %c0_i32_0 = arith.constant 0 : i32
    return %arg0, %arg1, %c0_i32 : i32, i32, i32
  }
  func.func @transform_2(%arg0: i32, %arg1: i32) -> (i32, i32) {
    %c0_i32 = arith.constant 0 : i32
    %c0_i32_0 = arith.constant 0 : i32
    %c0_i32_1 = arith.constant 0 : i32
    return %c0_i32, %c0_i32_0 : i32, i32
  }
  func.func @transform_3(%arg0: i32, %arg1: i32) -> (i32, i32) {
    %c0_i32 = arith.constant 0 : i32
    %c0_i32_0 = arith.constant 0 : i32
    %c0_i32_1 = arith.constant 0 : i32
    return %c0_i32, %c0_i32_0 : i32, i32
  }
  func.func @transform_4(%arg0: i32, %arg1: i32) -> (i32, i32) {
    %c0_i32 = arith.constant 0 : i32
    %c0_i32_0 = arith.constant 0 : i32
    %c0_i32_1 = arith.constant 0 : i32
    return %c0_i32, %c0_i32_0 : i32, i32
  }
  func.func @transform_5(%arg0: i32, %arg1: i32) -> (i32, i32) {
    %c0_i32 = arith.constant 0 : i32
    %c0_i32_0 = arith.constant 0 : i32
    %c0_i32_1 = arith.constant 0 : i32
    return %c0_i32, %c0_i32_0 : i32, i32
  }
  func.func @transform_6(%arg0: i32, %arg1: i32) -> (i32, i32) {
    %c0_i32 = arith.constant 0 : i32
    %c0_i32_0 = arith.constant 0 : i32
    %c0_i32_1 = arith.constant 0 : i32
    return %c0_i32, %c0_i32_0 : i32, i32
  }
  func.func @transform_7(%arg0: i32, %arg1: i32) -> (i32, i32) {
    %c0_i32 = arith.constant 0 : i32
    %c0_i32_0 = arith.constant 0 : i32
    %c0_i32_1 = arith.constant 0 : i32
    return %c0_i32, %c0_i32_0 : i32, i32
  }
  func.func @transform_8(%arg0: i32, %arg1: i32) -> (i32, i32) {
    %c0_i32 = arith.constant 0 : i32
    %c0_i32_0 = arith.constant 0 : i32
    %c0_i32_1 = arith.constant 0 : i32
    return %c0_i32, %c0_i32_0 : i32, i32
  }
  func.func @transform_9(%arg0: i32, %arg1: i32) -> (i32, i32) {
    %c0_i32 = arith.constant 0 : i32
    %c0_i32_0 = arith.constant 0 : i32
    %c0_i32_1 = arith.constant 0 : i32
    return %c0_i32, %c0_i32_0 : i32, i32
  }
  func.func @transform_10(%arg0: i32, %arg1: i32) -> (i32, i32, i32, i32) {
    %c0_i32 = arith.constant 0 : i32
    %c0_i32_0 = arith.constant 0 : i32
    %c0_i32_1 = arith.constant 0 : i32
    return %arg0, %c0_i32, %arg1, %c0_i32_0 : i32, i32, i32, i32
  }
  func.func @transform_11(%arg0: i32, %arg1: i32) -> (i32, i32, i32, i32) {
    %c0_i32 = arith.constant 0 : i32
    %c0_i32_0 = arith.constant 0 : i32
    %c0_i32_1 = arith.constant 0 : i32
    return %arg0, %c0_i32, %arg1, %c0_i32_0 : i32, i32, i32, i32
  }
}

module attributes {stable_mosaic.version = 14 : i64} {
  func.func @_t3_body(%arg0: i32, %arg1: i32, %arg2: i32, %arg3: memref<1x1x544x33xf32, #tpu.memory_space<vmem>>, %arg4: memref<32x256xf32, #tpu.memory_space<vmem>>, %arg5: memref<1x256xf32, #tpu.memory_space<vmem>>, %arg6: memref<1x544x256xf32, #tpu.memory_space<vmem>>) attributes {dimension_semantics = [#tpu.dimension_semantics<arbitrary>, #tpu.dimension_semantics<arbitrary>, #tpu.dimension_semantics<arbitrary>], iteration_bounds = array<i64: 2, 10, 8>, scalar_prefetch = 0 : i64, scratch_operands = 0 : i64, tpu.core_type = #tpu.core_type<tc>, window_params = [{transform_indices = @transform_0, window_bounds = array<i64: 1, 1, 544, 33>}, {transform_indices = @transform_1, window_bounds = array<i64: 32, 256>}, {pipeline_mode = #tpu.pipeline_mode<synchronous>, transform_indices = @transform_2, window_bounds = array<i64: 1, 256>}, {transform_indices = @transform_3, window_bounds = array<i64: 1, 544, 256>}]} {
    %get3A = arith.constant 0 : index
    %get3A_0 = arith.constant 0 : index
    %get3A_1 = arith.constant 0 : index
    %get3A_2 = arith.constant 0 : index
    %get3A_3 = vector.load %arg3[%get3A, %get3A_0, %get3A_1, %get3A_2] : memref<1x1x544x33xf32, #tpu.memory_space<vmem>>, vector<1x1x544x32xf32>
    %get3A_4 = vector.shape_cast %get3A_3 : vector<1x1x544x32xf32> to vector<544x32xf32>
    %convert_element_type3A = arith.truncf %get3A_4 : vector<544x32xf32> to vector<544x32xbf16>
    %get3A_5 = arith.constant 0 : index
    %get3A_6 = arith.constant 0 : index
    %get3A_7 = vector.load %arg4[%get3A_5, %get3A_6] : memref<32x256xf32, #tpu.memory_space<vmem>>, vector<32x256xf32>
    %convert_element_type3A_8 = arith.truncf %get3A_7 : vector<32x256xf32> to vector<32x256xbf16>
    %dot_general3A = arith.constant dense<0.000000e+00> : vector<544x256xf32>
    %dot_general3A_9 = tpu.matmul %convert_element_type3A, %convert_element_type3A_8, %dot_general3A {dimension_numbers = #tpu.dot_dimension_numbers<[1], [0], [0], [1], [0, 0, 1, 1], [], []>, transpose_lhs_hint = false} : vector<544x32xbf16>, vector<32x256xbf16>, vector<544x256xf32> -> vector<544x256xf32>
    %eq3A = arith.constant 0 : i32
    %eq3A_10 = arith.cmpi eq, %arg2, %eq3A : i32
    %convert_element_type3A_11 = arith.extui %eq3A_10 : i1 to i32
    %cond3A = arith.constant 0 : i32
    %cond3A_12 = arith.cmpi ne, %convert_element_type3A_11, %cond3A : i32
    scf.if %cond3A_12 {
      %get3A_17 = arith.constant 0 : index
      %get3A_18 = arith.constant 0 : index
      %get3A_19 = vector.load %arg5[%get3A_17, %get3A_18] : memref<1x256xf32, #tpu.memory_space<vmem>>, vector<1x256xf32>
      %add3A = vector.broadcast %get3A_19 : vector<1x256xf32> to vector<544x256xf32>
      %add3A_20 = arith.addf %dot_general3A_9, %add3A : vector<544x256xf32>
      %swap3A = arith.constant 0 : index
      %swap3A_21 = arith.constant 0 : index
      %swap3A_22 = arith.constant 0 : index
      %swap3A_23 = vector.load %arg6[%swap3A, %swap3A_21, %swap3A_22] : memref<1x544x256xf32, #tpu.memory_space<vmem>>, vector<1x544x256xf32>
      %swap3A_24 = vector.shape_cast %swap3A_23 : vector<1x544x256xf32> to vector<544x256xf32>
      %swap3A_25 = vector.shape_cast %add3A_20 : vector<544x256xf32> to vector<1x544x256xf32>
      tpu.vector_store %arg6[%swap3A, %swap3A_21, %swap3A_22], %swap3A_25 {strides = array<i32>} : memref<1x544x256xf32, #tpu.memory_space<vmem>>, vector<1x544x256xf32>,
    } else {
    }
    %ne3A = arith.constant 0 : i32
    %ne3A_13 = arith.cmpi ne, %arg2, %ne3A : i32
    %convert_element_type3A_14 = arith.extui %ne3A_13 : i1 to i32
    %cond3A_15 = arith.constant 0 : i32
    %cond3A_16 = arith.cmpi ne, %convert_element_type3A_14, %cond3A_15 : i32
    scf.if %cond3A_16 {
      %get3A_17 = arith.constant 0 : index
      %get3A_18 = arith.constant 0 : index
      %get3A_19 = arith.constant 0 : index
      %get3A_20 = vector.load %arg6[%get3A_17, %get3A_18, %get3A_19] : memref<1x544x256xf32, #tpu.memory_space<vmem>>, vector<1x544x256xf32>
      %get3A_21 = vector.shape_cast %get3A_20 : vector<1x544x256xf32> to vector<544x256xf32>
      %add3A = arith.addf %get3A_21, %dot_general3A_9 : vector<544x256xf32>
      %swap3A = arith.constant 0 : index
      %swap3A_22 = arith.constant 0 : index
      %swap3A_23 = arith.constant 0 : index
      %swap3A_24 = vector.load %arg6[%swap3A, %swap3A_22, %swap3A_23] : memref<1x544x256xf32, #tpu.memory_space<vmem>>, vector<1x544x256xf32>
      %swap3A_25 = vector.shape_cast %swap3A_24 : vector<1x544x256xf32> to vector<544x256xf32>
      %swap3A_26 = vector.shape_cast %add3A : vector<544x256xf32> to vector<1x544x256xf32>
      tpu.vector_store %arg6[%swap3A, %swap3A_22, %swap3A_23], %swap3A_26 {strides = array<i32>} : memref<1x544x256xf32, #tpu.memory_space<vmem>>, vector<1x544x256xf32>,
    } else {
    }
    return
  }
  func.func @transform_0(%arg0: i32, %arg1: i32, %arg2: i32) -> (i32, i32, i32, i32) {
    %c0_i32 = arith.constant 0 : i32
    %c0_i32_0 = arith.constant 0 : i32
    return %arg0, %arg2, %arg1, %c0_i32 : i32, i32, i32, i32
  }
  func.func @transform_1(%arg0: i32, %arg1: i32, %arg2: i32) -> (i32, i32) {
    %c0_i32 = arith.constant 0 : i32
    %c0_i32_0 = arith.constant 0 : i32
    return %arg2, %c0_i32 : i32, i32
  }
  func.func @transform_2(%arg0: i32, %arg1: i32, %arg2: i32) -> (i32, i32) {
    %c0_i32 = arith.constant 0 : i32
    %c0_i32_0 = arith.constant 0 : i32
    %c0_i32_1 = arith.constant 0 : i32
    return %c0_i32, %c0_i32_0 : i32, i32
  }
  func.func @transform_3(%arg0: i32, %arg1: i32, %arg2: i32) -> (i32, i32, i32) {
    %c0_i32 = arith.constant 0 : i32
    %c0_i32_0 = arith.constant 0 : i32
    return %arg0, %arg1, %c0_i32 : i32, i32, i32
  }
}

</mosaic_0001>

<sc_bundles>
// kernel: kernel.6.cloned.1.call-start
scs
__scs_entry_jumppad:
0x0: {  	(pc) =	sbr.rel $0x88, $3  }
0x1: {  	(tag) =	ssettag $0x0;
	lr =	simm.s32 $0x1  }
0x2: {  	[smem:$0x3F96] =	sst lr;
	_ =	strace $0xD0000000  }
0x3: {  	_ = 	snop  }
0x4: {  	_ = 	snop  }
0x5: {  	_ = 	snop  }
0x6: {  	_ = 	snop  }
0x7: {  	_ = 	snop  }
__scs_overlays_trampoline_lowered:
0x8: {  	[smem:$0x3FA5] =	sst s0  }
0x9: {  	[smem:$0x3FA6] =	sst s1  }
0xa: {  	[smem:$0x3FA7] =	sst s2  }
0xb: {  	[smem:$0x3FA8] =	sst s3  }
0xc: {  	[smem:$0x3FA9] =	sst s4  }
0xd: {  	[smem:$0x3FAA] =	sst s5  }
0xe: {  	[smem:$0x3FAB] =	sst s6  }
0xf: {  	[smem:$0x3FAC] =	sst s7  }
0x10: {  	[smem:$0x3FAD] =	sst s8  }
0x11: {  	[smem:$0x3FAE] =	sst s9;
	s0 =	simm.s32 @!p0 $0x0  }
0x12: {  	s1 =	sld [smem:$0x3F94];
	s0 =	simm.s32 @p0 $0x1  }
0x13: {  	[smem:$0x3FAF] =	sst s0;
	s0 =	simm.s32 @!p1 $0x0  }
0x14: {  	s2 =	sld [smem:$0x3F93];
	s0 =	simm.s32 @p1 $0x1  }
0x15: {  	[smem:$0x3FB0] =	sst s0;
	s0 =	simm.s32 @!p2 $0x0  }
0x16: {  	s3 =	sld [smem:$0x3FDB];
	s0 =	simm.s32 @p2 $0x1  }
0x17: {  	s4 =	simm.s32 $0x1BF5;
	[smem:$0x3FB2] =	sst s0  }
0x18: {  	s0 =	sld [smem:$0x3F95];
	_ =	swait.ge [sflag:s4], $0x0  }
0x19: {  	s7 =	sld [smem:$0x3F96]  }
0x1a: {  	s8 =	sadd.s32 $0xFFFFE003, lr  }
0x1b: {  	s9 =	sadd.s32 $0xFFFFFEF7, lr;
	s5 =	simm.s32 $0xFFFFFFFF;
	p2 =	slt.u32 s8, $0xFFFFF086  }
0x1c: {  	p1 =	slt.u32 s9, $0xF7A;
	s5 =	simm.s32 @!p2 $0x0  }
0x1d: {  	s5 =	simm.s32 @p1 $0x1;
	p0 =	seq.s32 s7, s2  }
0x1e: {  	s7 =	smul.u32 @!p0 $0xF7A, s2;
	p2 =	seq.s32 @!p0 s5, $0x0  }
0x1f: {  	s9 =	smul.u32 $0xF7A, s1;
	s8 =	simm.s32 @!p0 $0x1BF5;
	p2 =	por !p2, p0  }
0x20: {  	[sflag:s8] =	ssyncset.s32 @!p0 $0xFFFFF086;
	s6 =	sadd.s32 @!p0 s3, s7;
	s7 =	simm.s32 @!p0 $0x108  }
0x21: {  	s3 =	sadd.s32 s3, s9;
	s6 =	sadd.s32 @!p0 $0x88, s6;
	s7 =	simm.s32 @p2 $0x1082  }
0x22: {  	[simem:s7], [sflag:s8] =	dma.local @!p0 [hbm:s6], $0xF7A  }
0x23: {  	s9 =	sor.u32 $0xD0000000, s2;
	s6 =	simm.s32 $0x108;
	_ =	swait.ge @!p0 [sflag:s8], $0x0  }
0x24: {  	s3 =	sadd.s32 $0x88, s3;
	s6 =	simm.s32 @!p1 $0x1082;
	[sflag:s4] =	ssyncset.s32 $0xFFFFF086  }
0x25: {  	[simem:s6], [sflag:s4] =	dma.local [hbm:s3], $0xF7A  }
0x26: {  	[smem:$0x3F96] =	sst s1;
	(tag) =	ssettag s2;
	_ =	strace s9  }
0x27: {  	s1 =	sld [smem:$0x3FA6]  }
0x28: {  	s2 =	sld [smem:$0x3FA7]  }
0x29: {  	s4 =	sld [smem:$0x3FA9]  }
0x2a: {  	p0 =	seq.s32 s5, $0x0;
	s5 =	sld [smem:$0x3FAA]  }
0x2b: {  	s6 =	sld [smem:$0x3FAB]  }
0x2c: {  	s7 =	sld [smem:$0x3FAC]  }
0x2d: {  	s3 =	simm.s32 $0x108;
	s8 =	sld [smem:$0x3FAD]  }
0x2e: {  	s3 =	simm.s32 @!p0 $0x1082;
	s9 =	sld [smem:$0x3FAE]  }
0x2f: {  	lr =	sadd.s32 s0, s3;
	s0 =	sld [smem:$0x3FA5]  }
0x30: {  	s3 =	sld [smem:$0x3FA8]  }
0x31: {  	[smem:$0x3FB1] =	sst s10  }
0x32: {  	s10 =	sld [smem:$0x3FAF];
	_ =	sdelay $0x3  }
0x33: {  	p0 =	seq.s32 s10, $0x1;
	s10 =	sld [smem:$0x3FB1];
	_ =	sdelay $0x3  }
0x34: {  	[smem:$0x3FB1] =	sst s10  }
0x35: {  	s10 =	sld [smem:$0x3FB0];
	_ =	sdelay $0x3  }
0x36: {  	p1 =	seq.s32 s10, $0x1;
	s10 =	sld [smem:$0x3FB1];
	_ =	sdelay $0x3  }
0x37: {  	[smem:$0x3FB1] =	sst s10  }
0x38: {  	s10 =	sld [smem:$0x3FB2]  }
0x39: {  	_ = 	snop;
	(pc) =	sbr.ind lr, $3  }
0x3a: {  	_ = 	snop  }
0x3b: {  	_ = 	snop  }
0x3c: {  	p2 =	seq.s32 s10, $0x1;
	s10 =	sld [smem:$0x3FB1]  }
0x3d: {  	_ =	shalt  }
0x3e: {  	_ =	shalt  }
0x3f: {  	_ =	shalt  }
0x40: {  	_ =	shalt  }
0x41: {  	_ =	shalt  }
0x42: {  	_ =	shalt  }
0x43: {  	_ =	shalt  }
0x44: {  	_ =	shalt  }
0x45: {  	_ =	shalt  }
0x46: {  	_ =	shalt  }
0x47: {  	_ =	shalt  }
0x48: {  	_ =	shalt  }
0x49: {  	_ =	shalt  }
0x4a: {  	_ =	shalt  }
0x4b: {  	_ =	shalt  }
0x4c: {  	_ =	shalt  }
0x4d: {  	_ =	shalt  }
0x4e: {  	_ =	shalt  }
0x4f: {  	_ =	shalt  }
0x50: {  	_ =	shalt  }
0x51: {  	_ =	shalt  }
0x52: {  	_ =	shalt  }
0x53: {  	_ =	shalt  }
0x54: {  	_ =	shalt  }
0x55: {  	_ =	shalt  }
0x56: {  	_ =	shalt  }
0x57: {  	_ =	shalt  }
0x58: {  	_ =	shalt  }
0x59: {  	_ =	shalt  }
0x5a: {  	_ =	shalt  }
0x5b: {  	_ =	shalt  }
0x5c: {  	_ =	shalt  }
0x5d: {  	_ =	shalt  }
0x5e: {  	_ =	shalt  }
0x5f: {  	_ =	shalt  }
0x60: {  	_ =	shalt  }
0x61: {  	_ =	shalt  }
0x62: {  	_ =	shalt  }
0x63: {  	_ =	shalt  }
0x64: {  	_ =	shalt  }
0x65: {  	_ =	shalt  }
0x66: {  	_ =	shalt  }
0x67: {  	_ =	shalt  }
0x68: {  	_ =	shalt  }
0x69: {  	_ =	shalt  }
0x6a: {  	_ =	shalt  }
0x6b: {  	_ =	shalt  }
0x6c: {  	_ =	shalt  }
0x6d: {  	_ =	shalt  }
0x6e: {  	_ =	shalt  }
0x6f: {  	_ =	shalt  }
0x70: {  	_ =	shalt  }
0x71: {  	_ =	shalt  }
0x72: {  	_ =	shalt  }
0x73: {  	_ =	shalt  }
0x74: {  	_ =	shalt  }
0x75: {  	_ =	shalt  }
0x76: {  	_ =	shalt  }
0x77: {  	_ =	shalt  }
0x78: {  	_ =	shalt  }
0x79: {  	_ =	shalt  }
0x7a: {  	_ =	shalt  }
0x7b: {  	_ =	shalt  }
0x7c: {  	_ =	shalt  }
0x7d: {  	_ =	shalt  }
0x7e: {  	_ =	shalt  }
0x7f: {  	_ =	shalt  }
0x80: {  	_ =	shalt  }
0x81: {  	_ =	shalt  }
0x82: {  	_ =	shalt  }
0x83: {  	_ =	shalt  }
0x84: {  	_ =	shalt  }
0x85: {  	_ =	shalt  }
0x86: {  	_ =	shalt  }
0x87: {  	_ =	shalt  }
.Lfunc_end0:
.L_simem_size_0:
called_computation_lowered:
.L_overlay_start_0:
0x88: {  	s2 =	sld [smem:$0x3FD9]  }
0x89: {  	s3 =	sld [smem:$0x3FFE];
	_ =	sdelay $0x1  }
0x8a: {  	s1 =	srdreg.scid  }
0x8b: {  	s0 =	sand.u32 $0x1, s1  }
0x8c: {  	s17 =	sshll.u32 s0, $0xA;
	s2 =	sadd.s32 s3, s2  }
0x8d: {  	s2 =	sadd.s32 s2, s17  }
0x8e: {  	[smem:$0x3FBD] =	sst s2  }
0x8f: {  	_ = 	snop  }
0x90: {  	s2 =	sld [smem:$0x3FD0];
	(tm) =	ssettm $0x1  }
0x91: {  	s18 =	sld [smem:$0x3FFB];
	_ =	sdelay $0x3  }
0x92: {  	_ =	strace s18  }
0x93: {  	s3 =	sld [smem:$0x3FFC];
	_ =	sdelay $0x3  }
0x94: {  	_ =	strace s3  }
0x95: {  	s3 =	sld [smem:$0x3FFD];
	_ =	sdelay $0x3  }
0x96: {  	_ =	strace s3  }
0x97: {  	_ =	strace $0x8FFFFFFF  }
0x98: {  	s19 =	sld [smem:$0x3FDB];
	_ =	sdelay $0x1  }
0x99: {  	s4 =	simm.s32 $_scs_section_size  }
0x9a: {  	s5 =	simm.s32 $_size__tile_overlayer_lowered;
	s6 =	simm.s32 $_tile_overlayer_lowered  }
0x9b: {  	s22 =	simm.s32 $0x1BFF;
	s21 =	sshll.u32 s6, $0x1;
	s3 =	sadd.s32 s4, s19  }
0x9c: {  	s7 =	simm.s32 $0x0;
	s20 =	sshll.u32 s5, $0x1;
	s5 =	sadd.s32 s21, s3  }
0x9d: {  	[timem:s7], [sflag:s22] =	dma.local [hbm:s5], s20  }
0x9e: {  	_ =	swait.ge [sflag:s22], s20  }
0x9f: {  	s4 =	ssub.s32 $0x0, s20;
	[sflag:s22] =	ssyncset.done $0x0  }
0xa0: {  	[sflag:s22] =	ssyncadd.s32 s4;
	_ =	sdelay $0x1  }
0xa1: {  	s23 =	simm.s32 $0x1B8B  }
0xa2: {  	_ =	swait.ge [sflag:s23], $0x1  }
0xa3: {  	[sflag:s23] =	ssyncset.done $0x0  }
0xa4: {  	s25 =	simm.s32 $0x1B8E;
	s24 =	sld [smem:$0x3FFE];
	[sflag:s23] =	ssyncadd.s32 $0xFFFFFFFF  }
0xa5: {  	s26 =	simm.s32 $execute0_lowered;
	[smem:$0x3FD2] =	sst s25  }
0xa6: {  	s5 =	sshll.u32 s26, $0x1;
	_ =	strace $0x80000046;
	[dreg:$0x1] =	wrdreg $0xFFFFFFFF  }
0xa7: {  	s28 =	simm.s32 $_size_execute0_lowered;
	s3 =	sadd.s32 s3, s5;
	[dreg:$0x0] =	wrdreg $0x0  }
0xa8: {  	s5 =	sshll.u32 s28, $0x1;
	[dreg:$0x2] =	wrdreg s3  }
0xa9: {  	[dreg:$0x3] =	wrdreg s5  }
0xaa: {  	[dreg:$0x4] =	wrdreg $0xC0  }
0xab: {  	_ =	task [dreg:s7], $0x5FFFF  }
0xac: {  	[dreg:$0x1] =	wrdreg $0xFFFFFFFF  }
0xad: {  	[dreg:$0x0] =	wrdreg $0x60  }
0xae: {  	[dreg:$0x2] =	wrdreg s2  }
0xaf: {  	[dreg:$0x3] =	wrdreg s24  }
0xb0: {  	[dreg:$0x4] =	wrdreg $0x9  }
0xb1: {  	_ =	task.clear_ibuf [dreg:s7], $0x5FFFF;
	_ =	strace $0x90000046  }
0xb2: {  	s29 =	simm.s32 $0x9;
	_ =	strace $0x80000048  }
0xb3: {  	_ =	swait.ge [sflag:s29], $0x1  }
0xb4: {  	[sflag:s29] =	ssyncadd.s32 $0xFFFFFFFF  }
0xb5: {  	_ =	strace $0x90000048  }
0xb6: {  	_ =	sfence  }
0xb7: {  	s30 =	sld [smem:$0x0];
	_ =	sdelay $0x2  }
0xb8: {  	s31 =	sshll.u32 s1, $0xD;
	s1 =	sshrl.u32 s1, $0x2  }
0xb9: {  	s3 =	sand.u32 $0x4000, s31;
	s1 =	sadd.s32 s1, s30  }
0xba: {  	s0 =	sor.u32 s3, s0;
	s1 =	sshll.u32 s1, $0x11  }
0xbb: {  	s0 =	sor.u32 s1, s0  }
0xbc: {  	s0 =	sadd.s32 $0x8F2B, s0  }
0xbd: {  	[sflag:s0] =	ssyncadd.remote.s32 $0x1  }
0xbe: {  	_ =	sfence.sel $0xFFFF  }
0xbf: {  	[dreg:$0x0] =	wrdreg $0xFFFFFFFF;
	(pc) =	sbr.abs _section_cstart, $3  }
0xc0: {  	[dreg:$0x1] =	wrdreg $0xFFFFFFFF  }
0xc1: {  	_ =	task.clear_ibuf [dreg:s7], $0x2FFFF;
	_ =	strace $0x9FFFFFFF  }
0xc2: {  	(tm) =	ssettm $0x7FFFFFFF  }
0xc3: {  	_ =	shalt  }
tec
execute0_lowered:
.L_overlay_start_1:
0x0: {  	(tag) =	ssettag $0x1  }
0x1: {  	v0 =	vimm.s32 $0x7654321  }
0x2: {  	v1 =	vunpack.c.l.s4.s8 v0  }
0x3: {  	v2 =	vimm.s32 $0x10765432  }
0x4: {  	v2 =	vunpack.c.l.s4.s8 v2;
	v1 =	vunpack.c.0.s8.s32 v1;
	_ =	sdelay $0x1  }
0x5: {  	v4 =	vimm.s32 $0x54321076;
	[tilespmem:$0x1FC20] =	vst v1;
	v1 =	vunpack.c.0.s8.s32 v2  }
0x6: {  	v5 =	vimm.s32 $0xECA8642;
	v6 =	vimm.s32 $0x65432107;
	vm1 =	vcmask $0x1B00  }
0x7: {  	vm2 =	vcmask $0x2B1C;
	v35 =	vimm.s32 $0x10161412;
	[tilespmem:$0x1FC30] =	vst v1;
	v1 =	vimm.s32 $0x21076543  }
0x8: {  	v36 =	vimm.s32 $0x181E1C1A;
	v38 =	vimm.s32 $0x11171513;
	v1 =	vunpack.c.l.s4.s8 v1  }
0x9: {  	v7 =	vimm.s32 $0xECA864;
	v0 =	vlaneseq.u32;
	v2 =	vimm.s32 $0x32107654  }
0xa: {  	v3 =	vand.u32 $0x7, v0;
	v2 =	vunpack.c.l.s4.s8 v2;
	v1 =	vunpack.c.0.s8.s32 v1  }
0xb: {  	vm0 =	vcmask $0x3B2C;
	v41 =	vimm.s32 $0x191F1D1B;
	v42 =	vimm.s32 $0xFDB975;
	[tilespmem:$0x1FC10] =	vst v3  }
0xc: {  	vm3 =	vcmask $0x2718;
	v3 =	vimm.s32 $0x43210765;
	[tilespmem:$0x1FC40] =	vst v1;
	v1 =	vunpack.c.0.s8.s32 v2  }
0xd: {  	v48 =	vimm.s32 $0x13111715;
	v10 =	vimm.s32 $0xECA86;
	v3 =	vunpack.c.l.s4.s8 v3  }
0xe: {  	v49 =	vimm.s32 $0x1B191F1D;
	v52 =	vimm.s32 $0x1C1A181E;
	[tilespmem:$0x1FC50] =	vst v1;
	v1 =	vunpack.c.l.s4.s8 v6  }
0xf: {  	v53 =	vimm.s32 $0xFDB97;
	v54 =	vimm.s32 $0x4020000;
	v2 =	vunpack.c.0.s8.s32 v3  }
0x10: {  	vm7 =	vcmask $0x3324;
	v4 =	vunpack.c.l.s4.s8 v4;
	v1 =	vunpack.c.0.s8.s32 v1  }
0x11: {  	vm6 =	vcmask $0x3F34;
	v57 =	vimm.s32 $0x1D1B191F;
	v59 =	vimm.s32 $0x6040200;
	[tilespmem:$0x1FC60] =	vst v2  }
0x12: {  	v5 =	vunpack.c.l.s4.s8 v5;
	v2 =	vunpack.c.0.s8.s32 v4;
	[tilespmem:$0x1FC80] =	vst v1;
	v1 =	vimm.s32 $0xFDB9753  }
0x13: {  	v60 =	vimm.s32 $0x1E1C1A18;
	v62 =	vimm.s32 $0x5030100;
	v1 =	vunpack.c.l.s4.s8 v1  }
0x14: {  	vm4 =	vcmask $0x1F10;
	v63 =	vimm.s32 $0xE0C0A08;
	[tilespmem:$0x1FC70] =	vst v2;
	v2 =	vunpack.c.0.s8.s32 v5  }
0x15: {  	v32 =	vimm.s32 $0x16141210;
	v33 =	vimm.s32 $0x7050301;
	v1 =	vunpack.c.0.s8.s32 v1  }
0x16: {  	v8 =	vunpack.c.0.s8.s32 v35;
	v37 =	vunpack.c.0.s8.s32 v36;
	v3 =	vand.u32 $0xF, v2  }
0x17: {  	v2 =	vnsel vm1, $0x0, v3;
	v39 =	vand.u32 $0xF, v1;
	v1 =	vunpack.c.l.s4.s8 v7  }
0x18: {  	v34 =	vimm.s32 $0x1F1D1B19;
	v9 =	vunpack.c.0.s8.s32 v38;
	v2 =	vsel vm2, v8, v2  }
0x19: {  	v2 =	vsel vm0, v37, v2;
	v40 =	vnsel vm1, $0x1, v39;
	v1 =	vunpack.c.0.s8.s32 v1  }
0x1a: {  	v10 =	vunpack.c.l.s4.s8 v10;
	[tilespmem:$0x1FCA0] =	vst v2;
	v7 =	vunpack.c.l.s4.s8 v42;
	v2 =	vsel vm2, v9, v40  }
0x1b: {  	vm2 =	vcmask $0x1700;
	v43 =	vand.u32 $0xF, v1;
	v1 =	vimm.s32 $0x12101614  }
0x1c: {  	v7 =	vunpack.c.0.s8.s32 v7;
	v46 =	vunpack.c.0.s8.s32 v1;
	v1 =	vimm.s32 $0x1A181E1C  }
0x1d: {  	v10 =	vunpack.c.0.s8.s32 v10;
	v45 =	vnsel vm2, $0x2, v43;
	v1 =	vunpack.c.0.s8.s32 v1  }
0x1e: {  	[tilespmem:$0x1FCB0] =	vst v9;
	vm1 =	vcmask $0x3728;
	v47 =	vand.u32 $0xF, v7;
	v9 =	vsel vm3, v46, v45  }
0x1f: {  	v50 =	vnsel vm2, $0x3, v47;
	vm2 =	vcmask $0x3B38;
	v1 =	vsel vm1, v1, v9  }
0x20: {  	v17 =	vimm.s32 $0xF0D0B09;
	v44 =	vunpack.c.0.s8.s32 v41;
	v1 =	vsel vm2, $0x0, v1  }
0x21: {  	v11 =	vunpack.c.0.s8.s32 v48;
	v51 =	vand.u32 $0xF, v10;
	[tilespmem:$0x1FCF0] =	vst v1;
	v1 =	vimm.s32 $0x14121016  }
0x22: {  	[tilespmem:$0x1FC90] =	vst v8;
	v8 =	vunpack.c.0.s8.s32 v52;
	v7 =	vunpack.c.0.s8.s32 v49;
	v1 =	vunpack.c.0.s8.s32 v1  }
0x23: {  	v2 =	vsel vm0, v44, v2;
	v9 =	vsel vm3, v11, v50;
	vm3 =	vcmask $0x2314  }
0x24: {  	v10 =	vunpack.c.0.s8.s32 v54;
	[tilespmem:$0x1FCE0] =	vst v2;
	v2 =	vsel vm1, v7, v9;
	v55 =	vsel vm3, v1, v51  }
0x25: {  	v9 =	vunpack.c.l.s4.s8 v53;
	v2 =	vsel vm2, $0x1, v2;
	v8 =	vsel vm7, v8, v55  }
0x26: {  	v18 =	vimm.s32 $0x17151311;
	v20 =	vimm.s32 $0x1E1C1A;
	[tilespmem:$0x1FD00] =	vst v2;
	v2 =	vsel vm6, v10, v8  }
0x27: {  	v58 =	vunpack.c.0.s8.s32 v57;
	v9 =	vunpack.c.0.s8.s32 v9;
	[tilespmem:$0x1FD10] =	vst v2;
	v2 =	vimm.s32 $0x15131117  }
0x28: {  	v13 =	vunpack.c.0.s8.s32 v59;
	v61 =	vunpack.c.0.s8.s32 v60;
	v2 =	vunpack.c.0.s8.s32 v2  }
0x29: {  	v15 =	vunpack.c.0.s8.s32 v62;
	v16 =	vunpack.c.0.s8.s32 v33;
	v56 =	vand.u32 $0xF, v9  }
0x2a: {  	v17 =	vunpack.c.0.s8.s32 v17;
	[tilespmem:$0x1FCD0] =	vst v11;
	v11 =	vunpack.c.0.s8.s32 v34;
	v12 =	vsel vm3, v2, v56  }
0x2b: {  	v10 =	vunpack.c.0.s8.s32 v32;
	v14 =	vsel vm7, v58, v12;
	v12 =	vunpack.c.0.s8.s32 v63  }
0x2c: {  	v28 =	vunpack.c.0.s8.s32 v20;
	v13 =	vsel vm4, v13, v61;
	v16 =	vsel vm4, v16, v11  }
0x2d: {  	v14 =	vsel vm6, v15, v14;
	v19 =	vsel vm4, v10, v12;
	v12 =	vunpack.c.0.s8.s32 v18  }
0x2e: {  	v15 =	vimm.s32 $0x18161412;
	v18 =	vimm.s32 $0x8060402;
	v13 =	vcombine.low v19, v13  }
0x2f: {  	[tilespmem:$0x1FD20] =	vst v14;
	v14 =	vimm.s32 $0x100E0C0A;
	v15 =	vunpack.c.0.s8.s32 v15;
	v17 =	vsel vm4, v12, v17  }
0x30: {  	v18 =	vunpack.c.0.s8.s32 v18;
	v14 =	vunpack.c.0.s8.s32 v14;
	[tilespmem:$0x1FD30] =	vst v13;
	v13 =	vcombine.low v17, v16  }
0x31: {  	v20 =	vimm.s32 $0x2001E1C;
	v16 =	vimm.s32 $0x9070503;
	v17 =	vimm.s32 $0x11F1D1B  }
0x32: {  	v14 =	vsel vm4, v15, v14;
	[tilespmem:$0x1FD40] =	vst v13;
	v13 =	vsel vm4, v18, v28;
	v18 =	vimm.s32 $0x110F0D0B  }
0x33: {  	v29 =	vunpack.c.0.s8.s32 v17;
	v17 =	vunpack.c.0.s8.s32 v18;
	v18 =	vimm.s32 $0x19171513  }
0x34: {  	v16 =	vunpack.c.0.s8.s32 v16;
	v13 =	vcombine.low v14, v13;
	v18 =	vunpack.c.0.s8.s32 v18  }
0x35: {  	v30 =	vunpack.c.0.s8.s32 v20;
	v20 =	vimm.s32 $0x1B191715  }
0x36: {  	v19 =	vimm.s32 $0xA080604;
	[tilespmem:$0x1FD50] =	vst v13;
	v13 =	vsel vm4, v16, v29;
	v14 =	vsel vm4, v18, v17  }
0x37: {  	v19 =	vunpack.c.0.s8.s32 v19;
	v16 =	vimm.s32 $0x1A181614;
	v13 =	vcombine.low v14, v13  }
0x38: {  	v20 =	vunpack.c.0.s8.s32 v20;
	v16 =	vunpack.c.0.s8.s32 v16;
	v14 =	vimm.s32 $0x12100E0C  }
0x39: {  	v14 =	vunpack.c.0.s8.s32 v14;
	[tilespmem:$0x1FD60] =	vst v13;
	v13 =	vsel vm4, v19, v30;
	v19 =	vimm.s32 $0x3011F1D  }
0x3a: {  	v17 =	vimm.s32 $0xB090705;
	v31 =	vunpack.c.0.s8.s32 v19;
	v19 =	vimm.s32 $0x13110F0D  }
0x3b: {  	v17 =	vunpack.c.0.s8.s32 v17;
	v14 =	vsel vm4, v16, v14;
	v19 =	vunpack.c.0.s8.s32 v19  }
0x3c: {  	v13 =	vcombine.low v14, v13  }
0x3d: {  	v21 =	vimm.s32 $0xC0A0806;
	v17 =	vsel vm4, v17, v31;
	v19 =	vsel vm4, v20, v19  }
0x3e: {  	v22 =	vimm.s32 $0x402001E;
	v23 =	vimm.s32 $0xECA86420;
	[tilespmem:$0x1FD70] =	vst v13;
	v13 =	vcombine.low v19, v17  }
0x3f: {  	v24 =	vimm.s32 $0x1513110F;
	v25 =	vimm.s32 $0x1D1B1917;
	v21 =	vunpack.c.0.s8.s32 v21  }
0x40: {  	v22 =	vunpack.c.0.s8.s32 v22;
	v17 =	vimm.s32 $0x1C1A1816;
	[tilespmem:$0x1FD80] =	vst v13;
	v13 =	vimm.s32 $0x1412100E  }
0x41: {  	v23 =	vunpack.c.l.s4.s8 v23;
	v17 =	vunpack.c.0.s8.s32 v17;
	v13 =	vunpack.c.0.s8.s32 v13  }
0x42: {  	v24 =	vunpack.c.0.s8.s32 v24;
	v25 =	vunpack.c.0.s8.s32 v25;
	v14 =	vsel vm4, v21, v22  }
0x43: {  	v21 =	vimm.s32 $0x503011F;
	v19 =	vimm.s32 $0xD0B0907;
	v13 =	vsel vm4, v17, v13  }
0x44: {  	v21 =	vunpack.c.0.s8.s32 v21;
	v19 =	vunpack.c.0.s8.s32 v19;
	v13 =	vcombine.low v13, v14  }
0x45: {  	v26 =	vimm.s32 $0xFDB97531  }
0x46: {  	v23 =	vunpack.c.0.s8.s32 v23;
	v14 =	vsel vm4, v25, v24;
	[tilespmem:$0x1FD90] =	vst v13;
	v13 =	vsel vm4, v19, v21  }
0x47: {  	v26 =	vunpack.c.l.s4.s8 v26;
	v13 =	vcombine.low v14, v13  }
0x48: {  	v23 =	vand.u32 $0xF, v23;
	v19 =	vsel vm4, v61, v10  }
0x49: {  	v24 =	vunpack.c.0.s8.s32 v26;
	[tilespmem:$0x1FDA0] =	vst v13;
	v13 =	vcombine.low v19, v23;
	_ =	sdelay $0x1  }
0x4a: {  	v14 =	vand.u32 $0xF, v24;
	[tilespmem:$0x1FDB0] =	vst v13;
	v13 =	vsel vm4, v11, v12  }
0x4b: {  	vm3 =	vcmask $0xF00;
	v13 =	vcombine.low v13, v14  }
0x4c: {  	v15 =	vnsel vm3, $0x10, v15  }
0x4d: {  	vm5 =	vcmask $0x3B20;
	[tilespmem:$0x1FDC0] =	vst v13;
	v13 =	vsel vm4, v28, v15  }
0x4e: {  	v3 =	vsel vm5, v3, v13  }
0x4f: {  	[tilespmem:$0x1FDE0] =	vst v3;
	v3 =	vnsel vm3, $0x11, v18  }
0x50: {  	v13 =	vnsel vm3, $0x12, v16;
	v3 =	vsel vm4, v29, v3  }
0x51: {  	vm8 =	vcmask $0x3720;
	v13 =	vsel vm4, v30, v13;
	v3 =	vsel vm5, v39, v3  }
0x52: {  	[tilespmem:$0x1FE10] =	vst v3;
	v3 =	vsel vm8, v43, v13  }
0x53: {  	v35 =	vnsel vm3, $0x13, v20;
	v3 =	vsel vm2, $0x10, v3  }
0x54: {  	[tilespmem:$0x1FE20] =	vst v3;
	v3 =	vsel vm4, v31, v35  }
0x55: {  	v36 =	vimm.s32 $0x14121000;
	v40 =	vimm.s32 $0x7531FDB9;
	v3 =	vsel vm8, v47, v3  }
0x56: {  	v37 =	vimm.s32 $0x6420ECA8;
	v42 =	vunpack.c.l.s4.s8 v40;
	v3 =	vsel vm2, $0x11, v3  }
0x57: {  	v4 =	vunpack.c.0.s8.s32 v36;
	[tilespmem:$0x1FE40] =	vst v3;
	v3 =	vunpack.c.l.s4.s8 v37  }
0x58: {  	v5 =	vunpack.c.0.s8.s32 v42;
	v41 =	vsel vm4, v21, v25;
	v38 =	vsel vm4, v22, v17  }
0x59: {  	vm5 =	vcmask $0x1F14;
	v39 =	vimm.s32 $0x15131100;
	v3 =	vunpack.c.0.s8.s32 v3  }
0x5a: {  	v4 =	vsel vm5, v4, v51;
	v6 =	vunpack.c.0.s8.s32 v39;
	v43 =	vimm.s32 $0x86420ECA  }
0x5b: {  	v7 =	vunpack.c.l.s4.s8 v43;
	vm4 =	vcmask $0x2F10;
	v3 =	vand.u32 $0xF, v3  }
0x5c: {  	v6 =	vsel vm5, v6, v56;
	vm5 =	vcmask $0x3F30;
	v3 =	vsel vm4, v3, v61  }
0x5d: {  	v44 =	vand.u32 $0xF, v5;
	v3 =	vsel vm5, v10, v3  }
0x5e: {  	v45 =	vunpack.c.0.s8.s32 v7;
	[tilespmem:$0x1FE70] =	vst v3;
	v3 =	vsel vm4, v44, v11  }
0x5f: {  	v48 =	vimm.s32 $0xCA86000E;
	v57 =	vimm.s32 $0x10FEDCBA;
	v3 =	vsel vm5, v12, v3  }
0x60: {  	v59 =	vimm.s32 $0xBA987654;
	v60 =	vimm.s32 $0xCBA98765;
	[tilespmem:$0x1FE80] =	vst v3;
	v3 =	vand.u32 $0xF, v45  }
0x61: {  	vm15 =	vcmask $0x2310;
	v62 =	vimm.s32 $0xDCBA9876;
	[tilespmem:$0x1FE90] =	vst v3;
	v3 =	vimm.s32 $0xA86400EC  }
0x62: {  	v54 =	vimm.s32 $0x1D1B1900;
	v4 =	vcombine.low v38, v4;
	v3 =	vunpack.c.l.s4.s8 v3  }
0x63: {  	v27 =	vmul.u32 $0x2, v0;
	v49 =	vimm.s32 $0xB97500FD;
	[tilespmem:$0x1FCC0] =	vst v46;
	v46 =	vimm.s32 $0x97530FDB  }
0x64: {  	[tilespmem:$0x1FE50] =	vst v4;
	v4 =	vcombine.low v41, v6;
	v47 =	vunpack.c.l.s4.s8 v46;
	v3 =	vunpack.c.0.s8.s32 v3  }
0x65: {  	v5 =	vunpack.c.l.s4.s8 v48;
	v50 =	vimm.s32 $0xDB97000F;
	v6 =	vunpack.c.l.s4.s8 v49  }
0x66: {  	v7 =	vunpack.c.l.s4.s8 v50;
	[tilespmem:$0x1FE60] =	vst v4;
	v4 =	vunpack.c.0.s8.s32 v47;
	v3 =	vand.u32 $0xF, v3  }
0x67: {  	v55 =	vimm.s32 $0xFEDCBA9;
	v51 =	vunpack.c.0.s8.s32 v5;
	[tilespmem:$0x1FEB0] =	vst v3;
	v3 =	vunpack.c.0.s8.s32 v6  }
0x68: {  	v5 =	vunpack.c.l.s4.s8 v55;
	v52 =	vunpack.c.0.s8.s32 v7;
	v4 =	vand.u32 $0xF, v4  }
0x69: {  	v56 =	vimm.s32 $0x87654321;
	[tilespmem:$0x1FEA0] =	vst v4;
	v4 =	vand.u32 $0xF, v51;
	v3 =	vand.u32 $0xF, v3  }
0x6a: {  	v14 =	vunpack.c.0.s8.s32 v5;
	v53 =	vand.u32 $0xF, v52;
	[tilespmem:$0x1FEC0] =	vst v3;
	v3 =	vsel vm15, v4, v22  }
0x6b: {  	[tilespmem:$0x1FDD0] =	vst v28;
	v61 =	vimm.s32 $0x543210FE;
	v1 =	vsel vm7, v1, v3;
	v3 =	vimm.s32 $0x1C1A1800  }
0x6c: {  	[tilespmem:$0x1FE00] =	vst v30;
	v6 =	vunpack.c.l.s4.s8 v56;
	v4 =	vsel vm15, v53, v21;
	v3 =	vunpack.c.0.s8.s32 v3  }
0x6d: {  	[tilespmem:$0x1FDF0] =	vst v29;
	v5 =	vunpack.c.l.s4.s8 v61;
	v2 =	vsel vm7, v2, v4;
	v4 =	vunpack.c.0.s8.s32 v54  }
0x6e: {  	s7 =	rddreg [dreg:$0x0];
	[tilespmem:$0x1FE30] =	vst v31;
	v16 =	vunpack.c.0.s8.s32 v6;
	v6 =	vunpack.c.l.s4.s8 v62;
	v1 =	vsel vm6, v3, v1  }
0x6f: {  	s5 =	rddreg [dreg:$0x1];
	s1 =	simm.s32 $0x0;
	v58 =	vimm.s32 $0x3210FEDC;
	v26 =	vunpack.c.0.s8.s32 v5;
	[tilespmem:$0x1FED0] =	vst v1;
	v1 =	vsel vm6, v4, v2  }
0x70: {  	[smem:$0x7FF] =	sst s1;
	v28 =	vunpack.c.0.s8.s32 v6;
	v3 =	vimm.s32 $0xA9876543;
	[tilespmem:$0x1FEE0] =	vst v1;
	v1 =	vunpack.c.l.s4.s8 v57  }
0x71: {  	s0 =	rddreg [dreg:$0x2];
	v2 =	vimm.s32 $0x98765432;
	v3 =	vunpack.c.l.s4.s8 v3;
	v4 =	vunpack.c.l.s4.s8 v58;
	_ =	strace $0x80000047;
	[tilespmem:$0x1FEF0] =	vst v27  }
0x72: {  	[tilespmem:$0x1FF10] =	vst v14;
	v18 =	vunpack.c.0.s8.s32 v1;
	v1 =	vunpack.c.l.s4.s8 v2;
	v2 =	vimm.s32 $0x210FEDCB  }
0x73: {  	v21 =	vunpack.c.0.s8.s32 v3;
	v22 =	vunpack.c.0.s8.s32 v4;
	[tilespmem:$0x1FF20] =	vst v16;
	v2 =	vunpack.c.l.s4.s8 v2  }
0x74: {  	v3 =	vimm.s32 $0x43210FED;
	[tilespmem:$0x1FFC0] =	vst v26;
	v19 =	vunpack.c.0.s8.s32 v1;
	v1 =	vunpack.c.l.s4.s8 v59  }
0x75: {  	v4 =	vunpack.c.l.s4.s8 v60;
	[tilespmem:$0x1FFD0] =	vst v28;
	v20 =	vunpack.c.0.s8.s32 v2;
	v2 =	vimm.s32 $0xFEDCBA98  }
0x76: {  	[tilespmem:$0x1FF60] =	vst v21;
	v23 =	vunpack.c.0.s8.s32 v1;
	v1 =	vimm.s32 $0x76543210;
	v2 =	vunpack.c.l.s4.s8 v2  }
0x77: {  	s6 =	srdreg.scid;
	s3 =	stileid.u32;
	v3 =	vunpack.c.l.s4.s8 v3;
	v25 =	vunpack.c.0.s8.s32 v4;
	[tilespmem:$0x1FF70] =	vst v22;
	v1 =	vunpack.c.l.s4.s8 v1  }
0x78: {  	s15 =	simm.s32 $0x17C00;
	s16 =	simm.s32 $0x1A400;
	s17 =	simm.s32 $0x0;
	[tilespmem:$0x1FF30] =	vst v18;
	v2 =	vunpack.c.0.s8.s32 v2  }
0x79: {  	s2 =	sadd.s32 $0x2AAE00, s5;
	s4 =	sadd.s32 $0x2E00, s5;
	s6 =	sand.u32 $0x1, s6;
	v24 =	vunpack.c.0.s8.s32 v3;
	[tilespmem:$0x1FFB0] =	vst v25;
	v1 =	vunpack.c.0.s8.s32 v1  }
0x7a: {  	s9 =	sshrl.u32 s3, $0x1;
	s5 =	sadd.s32 $0xACE00, s5;
	s10 =	smul.u32 $0xAA000, s6;
	[tilespmem:$0x1FF40] =	vst v19;
	v2 =	vand.u32 $0xF, v2  }
0x7b: {  	s13 =	sand.u32 $0x1, s3;
	s8 =	ssub.s32 $0x2, s6;
	s31 =	smul.u32 $0x2A8000, s6;
	v63 =	vimm.s32 $0x6543210F;
	[tilespmem:$0x1FFA0] =	vst v24;
	v51 =	vcombine.low v2, v1;
	v1 =	vimm.s32 $0xEDCBA987  }
0x7c: {  	s12 =	sshll.u32 s9, $0x7;
	s14 =	smul.u32 $0x550000, s6;
	p0 =	seq.s32 s13, $0x1;
	[tilespmem:$0x1FF50] =	vst v20;
	v2 =	vunpack.c.l.s4.s8 v63;
	v1 =	vunpack.c.l.s4.s8 v1  }
0x7d: {  	s6 =	simm.s32 $0xAA0;
	s9 =	smul.u32 $0xAA000, s9;
	s11 =	sshrl.u32 s8, $0x1;
	[tilespmem:$0x1FF80] =	vst v23  }
0x7e: {  	s13 =	simm.s32 $0x1;
	s6 =	simm.s32 @!p0 $0x0;
	s11 =	ssub.s32 s8, s11;
	v29 =	vunpack.c.0.s8.s32 v2;
	[tilespmem:$0x1FF90] =	vst v51;
	v31 =	vunpack.c.0.s8.s32 v1;
	v1 =	vor.u32 $0x1, v27  }
0x7f: {  	s30 =	sor.u32 s10, s12;
	s9 =	sadd.s32 s14, s9;
	s14 =	simm.s32 $0x15400;
	[tilespmem:$0x1FF00] =	vst v1  }
0x80: {  	s8 =	sshrl.u32 s30, $0x3;
	s10 =	smax.u32 s11, $0x1;
	s11 =	simm.s32 $0x80;
	[tilespmem:$0x1FFE0] =	vst v29  }
0x81: {  	s7 =	sadd.s32 s7, s8;
	s8 =	sor.u32 s12, s31;
	s12 =	simm.s32 $0x400;
	vm4 =	vcmask $0x2B10;
	vm5 =	vcmask $0x2710;
	[tilespmem:$0x1FFF0] =	vst v31  }
.LBB2_1:
0x82: {  	[tilespmem:s1], [sflag:$0x1] =	stream.strided.gather [hbm4b:s7+s11], $0x15400, s12, s11, $0x38;
	[tilespmem:$0x1F400] =	vst v63  }
0x83: {  	_ =	swait.ge [sflag:s13], $0x15400  }
0x84: {  	[sflag:s13] =	ssyncset.done $0x0  }
0x85: {  	s18 =	simm.s32 $0x0;
	[sflag:s13] =	ssyncadd.s32 $0xFFFEAC00  }
.LBB2_2:
0x86: {  	s19 =	smul.u32 $0xA0, s18;
	_ =	sdelay $0x1  }
0x87: {  	s19 =	sadd.s32 s6, s19  }
0x88: {  	s20 =	sshll.u32 s19, $0x9  }
0x89: {  	s20 =	sadd.s32 s8, s20  }
0x8a: {  	s20 =	sshrl.u32 s20, $0x3  }
0x8b: {  	s21 =	sadd.s32 s2, s20  }
0x8c: {  	[tilespmem:s14], [sflag:$0x1] =	stream.strided.gather [hbm4b:s21+s11], $0x2800, s12, s11, $0x38;
	[tilespmem:$0x1F400] =	vst v63  }
0x8d: {  	_ =	swait.ge [sflag:s13], $0x2800  }
0x8e: {  	[sflag:s13] =	ssyncset.done $0x0  }
0x8f: {  	s20 =	sadd.s32 s4, s20;
	[sflag:s13] =	ssyncadd.s32 $0xFFFFD800  }
0x90: {  	[tilespmem:s15], [sflag:$0x1] =	stream.strided.gather [hbm4b:s20+s11], $0x2800, s12, s11, $0x38;
	[tilespmem:$0x1F400] =	vst v63  }
0x91: {  	_ =	swait.ge [sflag:s13], $0x2800  }
0x92: {  	[sflag:s13] =	ssyncset.done $0x0  }
0x93: {  	s20 =	simm.s32 $0x0;
	[sflag:s13] =	ssyncadd.s32 $0xFFFFD800  }
.LBB2_3:
0x94: {  	s21 =	sshll.u32 s20, $0x4;
	v8 =	vld [tilespmem:$0x1FC10]  }
0x95: {  	v1 =	vor.u32 s21, v0  }
0x96: {  	v47 =	vld [tilespmem:$0x1FC20];
	v2 =	vshll.u32 v1, $0x7;
	_ =	sdelay $0x1  }
0x97: {  	v48 =	vld [tilespmem:$0x1FC30];
	v1 =	vshll.u32 v1, $0x6;
	v3 =	vor.u32 $0x1, v2  }
0x98: {  	v8 =	vor.u32 v8, v1  }
0x99: {  	v49 =	vld [tilespmem:$0x1FC40];
	v0 =	vimm.f32 $0.0e+00;
	v4 =	vor.u32 $0x2, v2;
	[tilespmem:$0x1F990] =	vst v8  }
0x9a: {  	v8 =	vor.u32 v47, v1;
	[tilespmem:v2+s16+$0x0] =	vst.idx.msk $0xffff, v0  }
0x9b: {  	v50 =	vld [tilespmem:$0x1FC50];
	v5 =	vor.u32 $0x3, v2;
	[tilespmem:$0x1F9A0] =	vst v8  }
0x9c: {  	v8 =	vor.u32 v48, v1;
	[tilespmem:v3+s16+$0x0] =	vst.idx.msk $0xffff, v0  }
0x9d: {  	v52 =	vld [tilespmem:$0x1FC60];
	v6 =	vor.u32 $0x4, v2;
	[tilespmem:$0x1F9B0] =	vst v8  }
0x9e: {  	v8 =	vor.u32 v49, v1;
	[tilespmem:v4+s16+$0x0] =	vst.idx.msk $0xffff, v0  }
0x9f: {  	v53 =	vld [tilespmem:$0x1FC70];
	v7 =	vor.u32 $0x5, v2;
	[tilespmem:$0x1F9C0] =	vst v8  }
0xa0: {  	v54 =	vld [tilespmem:$0x1FC80];
	v8 =	vor.u32 v50, v1;
	[tilespmem:v5+s16+$0x0] =	vst.idx.msk $0xffff, v0  }
0xa1: {  	[tilespmem:$0x1F9D0] =	vst v8  }
0xa2: {  	v55 =	vld [tilespmem:$0x1FEF0];
	v60 =	vor.u32 $0x6, v2;
	v8 =	vor.u32 v52, v1;
	[tilespmem:v6+s16+$0x0] =	vst.idx.msk $0xffff, v0  }
0xa3: {  	[tilespmem:$0x1F9E0] =	vst v8  }
0xa4: {  	v56 =	vld [tilespmem:$0x1FF00];
	v61 =	vor.u32 $0x7, v2;
	v8 =	vor.u32 v53, v1;
	[tilespmem:v7+s16+$0x0] =	vst.idx.msk $0xffff, v0  }
0xa5: {  	v1 =	vor.u32 v54, v1;
	[tilespmem:$0x1F9F0] =	vst v8  }
0xa6: {  	v57 =	vld [tilespmem:$0x1FCA0];
	v62 =	vor.u32 $0x8, v2;
	[tilespmem:$0x1FA00] =	vst v1  }
0xa7: {  	v1 =	vor.u32 v55, v2;
	[tilespmem:v60+s16+$0x0] =	vst.idx.msk $0xffff, v0  }
0xa8: {  	v58 =	vld [tilespmem:$0x1FCE0];
	v63 =	vor.u32 $0x9, v2;
	[tilespmem:$0x1FA10] =	vst v1  }
0xa9: {  	v1 =	vor.u32 v56, v2;
	[tilespmem:v61+s16+$0x0] =	vst.idx.msk $0xffff, v0  }
0xaa: {  	v59 =	vld [tilespmem:$0x1FCF0];
	v9 =	vor.u32 $0xA, v2;
	[tilespmem:$0x1FA20] =	vst v1  }
0xab: {  	v1 =	vor.u32 v57, v2;
	[tilespmem:v62+s16+$0x0] =	vst.idx.msk $0xffff, v0  }
0xac: {  	v10 =	vor.u32 $0xB, v2;
	[tilespmem:$0x1FA30] =	vst v1  }
0xad: {  	v11 =	vor.u32 $0xC, v2;
	v60 =	vld [tilespmem:$0x1FD00];
	v1 =	vor.u32 v58, v2;
	[tilespmem:v63+s16+$0x0] =	vst.idx.msk $0xffff, v0  }
0xae: {  	[tilespmem:$0x1FA40] =	vst v1  }
0xaf: {  	v32 =	vor.u32 $0xD, v2;
	v61 =	vld [tilespmem:$0x1FD10];
	v1 =	vor.u32 v59, v2;
	[tilespmem:v9+s16+$0x0] =	vst.idx.msk $0xffff, v0  }
0xb0: {  	[tilespmem:$0x1FA50] =	vst v1  }
0xb1: {  	v33 =	vor.u32 $0xE, v2;
	v62 =	vld [tilespmem:$0x1FD20];
	[tilespmem:v10+s16+$0x0] =	vst.idx.msk $0xffff, v0  }
0xb2: {  	v1 =	vor.u32 v60, v2;
	[tilespmem:v11+s16+$0x0] =	vst.idx.msk $0xffff, v0  }
0xb3: {  	v34 =	vor.u32 $0xF, v2;
	v63 =	vld [tilespmem:$0x1FD30];
	[tilespmem:$0x1FA60] =	vst v1  }
0xb4: {  	v1 =	vor.u32 v61, v2;
	[tilespmem:v32+s16+$0x0] =	vst.idx.msk $0xffff, v0  }
0xb5: {  	v35 =	vor.u32 $0x10, v2;
	v8 =	vld [tilespmem:$0x1FD40];
	[tilespmem:$0x1FA70] =	vst v1  }
0xb6: {  	v1 =	vor.u32 v62, v2;
	[tilespmem:v33+s16+$0x0] =	vst.idx.msk $0xffff, v0  }
0xb7: {  	v36 =	vor.u32 $0x11, v2;
	v9 =	vld [tilespmem:$0x1FD50];
	[tilespmem:$0x1FA80] =	vst v1  }
0xb8: {  	v1 =	vor.u32 v63, v2;
	[tilespmem:v34+s16+$0x0] =	vst.idx.msk $0xffff, v0  }
0xb9: {  	v37 =	vor.u32 $0x12, v2;
	v10 =	vld [tilespmem:$0x1FD60];
	[tilespmem:$0x1FA90] =	vst v1  }
0xba: {  	v1 =	vor.u32 v8, v2;
	[tilespmem:v35+s16+$0x0] =	vst.idx.msk $0xffff, v0  }
0xbb: {  	v38 =	vor.u32 $0x13, v2;
	v11 =	vld [tilespmem:$0x1FD70];
	[tilespmem:$0x1FAA0] =	vst v1  }
0xbc: {  	v1 =	vor.u32 v9, v2;
	[tilespmem:v36+s16+$0x0] =	vst.idx.msk $0xffff, v0  }
0xbd: {  	v39 =	vor.u32 $0x14, v2;
	v32 =	vld [tilespmem:$0x1FD80];
	[tilespmem:$0x1FAB0] =	vst v1  }
0xbe: {  	v1 =	vor.u32 v10, v2;
	[tilespmem:v37+s16+$0x0] =	vst.idx.msk $0xffff, v0  }
0xbf: {  	v40 =	vor.u32 $0x15, v2;
	v33 =	vld [tilespmem:$0x1FD90];
	[tilespmem:$0x1FAC0] =	vst v1  }
0xc0: {  	v47 =	vld [tilespmem:$0x1FE80];
	v1 =	vor.u32 v11, v2;
	[tilespmem:v38+s16+$0x0] =	vst.idx.msk $0xffff, v0  }
0xc1: {  	v41 =	vor.u32 $0x16, v2;
	v34 =	vld [tilespmem:$0x1FDA0];
	[tilespmem:$0x1FAD0] =	vst v1  }
0xc2: {  	v48 =	vld [tilespmem:$0x1FE00];
	v1 =	vor.u32 v32, v2;
	[tilespmem:v39+s16+$0x0] =	vst.idx.msk $0xffff, v0  }
0xc3: {  	v42 =	vor.u32 $0x17, v2;
	v35 =	vld [tilespmem:$0x1FDB0];
	[tilespmem:$0x1FAE0] =	vst v1  }
0xc4: {  	v49 =	vld [tilespmem:$0x1FDF0];
	v1 =	vor.u32 v33, v2;
	[tilespmem:v40+s16+$0x0] =	vst.idx.msk $0xffff, v0  }
0xc5: {  	v43 =	vor.u32 $0x18, v2;
	v36 =	vld [tilespmem:$0x1FDC0];
	[tilespmem:$0x1FAF0] =	vst v1  }
0xc6: {  	v50 =	vld [tilespmem:$0x1FEB0];
	v1 =	vor.u32 v34, v2;
	[tilespmem:v41+s16+$0x0] =	vst.idx.msk $0xffff, v0  }
0xc7: {  	v44 =	vor.u32 $0x19, v2;
	v37 =	vld [tilespmem:$0x1FDE0];
	[tilespmem:$0x1FB00] =	vst v1  }
0xc8: {  	v52 =	vld [tilespmem:$0x1FE30];
	v1 =	vor.u32 v35, v2;
	[tilespmem:v42+s16+$0x0] =	vst.idx.msk $0xffff, v0  }
0xc9: {  	v45 =	vor.u32 $0x1A, v2;
	v38 =	vld [tilespmem:$0x1FE10];
	[tilespmem:$0x1FB10] =	vst v1  }
0xca: {  	v53 =	vld [tilespmem:$0x1FEA0];
	v1 =	vor.u32 v36, v2;
	[tilespmem:v43+s16+$0x0] =	vst.idx.msk $0xffff, v0  }
0xcb: {  	v46 =	vor.u32 $0x1B, v2;
	v39 =	vld [tilespmem:$0x1FE20];
	[tilespmem:$0x1FB20] =	vst v1  }
0xcc: {  	v41 =	vld [tilespmem:$0x1FE40];
	v1 =	vor.u32 v37, v2;
	[tilespmem:v44+s16+$0x0] =	vst.idx.msk $0xffff, v0  }
0xcd: {  	v54 =	vld [tilespmem:$0x1FCC0];
	[tilespmem:$0x1FB30] =	vst v1  }
0xce: {  	v5 =	vor.u32 $0x1C, v2;
	v42 =	vld [tilespmem:$0x1FE50];
	v1 =	vor.u32 v38, v2;
	[tilespmem:v45+s16+$0x0] =	vst.idx.msk $0xffff, v0  }
0xcf: {  	v55 =	vld [tilespmem:$0x1FEC0];
	[tilespmem:$0x1FB40] =	vst v1  }
0xd0: {  	v3 =	vor.u32 $0x1D, v2;
	v40 =	vld [tilespmem:$0x1FDD0];
	v1 =	vor.u32 v39, v2;
	[tilespmem:v46+s16+$0x0] =	vst.idx.msk $0xffff, v0  }
0xd1: {  	v6 =	vor.u32 $0x1E, v2;
	v44 =	vld [tilespmem:$0x1FE60];
	[tilespmem:$0x1FB50] =	vst v1;
	v4 =	vor.u32 v41, v2  }
0xd2: {  	v43 =	vld [tilespmem:$0x1FE90];
	[tilespmem:$0x1FB60] =	vst v4  }
0xd3: {  	v7 =	vor.u32 $0x1F, v2;
	v45 =	vld [tilespmem:$0x1FE70];
	v4 =	vor.u32 v42, v2;
	[tilespmem:v5+s16+$0x0] =	vst.idx.msk $0xffff, v0  }
0xd4: {  	v46 =	vld [tilespmem:$0x1FC90];
	[tilespmem:$0x1FB70] =	vst v4  }
0xd5: {  	v56 =	vld [tilespmem:$0x1FCB0];
	[tilespmem:v3+s16+$0x0] =	vst.idx.msk $0xffff, v0  }
0xd6: {  	v62 =	vld [tilespmem:$0x1FED0];
	v4 =	vor.u32 v44, v2;
	[tilespmem:v6+s16+$0x0] =	vst.idx.msk $0xffff, v0  }
0xd7: {  	v57 =	vld [tilespmem:$0x1FCD0];
	v1 =	vnsel vm3, $0x18, v40;
	[tilespmem:$0x1FB80] =	vst v4  }
0xd8: {  	v63 =	vld [tilespmem:$0x1FEE0];
	v1 =	vsel vm4, v43, v1;
	v3 =	vnsel vm3, $0x19, v49;
	v4 =	vor.u32 v45, v2;
	[tilespmem:v7+s16+$0x0] =	vst.idx.msk $0xffff, v0  }
0xd9: {  	v3 =	vsel vm4, v53, v3;
	[tilespmem:$0x1FB90] =	vst v4;
	v1 =	vsel vm0, v46, v1;
	v4 =	vor.u32 v47, v2  }
0xda: {  	v3 =	vsel vm0, v56, v3;
	[tilespmem:$0x1FBA0] =	vst v4;
	v1 =	vor.u32 v1, v2;
	v4 =	vnsel vm3, $0x1B, v52  }
0xdb: {  	v0 =	vor.u32 v62, v2;
	[tilespmem:$0x1FBB0] =	vst v1;
	v1 =	vnsel vm3, $0x1A, v48;
	v4 =	vsel vm5, v55, v4  }
0xdc: {  	v58 =	vor.u32 v3, v2;
	[tilespmem:$0x1FBF0] =	vst v0;
	v1 =	vsel vm5, v50, v1;
	v4 =	vsel vm1, v57, v4  }
0xdd: {  	v0 =	vor.u32 v63, v2;
	[tilespmem:$0x1FBC0] =	vst v58;
	v1 =	vsel vm1, v54, v1;
	v60 =	vsel vm2, $0x19, v4  }
0xde: {  	[tilespmem:$0x1FC00] =	vst v0;
	v1 =	vsel vm2, $0x18, v1;
	v61 =	vor.u32 v60, v2  }
0xdf: {  	v59 =	vor.u32 v1, v2;
	[tilespmem:$0x1FBE0] =	vst v61  }
0xe0: {  	s21 =	simm.s32 $0x0;
	[tilespmem:$0x1FBD0] =	vst v59  }
.LBB2_4:
0xe1: {  	v0 =	vld [tilespmem:$0x1F990]  }
0xe2: {  	v9 =	vld [tilespmem:$0x1F9A0]  }
0xe3: {  	v10 =	vld [tilespmem:$0x1F9B0]  }
0xe4: {  	v11 =	vld [tilespmem:$0x1F9C0]  }
0xe5: {  	v32 =	vld [tilespmem:$0x1F9D0]  }
0xe6: {  	v35 =	vld [tilespmem:$0x1FA00]  }
0xe7: {  	v33 =	vld [tilespmem:$0x1F9E0];
	v2 =	vor.u32 s21, v0  }
0xe8: {  	v34 =	vld [tilespmem:$0x1F9F0];
	v3 =	vor.u32 s21, v9  }
0xe9: {  	v42 =	vcombine.low v23, v22;
	v4 =	vor.u32 s21, v10  }
0xea: {  	v5 =	vor.u32 s21, v11  }
0xeb: {  	v6 =	vor.u32 s21, v32;
	v9 =	vor.u32 s21, v35;
	v35 =	vand.u32 $0xF, v42;
	v42 =	vld [tilespmem:$0x1FF90]  }
0xec: {  	v7 =	vor.u32 s21, v33;
	v11 =	vld.idx.msk [tilespmem:v2+s14+$0x0], $0xffff  }
0xed: {  	v8 =	vor.u32 s21, v34;
	v12 =	vld.idx.msk [tilespmem:v3+s14+$0x0], $0xffff  }
0xee: {  	v59 =	vld.idx.msk [tilespmem:v4+s14+$0x0], $0xffff  }
0xef: {  	v55 =	vld.idx.msk [tilespmem:v5+s14+$0x0], $0xffff  }
0xf0: {  	v54 =	vld.idx.msk [tilespmem:v6+s14+$0x0], $0xffff  }
0xf1: {  	v49 =	vld.idx.msk [tilespmem:v7+s14+$0x0], $0xffff  }
0xf2: {  	v10 =	vld.idx.msk [tilespmem:v8+s14+$0x0], $0xffff  }
0xf3: {  	v43 =	vld.idx.msk [tilespmem:v9+s14+$0x0], $0xffff  }
0xf4: {  	v56 =	vld.idx.msk [tilespmem:v2+s15+$0x0], $0xffff  }
0xf5: {  	v36 =	vcombine.low v16, v14;
	v58 =	vld.idx.msk [tilespmem:v3+s15+$0x0], $0xffff  }
0xf6: {  	v38 =	vlaneseq.u32;
	v37 =	vcombine.low v19, v18;
	v47 =	vld.idx.msk [tilespmem:v7+s15+$0x0], $0xffff  }
0xf7: {  	v40 =	vcombine.low v21, v20;
	v15 =	vand.u32 $0xF, v36;
	v60 =	vld.idx.msk [tilespmem:v4+s15+$0x0], $0xffff;
	v39 =	vadd.s32 v38, v11  }
0xf8: {  	v17 =	vand.u32 $0xF, v37;
	v61 =	vld.idx.msk [tilespmem:v5+s15+$0x0], $0xffff;
	v44 =	vadd.s32 v15, v11  }
0xf9: {  	v48 =	vcombine.low v25, v24;
	v30 =	vand.u32 $0xF, v40;
	v53 =	vld.idx.msk [tilespmem:v9+s15+$0x0], $0xffff;
	v45 =	vadd.s32 v17, v11  }
0xfa: {  	v52 =	vcombine.low v28, v26;
	v41 =	vld.idx.msk [tilespmem:v6+s15+$0x0], $0xffff;
	v46 =	vadd.s32 v30, v11  }
0xfb: {  	v50 =	vld.idx.msk [tilespmem:v8+s15+$0x0], $0xffff;
	v9 =	vand.u32 $0xF, v48;
	[tilespmem:$0x1F920] =	vst v47;
	v47 =	vadd.s32 v35, v11  }
0xfc: {  	v33 =	vcombine.low v14, v16;
	v13 =	vand.u32 $0xF, v52;
	v32 =	vadd.s32 v9, v11;
	v6 =	vld.idx.msk [tilespmem:v39+s1+$0x0], $0xffff  }
0xfd: {  	v36 =	vcombine.low v20, v21;
	v48 =	vadd.s32 v13, v11;
	v63 =	vld.idx.msk [tilespmem:v44+s1+$0x0], $0xffff  }
0xfe: {  	v8 =	vand.u32 $0xF, v33;
	[tilespmem:$0x1F940] =	vst v53;
	v16 =	vadd.s32 v51, v11;
	v53 =	vld.idx.msk [tilespmem:v45+s1+$0x0], $0xffff  }
0xff: {  	v34 =	vcombine.low v18, v19;
	v3 =	vand.u32 $0xF, v36;
	v18 =	vadd.s32 v8, v11;
	v52 =	vld.idx.msk [tilespmem:v46+s1+$0x0], $0xffff  }
0x100: {  	v37 =	vcombine.low v22, v23;
	v22 =	vadd.s32 v3, v11;
	v51 =	vld.idx.msk [tilespmem:v47+s1+$0x0], $0xffff  }
0x101: {  	v57 =	vcombine.low v31, v29;
	[tilespmem:$0x1F930] =	vst v50;
	v27 =	vadd.s32 v15, v12;
	v50 =	vld.idx.msk [tilespmem:v32+s1+$0x0], $0xffff  }
0x102: {  	v38 =	vcombine.low v24, v25;
	v24 =	vcombine.low v29, v31;
	v29 =	vadd.s32 v30, v12;
	v40 =	vld.idx.msk [tilespmem:v48+s1+$0x0], $0xffff  }
0x103: {  	[tilespmem:$0x1F910] =	vst v41;
	v41 =	vadd.s32 v35, v12;
	v19 =	vld.idx.msk [tilespmem:v16+s1+$0x0], $0xffff  }
0x104: {  	v31 =	vadd.s32 v9, v12;
	v18 =	vld.idx.msk [tilespmem:v18+s1+$0x0], $0xffff  }
0x105: {  	v4 =	vadd.s32 v8, v12;
	v22 =	vld.idx.msk [tilespmem:v22+s1+$0x0], $0xffff  }
0x106: {  	v1 =	vlaneseq.u32;
	v2 =	vadd.s32 v35, v59;
	v27 =	vld.idx.msk [tilespmem:v27+s1+$0x0], $0xffff  }
0x107: {  	v46 =	vand.u32 $0xF, v24;
	v24 =	vadd.s32 v1, v12;
	v29 =	vld.idx.msk [tilespmem:v29+s1+$0x0], $0xffff  }
0x108: {  	v44 =	vand.u32 $0xF, v57;
	v39 =	vcombine.low v26, v28;
	v28 =	vadd.s32 v17, v12;
	v57 =	vld.idx.msk [tilespmem:v41+s1+$0x0], $0xffff  }
0x109: {  	v32 =	vadd.s32 v13, v12;
	v31 =	vld.idx.msk [tilespmem:v31+s1+$0x0], $0xffff  }
0x10a: {  	v45 =	vand.u32 $0xF, v34;
	v34 =	vadd.s32 v42, v12;
	v5 =	vld.idx.msk [tilespmem:v4+s1+$0x0], $0xffff  }
0x10b: {  	v47 =	vand.u32 $0xF, v37;
	v37 =	vadd.s32 v3, v12;
	v2 =	vld.idx.msk [tilespmem:v2+s1+$0x0], $0xffff  }
0x10c: {  	v41 =	vadd.s32 v1, v59;
	v24 =	vld.idx.msk [tilespmem:v24+s1+$0x0], $0xffff  }
0x10d: {  	v14 =	vadd.s32 v44, v11;
	v28 =	vld.idx.msk [tilespmem:v28+s1+$0x0], $0xffff  }
0x10e: {  	v56 =	vadd.s32 $0x8000, v56;
	v58 =	vadd.s32 $0x8000, v58;
	v20 =	vadd.s32 v45, v11;
	v32 =	vld.idx.msk [tilespmem:v32+s1+$0x0], $0xffff  }
0x10f: {  	v60 =	vadd.s32 $0x8000, v60;
	v48 =	vand.u32 $0xF, v38;
	v23 =	vadd.s32 v47, v11;
	v34 =	vld.idx.msk [tilespmem:v34+s1+$0x0], $0xffff  }
0x110: {  	v42 =	vand.u32 $0xFFFF0000, v56;
	v56 =	vshrl.u32 v56, $0x10;
	v25 =	vadd.s32 v48, v11;
	v37 =	vld.idx.msk [tilespmem:v37+s1+$0x0], $0xffff  }
0x111: {  	v33 =	vadd.s32 v44, v12;
	v36 =	vadd.s32 v45, v12;
	v38 =	vadd.s32 v47, v12;
	v41 =	vld.idx.msk [tilespmem:v41+s1+$0x0], $0xffff  }
0x112: {  	v42 =	vor.u32 v56, v42;
	v56 =	vand.u32 $0xFFFF0000, v58;
	v58 =	vshrl.u32 v58, $0x10;
	v21 =	vld.idx.msk [tilespmem:v14+s1+$0x0], $0xffff  }
0x113: {  	v0 =	vor.u32 v58, v56;
	v56 =	vand.u32 $0xFFFF0000, v60;
	v58 =	vshrl.u32 v60, $0x10;
	v20 =	vld.idx.msk [tilespmem:v20+s1+$0x0], $0xffff  }
0x114: {  	v60 =	vadd.s32 $0x8000, v61;
	v61 =	vadd.s32 v13, v59;
	v14 =	vand.u32 $0xF, v39;
	v23 =	vld.idx.msk [tilespmem:v23+s1+$0x0], $0xffff  }
0x115: {  	v25 =	vld.idx.msk [tilespmem:v25+s1+$0x0], $0xffff;
	v26 =	vadd.s32 v14, v11;
	v11 =	vadd.s32 v46, v11  }
0x116: {  	v33 =	vld.idx.msk [tilespmem:v33+s1+$0x0], $0xffff;
	v39 =	vadd.s32 v48, v12;
	v7 =	vadd.s32 v14, v12;
	v12 =	vadd.s32 v46, v12  }
0x117: {  	v36 =	vld.idx.msk [tilespmem:v36+s1+$0x0], $0xffff  }
0x118: {  	v38 =	vld.idx.msk [tilespmem:v38+s1+$0x0], $0xffff  }
0x119: {  	[tilespmem:$0x1F870] =	vst v57;
	v57 =	vadd.s32 v17, v59;
	v61 =	vld.idx.msk [tilespmem:v61+s1+$0x0], $0xffff  }
0x11a: {  	v62 =	vld.idx.msk [tilespmem:v11+s1+$0x0], $0xffff  }
0x11b: {  	v16 =	vmov v3;
	v3 =	vadd.s32 v15, v59;
	v58 =	vor.u32 v58, v56;
	v4 =	vld.idx.msk [tilespmem:v12+s1+$0x0], $0xffff  }
0x11c: {  	[tilespmem:$0x1F880] =	vst v5;
	v5 =	vadd.s32 v30, v59;
	v11 =	vld.idx.msk [tilespmem:v7+s1+$0x0], $0xffff;
	v7 =	vand.u32 $0xFFFF0000, v60;
	v60 =	vshrl.u32 v60, $0x10  }
0x11d: {  	v63 =	vmul.bf16 v63, v42;
	v27 =	vmul.bf16 v27, v0;
	v56 =	vor.u32 v60, v7;
	v7 =	vld [tilespmem:$0x1FF90]  }
0x11e: {  	v53 =	vmul.bf16 v53, v42;
	v57 =	vld.idx.msk [tilespmem:v57+s1+$0x0], $0xffff  }
0x11f: {  	v52 =	vmul.bf16 v52, v42;
	v27 =	vadd.bf16 v27, v63;
	v63 =	vadd.s32 v30, v55;
	v39 =	vld.idx.msk [tilespmem:v39+s1+$0x0], $0xffff  }
0x120: {  	v29 =	vmul.bf16 v29, v0;
	v26 =	vld.idx.msk [tilespmem:v26+s1+$0x0], $0xffff;
	[tilespmem:$0x1F8A0] =	vst v4;
	v4 =	vadd.s32 v9, v59  }
0x121: {  	v28 =	vmul.bf16 v28, v0;
	[tilespmem:$0x1F890] =	vst v11;
	v11 =	vld.idx.msk [tilespmem:v3+s1+$0x0], $0xffff;
	v3 =	vadd.s32 v44, v59  }
0x122: {  	v40 =	vmul.bf16 v40, v42;
	v32 =	vmul.bf16 v32, v0;
	v12 =	vld.idx.msk [tilespmem:v5+s1+$0x0], $0xffff;
	v1 =	vadd.s32 v7, v59  }
0x123: {  	v29 =	vadd.bf16 v29, v52;
	v52 =	vadd.s32 v9, v55;
	v28 =	vadd.bf16 v28, v53;
	v53 =	vld [tilespmem:$0x1F870]  }
0x124: {  	v50 =	vmul.bf16 v50, v42;
	v31 =	vmul.bf16 v31, v0;
	v32 =	vadd.bf16 v32, v40;
	v40 =	vld.idx.msk [tilespmem:v63+s1+$0x0], $0xffff  }
0x125: {  	[tilespmem:$0x1F8B0] =	vst v2;
	v2 =	vadd.s32 v8, v59;
	v51 =	vmul.bf16 v51, v42;
	v4 =	vld.idx.msk [tilespmem:v4+s1+$0x0], $0xffff  }
0x126: {  	v19 =	vmul.bf16 v19, v42;
	v31 =	vadd.bf16 v31, v50;
	v34 =	vmul.bf16 v34, v0;
	v3 =	vld.idx.msk [tilespmem:v3+s1+$0x0], $0xffff  }
0x127: {  	v50 =	vadd.s32 v44, v55;
	v21 =	vmul.bf16 v21, v42;
	v33 =	vmul.bf16 v33, v0;
	v1 =	vld.idx.msk [tilespmem:v1+s1+$0x0], $0xffff  }
0x128: {  	v5 =	vadd.s32 v16, v59;
	v19 =	vadd.bf16 v34, v19;
	v34 =	vmul.bf16 v36, v0;
	v36 =	vld.idx.msk [tilespmem:v52+s1+$0x0], $0xffff  }
0x129: {  	v20 =	vmul.bf16 v20, v42;
	v52 =	vadd.s32 v45, v55;
	v21 =	vadd.bf16 v33, v21;
	v33 =	vld [tilespmem:$0x1F880]  }
0x12a: {  	v63 =	vld [tilespmem:$0x1FF90];
	v60 =	vmul.bf16 v6, v42;
	v6 =	vmul.bf16 v22, v42;
	[tilespmem:$0x1F8C0] =	vst v4;
	v4 =	vadd.s32 v45, v59  }
0x12b: {  	v22 =	vld.idx.msk [tilespmem:v2+s1+$0x0], $0xffff;
	v20 =	vadd.bf16 v34, v20;
	[tilespmem:$0x1F8D0] =	vst v3;
	v3 =	vadd.s32 v47, v59  }
0x12c: {  	v34 =	vmul.bf16 v38, v0;
	v38 =	vld.idx.msk [tilespmem:v50+s1+$0x0], $0xffff;
	[tilespmem:$0x1F8E0] =	vst v1;
	v1 =	vadd.s32 v48, v59  }
0x12d: {  	v18 =	vmul.bf16 v18, v42;
	v23 =	vmul.bf16 v23, v42;
	v2 =	vadd.s32 v14, v59;
	v5 =	vld.idx.msk [tilespmem:v5+s1+$0x0], $0xffff  }
0x12e: {  	v50 =	vadd.s32 v47, v55;
	v26 =	vmul.bf16 v26, v42;
	v52 =	vld.idx.msk [tilespmem:v52+s1+$0x0], $0xffff;
	v33 =	vmul.bf16 v33, v0  }
0x12f: {  	v63 =	vadd.s32 v63, v55;
	v7 =	vmul.bf16 v25, v42;
	v25 =	vld.idx.msk [tilespmem:v4+s1+$0x0], $0xffff;
	v4 =	vmul.bf16 v24, v0  }
0x130: {  	v42 =	vmul.bf16 v62, v42;
	v62 =	vadd.s32 v15, v55;
	v18 =	vadd.bf16 v33, v18;
	v3 =	vld.idx.msk [tilespmem:v3+s1+$0x0], $0xffff  }
0x131: {  	v33 =	vmul.bf16 v37, v0;
	v60 =	vadd.bf16 v4, v60;
	v4 =	vld.idx.msk [tilespmem:v1+s1+$0x0], $0xffff;
	v1 =	vadd.s32 v17, v55  }
0x132: {  	v2 =	vld.idx.msk [tilespmem:v2+s1+$0x0], $0xffff  }
0x133: {  	v53 =	vmul.bf16 v53, v0;
	v50 =	vld.idx.msk [tilespmem:v50+s1+$0x0], $0xffff;
	v6 =	vadd.bf16 v33, v6  }
0x134: {  	v33 =	vmul.bf16 v39, v0;
	v39 =	vld.idx.msk [tilespmem:v63+s1+$0x0], $0xffff;
	v63 =	vadd.s32 v48, v55;
	v24 =	vlaneseq.u32  }
0x135: {  	v51 =	vadd.bf16 v53, v51;
	v53 =	vld.idx.msk [tilespmem:v62+s1+$0x0], $0xffff;
	v24 =	vadd.s32 v24, v55  }
0x136: {  	v12 =	vmul.bf16 v12, v58;
	v62 =	vadd.s32 v13, v55;
	[tilespmem:$0x1F8F0] =	vst v3;
	v3 =	vld.idx.msk [tilespmem:v1+s1+$0x0], $0xffff  }
0x137: {  	v11 =	vmul.bf16 v11, v58;
	[tilespmem:$0x1F900] =	vst v2;
	v2 =	vadd.s32 v35, v55;
	v7 =	vadd.bf16 v33, v7;
	v33 =	vld [tilespmem:$0x1F890]  }
0x138: {  	v57 =	vmul.bf16 v57, v58;
	v23 =	vadd.bf16 v34, v23;
	v12 =	vadd.bf16 v12, v29;
	v29 =	vld [tilespmem:$0x1FA10]  }
0x139: {  	v34 =	vmul.bf16 v41, v58;
	v41 =	vadd.s32 v14, v55;
	v11 =	vadd.bf16 v11, v27;
	v27 =	vld.idx.msk [tilespmem:v63+s1+$0x0], $0xffff  }
0x13a: {  	v59 =	vadd.s32 v46, v59;
	v24 =	vld.idx.msk [tilespmem:v24+s1+$0x0], $0xffff  }
0x13b: {  	v28 =	vadd.bf16 v57, v28;
	v37 =	vld.idx.msk [tilespmem:v62+s1+$0x0], $0xffff;
	v62 =	vadd.s32 v16, v55;
	v3 =	vmul.bf16 v3, v56  }
0x13c: {  	v2 =	vld.idx.msk [tilespmem:v2+s1+$0x0], $0xffff;
	v33 =	vmul.bf16 v33, v0  }
0x13d: {  	v1 =	vadd.s32 v8, v55;
	v3 =	vadd.bf16 v3, v28;
	v28 =	vld [tilespmem:$0x1FA20]  }
0x13e: {  	v26 =	vadd.bf16 v33, v26;
	v33 =	vld.idx.msk [tilespmem:v41+s1+$0x0], $0xffff;
	v55 =	vadd.s32 v46, v55  }
0x13f: {  	v59 =	vld.idx.msk [tilespmem:v59+s1+$0x0], $0xffff;
	v34 =	vadd.bf16 v34, v60;
	v24 =	vmul.bf16 v24, v56  }
0x140: {  	v60 =	vld.idx.msk [tilespmem:v62+s1+$0x0], $0xffff  }
0x141: {  	v62 =	vld [tilespmem:$0x1F8A0];
	v24 =	vadd.bf16 v24, v34  }
0x142: {  	v1 =	vld.idx.msk [tilespmem:v1+s1+$0x0], $0xffff  }
0x143: {  	v34 =	vld.idx.msk [tilespmem:v55+s1+$0x0], $0xffff;
	v63 =	vshll.u32 v24, $0x10  }
0x144: {  	v24 =	vand.u32 $0xFFFF0000, v24;
	[tilespmem:v29+s16+$0x0] =	vst.idx.add.f32.msk $0xffff, v63  }
0x145: {  	[tilespmem:v28+s16+$0x0] =	vst.idx.add.f32.msk $0xffff, v24;
	v24 =	vmul.bf16 v40, v56  }
0x146: {  	v55 =	vld [tilespmem:$0x1FA30]  }
0x147: {  	v12 =	vadd.bf16 v24, v12;
	v24 =	vld [tilespmem:$0x1FA40]  }
0x148: {  	v0 =	vmul.bf16 v62, v0;
	v62 =	vmul.bf16 v53, v56;
	v53 =	vld [tilespmem:$0x1F8C0]  }
0x149: {  	v29 =	vld [tilespmem:$0x1F8B0];
	_ =	sdelay $0x1  }
0x14a: {  	v11 =	vadd.bf16 v62, v11;
	_ =	sdelay $0x1  }
0x14b: {  	v28 =	vshll.u32 v11, $0x10  }
0x14c: {  	v29 =	vmul.bf16 v29, v58;
	v40 =	vmul.bf16 v53, v58;
	v11 =	vand.u32 $0xFFFF0000, v11;
	[tilespmem:v55+s16+$0x0] =	vst.idx.add.f32.msk $0xffff, v28  }
0x14d: {  	[tilespmem:v24+s16+$0x0] =	vst.idx.add.f32.msk $0xffff, v11  }
0x14e: {  	v2 =	vmul.bf16 v2, v56;
	v29 =	vadd.bf16 v29, v51;
	v24 =	vadd.bf16 v40, v31;
	v31 =	vld [tilespmem:$0x1FA50];
	_ =	sdelay $0x1  }
0x14f: {  	v2 =	vadd.bf16 v2, v29;
	v29 =	vld [tilespmem:$0x1FA60];
	_ =	sdelay $0x2  }
0x150: {  	v62 =	vmul.bf16 v36, v56;
	v28 =	vmul.bf16 v61, v58;
	_ =	sdelay $0x1  }
0x151: {  	v57 =	vshll.u32 v3, $0x10;
	v28 =	vadd.bf16 v28, v32;
	v32 =	vadd.bf16 v62, v24;
	v24 =	vld [tilespmem:$0x1FA80]  }
0x152: {  	[tilespmem:v31+s16+$0x0] =	vst.idx.add.f32.msk $0xffff, v57  }
0x153: {  	v3 =	vand.u32 $0xFFFF0000, v3;
	v31 =	vld [tilespmem:$0x1FA70]  }
0x154: {  	[tilespmem:v29+s16+$0x0] =	vst.idx.add.f32.msk $0xffff, v3  }
0x155: {  	v29 =	vld [tilespmem:$0x1F8D0];
	_ =	sdelay $0x4  }
0x156: {  	v63 =	vshll.u32 v12, $0x10;
	v29 =	vmul.bf16 v29, v58  }
0x157: {  	[tilespmem:v31+s16+$0x0] =	vst.idx.add.f32.msk $0xffff, v63  }
0x158: {  	v12 =	vand.u32 $0xFFFF0000, v12;
	v21 =	vadd.bf16 v29, v21;
	v29 =	vld [tilespmem:$0x1FA90]  }
0x159: {  	[tilespmem:v24+s16+$0x0] =	vst.idx.add.f32.msk $0xffff, v12  }
0x15a: {  	v24 =	vld [tilespmem:$0x1F8E0];
	_ =	sdelay $0x1  }
0x15b: {  	v22 =	vmul.bf16 v22, v58  }
0x15c: {  	v36 =	vmul.bf16 v37, v56  }
0x15d: {  	v18 =	vadd.bf16 v22, v18;
	v22 =	vld [tilespmem:$0x1FAD0]  }
0x15e: {  	v11 =	vadd.bf16 v36, v28;
	v28 =	vld [tilespmem:$0x1FAA0];
	v12 =	vshll.u32 v2, $0x10;
	v24 =	vmul.bf16 v24, v58  }
0x15f: {  	[tilespmem:v29+s16+$0x0] =	vst.idx.add.f32.msk $0xffff, v12;
	v12 =	vmul.bf16 v38, v56  }
0x160: {  	v1 =	vmul.bf16 v1, v56;
	v19 =	vadd.bf16 v24, v19;
	v24 =	vld [tilespmem:$0x1FAB0]  }
0x161: {  	v38 =	vadd.bf16 v12, v21;
	v12 =	vmul.bf16 v39, v56;
	v21 =	vld [tilespmem:$0x1FAC0]  }
0x162: {  	v1 =	vadd.bf16 v1, v18;
	v18 =	vld [tilespmem:$0x1FB00]  }
0x163: {  	v41 =	vadd.bf16 v12, v19;
	v12 =	vld [tilespmem:$0x1FAE0]  }
0x164: {  	v19 =	vld [tilespmem:$0x1FAF0]  }
0x165: {  	v53 =	vld [tilespmem:$0x1F8F0]  }
0x166: {  	v36 =	vld [tilespmem:$0x1F900];
	v2 =	vand.u32 $0xFFFF0000, v2  }
0x167: {  	v37 =	vshll.u32 v32, $0x10;
	[tilespmem:v28+s16+$0x0] =	vst.idx.add.f32.msk $0xffff, v2  }
0x168: {  	v3 =	vand.u32 $0xFFFF0000, v32;
	[tilespmem:v24+s16+$0x0] =	vst.idx.add.f32.msk $0xffff, v37  }
0x169: {  	v40 =	vshll.u32 v11, $0x10;
	[tilespmem:v21+s16+$0x0] =	vst.idx.add.f32.msk $0xffff, v3  }
0x16a: {  	v11 =	vand.u32 $0xFFFF0000, v11;
	[tilespmem:v22+s16+$0x0] =	vst.idx.add.f32.msk $0xffff, v40  }
0x16b: {  	v0 =	vadd.bf16 v0, v42;
	v42 =	vshll.u32 v38, $0x10;
	v21 =	vmul.bf16 v25, v58;
	[tilespmem:v12+s16+$0x0] =	vst.idx.add.f32.msk $0xffff, v11  }
0x16c: {  	v2 =	vand.u32 $0xFFFF0000, v38;
	[tilespmem:v19+s16+$0x0] =	vst.idx.add.f32.msk $0xffff, v42  }
0x16d: {  	v51 =	vmul.bf16 v52, v56;
	v12 =	vadd.bf16 v21, v20;
	[tilespmem:v18+s16+$0x0] =	vst.idx.add.f32.msk $0xffff, v2  }
0x16e: {  	v18 =	vld [tilespmem:$0x1FB10]  }
0x16f: {  	v5 =	vmul.bf16 v5, v58;
	v55 =	vadd.bf16 v51, v12;
	v12 =	vld [tilespmem:$0x1FB20]  }
0x170: {  	v4 =	vmul.bf16 v4, v58  }
0x171: {  	v5 =	vadd.bf16 v5, v6;
	v6 =	vmul.bf16 v53, v58;
	v53 =	vmul.bf16 v33, v56;
	v33 =	vld [tilespmem:$0x1FBD0]  }
0x172: {  	v4 =	vadd.bf16 v4, v7;
	v7 =	vmul.bf16 v36, v58;
	v36 =	vld [tilespmem:$0x1FBE0]  }
0x173: {  	v63 =	vld [tilespmem:$0x1FB40]  }
0x174: {  	v37 =	vld [tilespmem:$0x1FB50]  }
0x175: {  	v62 =	vmul.bf16 v50, v56;
	v50 =	vmul.bf16 v59, v58;
	v52 =	vshll.u32 v41, $0x10;
	v58 =	vld [tilespmem:$0x1FB90]  }
0x176: {  	v3 =	vand.u32 $0xFFFF0000, v41;
	[tilespmem:v18+s16+$0x0] =	vst.idx.add.f32.msk $0xffff, v52  }
0x177: {  	[tilespmem:v12+s16+$0x0] =	vst.idx.add.f32.msk $0xffff, v3  }
0x178: {  	v12 =	vld [tilespmem:$0x1FB30]  }
0x179: {  	v40 =	vld [tilespmem:$0x1FB60]  }
0x17a: {  	v42 =	vadd.bf16 v7, v26;
	v7 =	vld [tilespmem:$0x1FBC0]  }
0x17b: {  	v57 =	vmul.bf16 v60, v56;
	v51 =	vld [tilespmem:$0x1FB70]  }
0x17c: {  	v39 =	vmul.bf16 v27, v56;
	v59 =	vadd.bf16 v53, v42;
	v53 =	vld [tilespmem:$0x1FF90]  }
0x17d: {  	v61 =	vadd.bf16 v57, v5;
	v32 =	vshll.u32 v55, $0x10;
	v2 =	vand.u32 $0xFFFF0000, v55;
	v55 =	vld [tilespmem:$0x1FB80]  }
0x17e: {  	v52 =	vadd.bf16 v39, v4;
	v39 =	vld [tilespmem:$0x1FBF0]  }
0x17f: {  	v60 =	vshll.u32 v1, $0x10;
	v41 =	vshll.u32 v61, $0x10;
	v3 =	vand.u32 $0xFFFF0000, v61;
	v61 =	vld [tilespmem:$0x1FBA0]  }
0x180: {  	v1 =	vand.u32 $0xFFFF0000, v1;
	[tilespmem:v12+s16+$0x0] =	vst.idx.add.f32.msk $0xffff, v60  }
0x181: {  	[tilespmem:v63+s16+$0x0] =	vst.idx.add.f32.msk $0xffff, v1  }
0x182: {  	v63 =	vld [tilespmem:$0x1FBB0]  }
0x183: {  	v6 =	vadd.bf16 v6, v23;
	[tilespmem:v37+s16+$0x0] =	vst.idx.add.f32.msk $0xffff, v32  }
0x184: {  	[tilespmem:v40+s16+$0x0] =	vst.idx.add.f32.msk $0xffff, v2  }
0x185: {  	v38 =	vadd.bf16 v62, v6;
	[tilespmem:v51+s16+$0x0] =	vst.idx.add.f32.msk $0xffff, v41  }
0x186: {  	v41 =	vld [tilespmem:$0x1FC00]  }
0x187: {  	v57 =	vshll.u32 v38, $0x10;
	[tilespmem:v55+s16+$0x0] =	vst.idx.add.f32.msk $0xffff, v3  }
0x188: {  	v1 =	vand.u32 $0xFFFF0000, v38;
	[tilespmem:v58+s16+$0x0] =	vst.idx.add.f32.msk $0xffff, v57  }
0x189: {  	v0 =	vadd.bf16 v50, v0;
	v62 =	vshll.u32 v52, $0x10;
	v60 =	vmul.bf16 v34, v56;
	[tilespmem:v61+s16+$0x0] =	vst.idx.add.f32.msk $0xffff, v1  }
0x18a: {  	v2 =	vand.u32 $0xFFFF0000, v52;
	[tilespmem:v63+s16+$0x0] =	vst.idx.add.f32.msk $0xffff, v62  }
0x18b: {  	v11 =	vshll.u32 v59, $0x10;
	v0 =	vadd.bf16 v60, v0;
	v32 =	vlaneseq.u32;
	[tilespmem:v7+s16+$0x0] =	vst.idx.add.f32.msk $0xffff, v2  }
0x18c: {  	v3 =	vand.u32 $0xFFFF0000, v59;
	v2 =	vadd.s32 v32, v54;
	[tilespmem:v33+s16+$0x0] =	vst.idx.add.f32.msk $0xffff, v11  }
0x18d: {  	v34 =	vadd.s32 v15, v54;
	v37 =	vshll.u32 v0, $0x10;
	[tilespmem:v36+s16+$0x0] =	vst.idx.add.f32.msk $0xffff, v3  }
0x18e: {  	v38 =	vadd.s32 v17, v54;
	v0 =	vand.u32 $0xFFFF0000, v0;
	[tilespmem:v39+s16+$0x0] =	vst.idx.add.f32.msk $0xffff, v37  }
0x18f: {  	v40 =	vadd.s32 v30, v54;
	[tilespmem:v41+s16+$0x0] =	vst.idx.add.f32.msk $0xffff, v0  }
0x190: {  	v42 =	vadd.s32 v35, v54;
	v41 =	vld [tilespmem:$0x1FF90]  }
0x191: {  	v50 =	vadd.s32 v9, v54;
	v2 =	vld.idx.msk [tilespmem:v2+s1+$0x0], $0xffff  }
0x192: {  	v51 =	vadd.s32 v13, v54;
	v1 =	vld.idx.msk [tilespmem:v34+s1+$0x0], $0xffff  }
0x193: {  	v52 =	vadd.s32 v44, v54;
	v59 =	vld.idx.msk [tilespmem:v38+s1+$0x0], $0xffff  }
0x194: {  	v55 =	vadd.s32 v53, v54;
	v62 =	vld.idx.msk [tilespmem:v40+s1+$0x0], $0xffff  }
0x195: {  	v12 =	vadd.s32 v8, v54;
	v0 =	vld.idx.msk [tilespmem:v42+s1+$0x0], $0xffff  }
0x196: {  	v18 =	vadd.s32 v45, v54;
	v63 =	vld.idx.msk [tilespmem:v50+s1+$0x0], $0xffff  }
0x197: {  	v19 =	vadd.s32 v16, v54;
	v58 =	vld.idx.msk [tilespmem:v51+s1+$0x0], $0xffff  }
0x198: {  	v20 =	vadd.s32 v47, v54;
	v7 =	vld.idx.msk [tilespmem:v52+s1+$0x0], $0xffff  }
0x199: {  	v21 =	vadd.s32 v48, v54;
	v11 =	vld.idx.msk [tilespmem:v55+s1+$0x0], $0xffff  }
0x19a: {  	v22 =	vadd.s32 v14, v54;
	v12 =	vld.idx.msk [tilespmem:v12+s1+$0x0], $0xffff  }
0x19b: {  	v23 =	vadd.s32 v46, v54;
	v6 =	vlaneseq.u32;
	v18 =	vld.idx.msk [tilespmem:v18+s1+$0x0], $0xffff  }
0x19c: {  	v24 =	vadd.s32 v6, v49;
	v19 =	vld.idx.msk [tilespmem:v19+s1+$0x0], $0xffff  }
0x19d: {  	v25 =	vadd.s32 v15, v49;
	v20 =	vld.idx.msk [tilespmem:v20+s1+$0x0], $0xffff  }
0x19e: {  	v26 =	vadd.s32 v17, v49;
	v61 =	vld.idx.msk [tilespmem:v21+s1+$0x0], $0xffff  }
0x19f: {  	v27 =	vadd.s32 v30, v49;
	v22 =	vld.idx.msk [tilespmem:v22+s1+$0x0], $0xffff  }
0x1a0: {  	v28 =	vadd.s32 v35, v49;
	v23 =	vld.idx.msk [tilespmem:v23+s1+$0x0], $0xffff  }
0x1a1: {  	v29 =	vadd.s32 v9, v49;
	v24 =	vld.idx.msk [tilespmem:v24+s1+$0x0], $0xffff  }
0x1a2: {  	v31 =	vadd.s32 v13, v49;
	v25 =	vld.idx.msk [tilespmem:v25+s1+$0x0], $0xffff  }
0x1a3: {  	v26 =	vld.idx.msk [tilespmem:v26+s1+$0x0], $0xffff  }
0x1a4: {  	v53 =	vadd.s32 v47, v49;
	v27 =	vld.idx.msk [tilespmem:v27+s1+$0x0], $0xffff  }
0x1a5: {  	v39 =	vadd.s32 v48, v49;
	v28 =	vld.idx.msk [tilespmem:v28+s1+$0x0], $0xffff  }
0x1a6: {  	v40 =	vadd.s32 v44, v49;
	v29 =	vld.idx.msk [tilespmem:v29+s1+$0x0], $0xffff  }
0x1a7: {  	v50 =	vadd.s32 v8, v49;
	v31 =	vld.idx.msk [tilespmem:v31+s1+$0x0], $0xffff  }
0x1a8: {  	v51 =	vadd.s32 v45, v49;
	v55 =	vld [tilespmem:$0x1F910]  }
0x1a9: {  	v52 =	vadd.s32 v16, v49;
	v38 =	vld.idx.msk [tilespmem:v53+s1+$0x0], $0xffff  }
0x1aa: {  	v39 =	vld.idx.msk [tilespmem:v39+s1+$0x0], $0xffff  }
0x1ab: {  	v53 =	vadd.s32 v17, v10;
	v17 =	vadd.s32 v17, v43;
	v32 =	vld.idx.msk [tilespmem:v40+s1+$0x0], $0xffff  }
0x1ac: {  	v42 =	vadd.s32 v41, v49;
	v34 =	vld.idx.msk [tilespmem:v50+s1+$0x0], $0xffff  }
0x1ad: {  	v57 =	vmov v14;
	v41 =	vadd.s32 v46, v49;
	v54 =	vld.idx.msk [tilespmem:v51+s1+$0x0], $0xffff  }
0x1ae: {  	v21 =	vmov v57;
	v40 =	vadd.s32 v57, v49;
	v57 =	vld.idx.msk [tilespmem:v52+s1+$0x0], $0xffff  }
0x1af: {  	v49 =	vadd.s32 v6, v10;
	v6 =	vld [tilespmem:$0x1F920]  }
0x1b0: {  	v51 =	vadd.s32 v15, v10;
	v17 =	vld.idx.msk [tilespmem:v17+s1+$0x0], $0xffff  }
0x1b1: {  	v15 =	vadd.s32 v15, v43;
	v3 =	vld.idx.msk [tilespmem:v42+s1+$0x0], $0xffff  }
0x1b2: {  	v56 =	vadd.s32 $0x8000, v55;
	v41 =	vld.idx.msk [tilespmem:v41+s1+$0x0], $0xffff  }
0x1b3: {  	v60 =	vand.u32 $0xFFFF0000, v56;
	v42 =	vshrl.u32 v56, $0x10;
	v40 =	vld.idx.msk [tilespmem:v40+s1+$0x0], $0xffff  }
0x1b4: {  	v56 =	vadd.s32 v35, v10;
	v42 =	vor.u32 v42, v60;
	v60 =	vld [tilespmem:$0x1F930]  }
0x1b5: {  	v36 =	vld.idx.msk [tilespmem:v51+s1+$0x0], $0xffff  }
0x1b6: {  	v33 =	vadd.s32 $0x8000, v6;
	v51 =	vadd.s32 v13, v10;
	v15 =	vld.idx.msk [tilespmem:v15+s1+$0x0], $0xffff;
	v13 =	vadd.s32 v13, v43  }
0x1b7: {  	v37 =	vand.u32 $0xFFFF0000, v33;
	v52 =	vshrl.u32 v33, $0x10;
	v33 =	vld.idx.msk [tilespmem:v49+s1+$0x0], $0xffff  }
0x1b8: {  	[tilespmem:$0x1F970] =	vst v57;
	v57 =	vor.u32 v52, v37;
	v37 =	vld.idx.msk [tilespmem:v53+s1+$0x0], $0xffff;
	v53 =	vadd.s32 v44, v10  }
0x1b9: {  	v52 =	vadd.s32 v9, v10;
	v9 =	vadd.s32 v9, v43;
	v56 =	vld.idx.msk [tilespmem:v56+s1+$0x0], $0xffff  }
0x1ba: {  	[tilespmem:$0x1F950] =	vst v3;
	v3 =	vmul.bf16 v2, v42;
	v2 =	vadd.s32 v21, v10;
	v5 =	vadd.s32 $0x8000, v60;
	v60 =	vld [tilespmem:$0x1F940]  }
0x1bb: {  	[tilespmem:$0x1F960] =	vst v54;
	v54 =	vadd.s32 v30, v10;
	v13 =	vld.idx.msk [tilespmem:v13+s1+$0x0], $0xffff;
	v50 =	vand.u32 $0xFFFF0000, v5;
	v6 =	vshrl.u32 v5, $0x10  }
0x1bc: {  	v59 =	vmul.bf16 v59, v42;
	v26 =	vmul.bf16 v26, v57;
	v50 =	vor.u32 v6, v50;
	v6 =	vld [tilespmem:$0x1FF90]  }
0x1bd: {  	v7 =	vmul.bf16 v7, v42;
	v53 =	vld.idx.msk [tilespmem:v53+s1+$0x0], $0xffff  }
0x1be: {  	v24 =	vmul.bf16 v24, v57;
	v26 =	vadd.bf16 v26, v59;
	v59 =	vadd.s32 v45, v43;
	v9 =	vld.idx.msk [tilespmem:v9+s1+$0x0], $0xffff  }
0x1bf: {  	v28 =	vmul.bf16 v28, v57;
	v2 =	vld.idx.msk [tilespmem:v2+s1+$0x0], $0xffff;
	v4 =	vadd.s32 $0x8000, v60;
	v60 =	vadd.s32 v8, v10  }
0x1c0: {  	v14 =	vmovc v8;
	v8 =	vld.idx.msk [tilespmem:v51+s1+$0x0], $0xffff;
	v51 =	vadd.s32 v16, v10;
	v5 =	vand.u32 $0xFFFF0000, v4;
	v55 =	vshrl.u32 v4, $0x10  }
0x1c1: {  	v4 =	vmul.bf16 v1, v42;
	v49 =	vor.u32 v55, v5;
	v55 =	vld.idx.msk [tilespmem:v54+s1+$0x0], $0xffff;
	v54 =	vadd.s32 v6, v10  }
0x1c2: {  	v5 =	vmul.bf16 v62, v42;
	v62 =	vld.idx.msk [tilespmem:v52+s1+$0x0], $0xffff;
	v52 =	vadd.s32 v45, v10;
	v6 =	vmul.bf16 v0, v42  }
0x1c3: {  	v59 =	vld.idx.msk [tilespmem:v59+s1+$0x0], $0xffff;
	v1 =	vadd.s32 v48, v10;
	v45 =	vadd.s32 v16, v43;
	v16 =	vadd.s32 v21, v43  }
0x1c4: {  	v21 =	vld [tilespmem:$0x1FA10];
	v6 =	vadd.bf16 v28, v6;
	v28 =	vmul.bf16 v31, v57;
	v31 =	vmul.bf16 v32, v57  }
0x1c5: {  	v25 =	vmul.bf16 v25, v57;
	v0 =	vadd.s32 v47, v10;
	v47 =	vadd.s32 v47, v43;
	v60 =	vld.idx.msk [tilespmem:v60+s1+$0x0], $0xffff  }
0x1c6: {  	v7 =	vadd.bf16 v31, v7;
	v31 =	vmul.bf16 v34, v57;
	v34 =	vadd.s32 v14, v43;
	v14 =	vld [tilespmem:$0x1F960]  }
0x1c7: {  	v4 =	vadd.bf16 v25, v4;
	[tilespmem:$0x1F980] =	vst v8;
	v8 =	vmul.bf16 v61, v42;
	v61 =	vld.idx.msk [tilespmem:v52+s1+$0x0], $0xffff  }
0x1c8: {  	v25 =	vmul.bf16 v27, v57;
	v52 =	vadd.s32 v46, v10;
	v10 =	vld.idx.msk [tilespmem:v51+s1+$0x0], $0xffff;
	v51 =	vlaneseq.u32  }
0x1c9: {  	v24 =	vadd.bf16 v24, v3;
	v3 =	vld.idx.msk [tilespmem:v1+s1+$0x0], $0xffff;
	v51 =	vadd.s32 v51, v43  }
0x1ca: {  	v63 =	vmul.bf16 v63, v42;
	v5 =	vadd.bf16 v25, v5;
	v25 =	vmul.bf16 v29, v57;
	v54 =	vld.idx.msk [tilespmem:v54+s1+$0x0], $0xffff  }
0x1cb: {  	v58 =	vmul.bf16 v58, v42;
	v0 =	vld.idx.msk [tilespmem:v0+s1+$0x0], $0xffff  }
0x1cc: {  	v27 =	vadd.s32 v30, v43;
	v25 =	vadd.bf16 v25, v63;
	v63 =	vmul.bf16 v38, v57;
	v38 =	vld.idx.msk [tilespmem:v47+s1+$0x0], $0xffff  }
0x1cd: {  	v30 =	vadd.s32 v35, v43;
	v28 =	vadd.bf16 v28, v58;
	v58 =	vmul.bf16 v14, v57;
	v14 =	vld [tilespmem:$0x1F970]  }
0x1ce: {  	v32 =	vadd.s32 v44, v43;
	v29 =	vld.idx.msk [tilespmem:v51+s1+$0x0], $0xffff  }
0x1cf: {  	v12 =	vmul.bf16 v12, v42;
	v51 =	vld [tilespmem:$0x1FF90]  }
0x1d0: {  	v18 =	vmul.bf16 v18, v42;
	v16 =	vld.idx.msk [tilespmem:v16+s1+$0x0], $0xffff  }
0x1d1: {  	v19 =	vmul.bf16 v19, v42;
	v33 =	vmul.bf16 v33, v50;
	v27 =	vld.idx.msk [tilespmem:v27+s1+$0x0], $0xffff;
	v12 =	vadd.bf16 v31, v12  }
0x1d2: {  	v30 =	vld.idx.msk [tilespmem:v30+s1+$0x0], $0xffff;
	v18 =	vadd.bf16 v58, v18;
	v58 =	vadd.s32 v48, v43;
	v31 =	vmul.bf16 v14, v57  }
0x1d3: {  	v20 =	vmul.bf16 v20, v42;
	v24 =	vadd.bf16 v33, v24;
	v32 =	vld.idx.msk [tilespmem:v32+s1+$0x0], $0xffff;
	v14 =	vadd.s32 v46, v43  }
0x1d4: {  	v1 =	vld.idx.msk [tilespmem:v52+s1+$0x0], $0xffff;
	v52 =	vadd.s32 v51, v43;
	v19 =	vadd.bf16 v31, v19;
	v31 =	vmul.bf16 v39, v57  }
0x1d5: {  	v20 =	vadd.bf16 v63, v20;
	v63 =	vmul.bf16 v36, v50;
	v34 =	vld.idx.msk [tilespmem:v34+s1+$0x0], $0xffff;
	v29 =	vmul.bf16 v29, v49  }
0x1d6: {  	v8 =	vadd.bf16 v31, v8;
	v31 =	vmul.bf16 v40, v57;
	v40 =	vld.idx.msk [tilespmem:v45+s1+$0x0], $0xffff  }
0x1d7: {  	v15 =	vmul.bf16 v15, v49;
	v4 =	vadd.bf16 v63, v4;
	v24 =	vadd.bf16 v29, v24;
	v29 =	vld.idx.msk [tilespmem:v58+s1+$0x0], $0xffff  }
0x1d8: {  	v14 =	vld.idx.msk [tilespmem:v14+s1+$0x0], $0xffff  }
0x1d9: {  	v4 =	vadd.bf16 v15, v4;
	v15 =	vmul.bf16 v17, v49;
	v17 =	vshll.u32 v24, $0x10;
	v52 =	vld.idx.msk [tilespmem:v52+s1+$0x0], $0xffff  }
0x1da: {  	[tilespmem:v21+s16+$0x0] =	vst.idx.add.f32.msk $0xffff, v17  }
0x1db: {  	v21 =	vld [tilespmem:$0x1FA20];
	_ =	sdelay $0x4  }
0x1dc: {  	v17 =	vmul.bf16 v56, v50;
	_ =	sdelay $0x1  }
0x1dd: {  	v24 =	vand.u32 $0xFFFF0000, v24;
	v6 =	vadd.bf16 v17, v6;
	v17 =	vld [tilespmem:$0x1FA30]  }
0x1de: {  	[tilespmem:v21+s16+$0x0] =	vst.idx.add.f32.msk $0xffff, v24  }
0x1df: {  	v21 =	vld [tilespmem:$0x1FA40];
	_ =	sdelay $0x5  }
0x1e0: {  	v24 =	vshll.u32 v4, $0x10  }
0x1e1: {  	v4 =	vand.u32 $0xFFFF0000, v4;
	[tilespmem:v17+s16+$0x0] =	vst.idx.add.f32.msk $0xffff, v24  }
0x1e2: {  	[tilespmem:v21+s16+$0x0] =	vst.idx.add.f32.msk $0xffff, v4  }
0x1e3: {  	v21 =	vld [tilespmem:$0x1FA50]  }
0x1e4: {  	v37 =	vmul.bf16 v37, v50;
	_ =	sdelay $0x1  }
0x1e5: {  	v26 =	vadd.bf16 v37, v26;
	_ =	sdelay $0x1  }
0x1e6: {  	v15 =	vadd.bf16 v15, v26  }
0x1e7: {  	v11 =	vmul.bf16 v11, v42  }
0x1e8: {  	v22 =	vmul.bf16 v22, v42;
	v23 =	vmul.bf16 v23, v42;
	v42 =	vshll.u32 v15, $0x10  }
0x1e9: {  	[tilespmem:v21+s16+$0x0] =	vst.idx.add.f32.msk $0xffff, v42  }
0x1ea: {  	v21 =	vld [tilespmem:$0x1FA60];
	_ =	sdelay $0x6  }
0x1eb: {  	v15 =	vand.u32 $0xFFFF0000, v15  }
0x1ec: {  	v22 =	vadd.bf16 v31, v22;
	v31 =	vmul.bf16 v41, v57;
	[tilespmem:v21+s16+$0x0] =	vst.idx.add.f32.msk $0xffff, v15  }
0x1ed: {  	v21 =	vld [tilespmem:$0x1FA70]  }
0x1ee: {  	v23 =	vadd.bf16 v31, v23;
	v31 =	vmul.bf16 v55, v50;
	_ =	sdelay $0x1  }
0x1ef: {  	v26 =	vmul.bf16 v27, v49;
	v5 =	vadd.bf16 v31, v5;
	_ =	sdelay $0x1  }
0x1f0: {  	v5 =	vadd.bf16 v26, v5;
	v17 =	vmul.bf16 v62, v50;
	_ =	sdelay $0x1  }
0x1f1: {  	v37 =	vld [tilespmem:$0x1FB40];
	v9 =	vmul.bf16 v9, v49;
	v17 =	vadd.bf16 v17, v25;
	v15 =	vshll.u32 v5, $0x10  }
0x1f2: {  	[tilespmem:v21+s16+$0x0] =	vst.idx.add.f32.msk $0xffff, v15;
	v15 =	vmul.bf16 v53, v50  }
0x1f3: {  	v9 =	vadd.bf16 v9, v17;
	v17 =	vld [tilespmem:$0x1FA80]  }
0x1f4: {  	v7 =	vadd.bf16 v15, v7;
	v15 =	vld [tilespmem:$0x1FA90]  }
0x1f5: {  	v44 =	vld [tilespmem:$0x1F950];
	v0 =	vmul.bf16 v0, v50  }
0x1f6: {  	v47 =	vld [tilespmem:$0x1FAB0]  }
0x1f7: {  	v0 =	vadd.bf16 v0, v20;
	v20 =	vld [tilespmem:$0x1FF50];
	v24 =	vmul.bf16 v30, v49  }
0x1f8: {  	v43 =	vld [tilespmem:$0x1F980]  }
0x1f9: {  	v39 =	vld [tilespmem:$0x1FB50];
	v6 =	vadd.bf16 v24, v6  }
0x1fa: {  	v58 =	vmul.bf16 v59, v49;
	v59 =	vld [tilespmem:$0x1FB00];
	v5 =	vand.u32 $0xFFFF0000, v5  }
0x1fb: {  	v35 =	vmul.bf16 v44, v57;
	v44 =	vshll.u32 v6, $0x10;
	[tilespmem:v17+s16+$0x0] =	vst.idx.add.f32.msk $0xffff, v5  }
0x1fc: {  	[tilespmem:v15+s16+$0x0] =	vst.idx.add.f32.msk $0xffff, v44  }
0x1fd: {  	v2 =	vmul.bf16 v2, v50;
	v45 =	vmul.bf16 v54, v50;
	v15 =	vld [tilespmem:$0x1FAA0]  }
0x1fe: {  	v54 =	vmul.bf16 v61, v50;
	v61 =	vld [tilespmem:$0x1FB10];
	v4 =	vmul.bf16 v43, v50  }
0x1ff: {  	v55 =	vmul.bf16 v34, v49;
	v34 =	vld [tilespmem:$0x1FB30]  }
0x200: {  	v13 =	vmul.bf16 v13, v49;
	v2 =	vadd.bf16 v2, v22;
	v22 =	vld [tilespmem:$0x1FF70];
	v4 =	vadd.bf16 v4, v28  }
0x201: {  	v1 =	vmul.bf16 v1, v50;
	v41 =	vmul.bf16 v29, v49;
	v29 =	vld [tilespmem:$0x1FFE0]  }
0x202: {  	v31 =	vld [tilespmem:$0x1FFF0];
	v4 =	vadd.bf16 v13, v4;
	v13 =	vmul.bf16 v32, v49  }
0x203: {  	v1 =	vadd.bf16 v1, v23;
	v23 =	vld [tilespmem:$0x1FF80]  }
0x204: {  	v48 =	vmul.bf16 v60, v50;
	v6 =	vand.u32 $0xFFFF0000, v6;
	v7 =	vadd.bf16 v13, v7;
	v13 =	vld [tilespmem:$0x1FAC0]  }
0x205: {  	[tilespmem:v15+s16+$0x0] =	vst.idx.add.f32.msk $0xffff, v6  }
0x206: {  	v6 =	vadd.bf16 v48, v12;
	v12 =	vld [tilespmem:$0x1FAD0]  }
0x207: {  	v26 =	vld [tilespmem:$0x1FFC0]  }
0x208: {  	v25 =	vld [tilespmem:$0x1FFB0]  }
0x209: {  	v24 =	vld [tilespmem:$0x1FFA0]  }
0x20a: {  	v28 =	vld [tilespmem:$0x1FFD0]  }
0x20b: {  	v46 =	vshll.u32 v9, $0x10;
	v32 =	vld [tilespmem:$0x1FB20]  }
0x20c: {  	v9 =	vand.u32 $0xFFFF0000, v9;
	[tilespmem:v47+s16+$0x0] =	vst.idx.add.f32.msk $0xffff, v46  }
0x20d: {  	v53 =	vshll.u32 v4, $0x10;
	[tilespmem:v13+s16+$0x0] =	vst.idx.add.f32.msk $0xffff, v9  }
0x20e: {  	[tilespmem:v12+s16+$0x0] =	vst.idx.add.f32.msk $0xffff, v53  }
0x20f: {  	v12 =	vld [tilespmem:$0x1FAE0]  }
0x210: {  	v42 =	vld [tilespmem:$0x1FB60]  }
0x211: {  	v11 =	vadd.bf16 v35, v11;
	v3 =	vmul.bf16 v3, v50;
	v21 =	vld [tilespmem:$0x1FF60]  }
0x212: {  	v36 =	vmul.bf16 v38, v49;
	v57 =	vmul.bf16 v10, v50;
	v50 =	vld [tilespmem:$0x1FBA0]  }
0x213: {  	v63 =	vmul.bf16 v40, v49;
	v5 =	vadd.bf16 v45, v11;
	v45 =	vmul.bf16 v16, v49;
	v16 =	vld [tilespmem:$0x1FF20]  }
0x214: {  	v52 =	vmul.bf16 v52, v49;
	v49 =	vmul.bf16 v14, v49;
	v14 =	vld [tilespmem:$0x1FF10]  }
0x215: {  	v44 =	vld [tilespmem:$0x1FB70]  }
0x216: {  	v4 =	vand.u32 $0xFFFF0000, v4;
	v48 =	vld [tilespmem:$0x1FB90]  }
0x217: {  	[tilespmem:v12+s16+$0x0] =	vst.idx.add.f32.msk $0xffff, v4  }
0x218: {  	v12 =	vld [tilespmem:$0x1FAF0]  }
0x219: {  	v46 =	vld [tilespmem:$0x1FB80]  }
0x21a: {  	v9 =	vadd.bf16 v54, v18;
	v18 =	vld [tilespmem:$0x1FF30]  }
0x21b: {  	v6 =	vadd.bf16 v55, v6;
	v55 =	vld [tilespmem:$0x1FBC0]  }
0x21c: {  	v53 =	vld [tilespmem:$0x1FBB0]  }
0x21d: {  	v4 =	vadd.bf16 v57, v19;
	v19 =	vld [tilespmem:$0x1FF40]  }
0x21e: {  	v57 =	vld [tilespmem:$0x1FBD0]  }
0x21f: {  	v56 =	vshll.u32 v7, $0x10;
	v4 =	vadd.bf16 v63, v4;
	v63 =	vld [tilespmem:$0x1FC00]  }
0x220: {  	v5 =	vadd.bf16 v52, v5;
	v7 =	vand.u32 $0xFFFF0000, v7;
	[tilespmem:v12+s16+$0x0] =	vst.idx.add.f32.msk $0xffff, v56  }
0x221: {  	[tilespmem:v59+s16+$0x0] =	vst.idx.add.f32.msk $0xffff, v7  }
0x222: {  	v60 =	vshll.u32 v5, $0x10;
	v59 =	vld [tilespmem:$0x1FBE0]  }
0x223: {  	[tilespmem:v61+s16+$0x0] =	vst.idx.add.f32.msk $0xffff, v60  }
0x224: {  	v5 =	vand.u32 $0xFFFF0000, v5;
	v61 =	vld [tilespmem:$0x1FBF0]  }
0x225: {  	v62 =	vadd.bf16 v58, v9;
	v33 =	vshll.u32 v6, $0x10;
	[tilespmem:v32+s16+$0x0] =	vst.idx.add.f32.msk $0xffff, v5  }
0x226: {  	v35 =	vand.u32 $0xFFFF0000, v6;
	[tilespmem:v34+s16+$0x0] =	vst.idx.add.f32.msk $0xffff, v33  }
0x227: {  	v38 =	vshll.u32 v62, $0x10;
	[tilespmem:v37+s16+$0x0] =	vst.idx.add.f32.msk $0xffff, v35  }
0x228: {  	v40 =	vand.u32 $0xFFFF0000, v62;
	[tilespmem:v39+s16+$0x0] =	vst.idx.add.f32.msk $0xffff, v38  }
0x229: {  	v0 =	vadd.bf16 v36, v0;
	v3 =	vadd.bf16 v3, v8;
	v43 =	vshll.u32 v4, $0x10;
	[tilespmem:v42+s16+$0x0] =	vst.idx.add.f32.msk $0xffff, v40  }
0x22a: {  	v4 =	vand.u32 $0xFFFF0000, v4;
	[tilespmem:v44+s16+$0x0] =	vst.idx.add.f32.msk $0xffff, v43  }
0x22b: {  	v3 =	vadd.bf16 v41, v3;
	v47 =	vshll.u32 v0, $0x10;
	[tilespmem:v46+s16+$0x0] =	vst.idx.add.f32.msk $0xffff, v4  }
0x22c: {  	v0 =	vand.u32 $0xFFFF0000, v0;
	[tilespmem:v48+s16+$0x0] =	vst.idx.add.f32.msk $0xffff, v47  }
0x22d: {  	v2 =	vadd.bf16 v45, v2;
	v52 =	vshll.u32 v3, $0x10;
	[tilespmem:v50+s16+$0x0] =	vst.idx.add.f32.msk $0xffff, v0  }
0x22e: {  	p0 =	sne.s32 s21, $0x38;
	v54 =	vand.u32 $0xFFFF0000, v3;
	[tilespmem:v53+s16+$0x0] =	vst.idx.add.f32.msk $0xffff, v52  }
.Ltmp0:
0x22f: {  	v1 =	vadd.bf16 v49, v1;
	v56 =	vshll.u32 v2, $0x10;
	[tilespmem:v55+s16+$0x0] =	vst.idx.add.f32.msk $0xffff, v54;
	(pc) =	sbr.rel @p0 .LBB2_4-.Ltmp0, $4  }
0x230: {  	v58 =	vand.u32 $0xFFFF0000, v2;
	[tilespmem:v57+s16+$0x0] =	vst.idx.add.f32.msk $0xffff, v56  }
0x231: {  	v60 =	vshll.u32 v1, $0x10;
	[tilespmem:v59+s16+$0x0] =	vst.idx.add.f32.msk $0xffff, v58  }
0x232: {  	v62 =	vand.u32 $0xFFFF0000, v1;
	[tilespmem:v61+s16+$0x0] =	vst.idx.add.f32.msk $0xffff, v60  }
0x233: {  	s21 =	sadd.s32 $0x8, s21;
	[tilespmem:v63+s16+$0x0] =	vst.idx.add.f32.msk $0xffff, v62  }
0x234: {  	s20 =	sadd.s32 $0x1, s20  }
0x235: {  	p0 =	sne.s32 s20, $0xA  }
.Ltmp1:
0x236: {  	_ = 	snop;
	(pc) =	sbr.rel @p0 .LBB2_3-.Ltmp1, $2  }
0x237: {  	_ =	sdelay $0x2  }
0x238: {  	v0 =	vlaneseq.u32  }
0x239: {  	s19 =	sshll.u32 s19, $0x7  }
0x23a: {  	s18 =	sadd.s32 $0x1, s18;
	s19 =	sadd.s32 s19, s9  }
0x23b: {  	p0 =	sne.s32 s18, $0x11;
	s19 =	sshrl.u32 s19, $0x3  }
.Ltmp2:
0x23c: {  	s19 =	sadd.s32 s5, s19;
	(pc) =	sbr.rel @p0 .LBB2_2-.Ltmp2, $4  }
0x23d: {  	[hbm4b:s19+s1] =	stream.linear.scatter [tilespmem:s16], [sflag:$0x1], $0x5000, $0x38;
	[tilespmem:$0x1F400] =	vst v63  }
0x23e: {  	_ =	swait.ge [sflag:s13], $0x5000  }
0x23f: {  	[sflag:s13] =	ssyncset.done $0x0  }
0x240: {  	[sflag:s13] =	ssyncadd.s32 $0xFFFFB000  }
0x241: {  	s17 =	sadd.s32 $0x1, s17  }
0x242: {  	p0 =	sne.s32 s17, s10  }
.Ltmp3:
0x243: {  	_ = 	snop;
	(pc) =	sbr.rel @p0 .LBB2_1-.Ltmp3, $1  }
0x244: {  	_ =	sdelay $0x3  }
0x245: {  	_ =	sfence.sel $0x180000  }
0x246: {  	[bflag:$0x0] =	sbarrier.arrive $0xFFFF  }
0x247: {  	p0 =	sne.s32 s3, $0x0;
	_ =	strace $0x90000047  }
0x248: {  	s0 =	sadd.s32 @!p0 $0x100000, s0;
	[bflag:$0x2] =	sbarrier.arrive $0xFFFF  }
0x249: {  	[sflag:s0] =	ssyncadd.tile.s32 @!p0 $0x1;
	_ =	shalt  }
.Lfunc_end2:
_tile_overlayer_lowered:
.L_overlay_start_2:
0x24a: {  	(tag) =	ssettag $0x2  }
0x24b: {  	s0 =	rddreg [dreg:$0x0];
	s2 =	stileid.u32  }
0x24c: {  	s1 =	rddreg [dreg:$0x1];
	p0 =	sne.s32 s2, $0x0  }
0x24d: {  	s3 =	rddreg [dreg:$0x2];
	[bflag:$0x3] =	sbarrier.arrive $0xFFFF;
	s2 =	simm.s32 @!p0 $0x1C01  }
0x24e: {  	[timem:s3], [sflag:s2] =	dma.local @!p0 [hbm:s0], s1  }
0x24f: {  	s0 =	simm.s32 @!p0 $0x1  }
0x250: {  	_ =	swait.ge @!p0 [sflag:s0], s1  }
0x251: {  	s1 =	ssub.s32 @!p0 $0x0, s1;
	[sflag:s0] =	ssyncset.done @!p0 $0x0  }
0x252: {  	[sflag:s0] =	ssyncadd.s32 @!p0 s1  }
0x253: {  	[bflag:$0x3] =	sbarrier.arrive $0xFFFF  }
0x254: {  	_ =	shalt  }

</sc_bundles>
